<compile_context>
chip_gen: v7x
topology: tpu7x:2x2x1
jax: 0.10.2.dev20260603
libtpu: 0.0.44.dev20260713+nightly
codegen_flags: <defaults>
</compile_context>

<pallas_src>
import functools

import jax
import jax.numpy as jnp
from jax import lax
from jax.experimental import pallas as pl
from jax.experimental.pallas import tpu as pltpu
from jax.experimental.pallas import tpu_sc as plsc

N = 10000
E = 160000
NS = 16
BB = 64
NB_E = 160
EPAD = NS * NB_E * BB
ACC_N = 10112
ZROWS = ACC_N // NS
DROWS = 640

_mesh = plsc.VectorSubcoreMesh(core_axis_name="c", subcore_axis_name="s")


NSLOT = 4
PREF = 2
LOOK = 2
CH = 32
NGR = NB_E // CH



def _sc_scratch():
    return [
        pltpu.VMEM((2, CH, BB), jnp.int32),
        pltpu.VMEM((2, CH, BB), jnp.int32),
        pltpu.VMEM((NSLOT, BB, 128), jnp.float32),
        pltpu.VMEM_SHARED((ACC_N, 128), jnp.float32),
        pltpu.SemaphoreType.DMA,
        pltpu.SemaphoreType.DMA,
    ]


def _zero_acc(zeros_hbm, acc, t):
    pltpu.sync_copy(zeros_hbm.at[pl.ds(t * ZROWS, ZROWS)],
                    acc.at[pl.ds(t * ZROWS, ZROWS)])


def _agg(table, sidx_hbm, didx_hbm, acc, idx_s, idx_d, buf, sem_g, sem_s, c, t):
    def stage(g, p):
        pltpu.sync_copy(
            sidx_hbm.at[pl.ds(c * (NS * NB_E) + t * NB_E + g * CH, CH)],
            idx_s.at[p])
        pltpu.sync_copy(didx_hbm.at[pl.ds(t * NB_E + g * CH, CH)], idx_d.at[p])

    def gather(j):
        p = lax.rem(lax.div(j, CH), 2)
        k = lax.rem(j, CH)
        pltpu.async_copy(table.at[idx_s.at[p, k]], buf.at[lax.rem(j, NSLOT)],
                         sem_g)

    def wait_gather(j):
        p = lax.rem(lax.div(j, CH), 2)
        k = lax.rem(j, CH)
        pltpu.make_async_copy(table.at[idx_s.at[p, k]],
                              buf.at[lax.rem(j, NSLOT)], sem_g).wait()

    def scatter(j):
        p = lax.rem(lax.div(j, CH), 2)
        k = lax.rem(j, CH)
        pltpu.async_copy(buf.at[lax.rem(j, NSLOT)], acc.at[idx_d.at[p, k]],
                         sem_s, add=True)

    def wait_scatter():
        pltpu.make_async_copy(table.at[pl.ds(0, BB)], buf.at[0], sem_s).wait()

    stage(jnp.int32(0), jnp.int32(0))
    for j in range(PREF):
        gather(jnp.int32(j))

    def body(j, carry):
        @pl.when(lax.rem(j, CH) == 0)
        def _():
            g = lax.div(j, CH)

            @pl.when(g + 1 < NGR)
            def _():
                stage(g + 1, lax.rem(g + 1, 2))

        wait_gather(j)
        scatter(j)

        @pl.when(j >= LOOK)
        def _():
            wait_scatter()

        @pl.when(j + PREF < NB_E)
        def _():
            gather(j + PREF)

        return carry

    lax.fori_loop(0, NB_E, body, 0)
    for _ in range(LOOK):
        wait_scatter()


def _dump(acc, out_hbm, c, t):
    @pl.when(t < NS - 1)
    def _():
        pltpu.sync_copy(acc.at[pl.ds(t * DROWS, DROWS)],
                        out_hbm.at[pl.ds(c * N + t * DROWS, DROWS)])

    @pl.when(t == NS - 1)
    def _():
        last = (NS - 1) * DROWS
        pltpu.sync_copy(acc.at[pl.ds(last, N - last)],
                        out_hbm.at[pl.ds(c * N + last, N - last)])


@functools.partial(
    pl.kernel,
    out_type=[jax.ShapeDtypeStruct((2 * N, 128), jnp.float32)] * 2,
    mesh=_mesh,
    scratch_types=_sc_scratch(),
)
def _k1_aggregate(x2, s1k, d1k, s2k, d2k, zeros, a1, a2,
                  idx_s, idx_d, buf, acc, sem_g, sem_s):
    c = lax.axis_index("c")
    t = lax.axis_index("s")
    _zero_acc(zeros, acc, t)
    plsc.subcore_barrier()
    _agg(x2, s1k, d1k, acc, idx_s, idx_d, buf, sem_g, sem_s, c, t)
    plsc.subcore_barrier()
    _dump(acc, a1, c, t)
    plsc.subcore_barrier()
    _zero_acc(zeros, acc, t)
    plsc.subcore_barrier()
    _agg(x2, s2k, d2k, acc, idx_s, idx_d, buf, sem_g, sem_s, c, t)
    plsc.subcore_barrier()
    _dump(acc, a2, c, t)


@functools.partial(
    pl.kernel,
    out_type=jax.ShapeDtypeStruct((2 * N, 128), jnp.float32),
    mesh=_mesh,
    scratch_types=_sc_scratch(),
)
def _k3_aggregate(t1, t2, s1k, d1k, s2k, d2k, zeros, h2,
                  idx_s, idx_d, buf, acc, sem_g, sem_s):
    c = lax.axis_index("c")
    t = lax.axis_index("s")
    _zero_acc(zeros, acc, t)
    plsc.subcore_barrier()
    _agg(t1, s1k, d1k, acc, idx_s, idx_d, buf, sem_g, sem_s, c, t)
    _agg(t2, s2k, d2k, acc, idx_s, idx_d, buf, sem_g, sem_s, c, t)
    plsc.subcore_barrier()
    _dump(acc, h2, c, t)


BLK = 2000


def _k2_body(a1l, a1h, a2l, a2h, w1a, w1b, w2a, w2b, t1, t2):
    f32 = jnp.float32
    h = jnp.dot(a1l[...], w1a[0:128, :], preferred_element_type=f32)
    h += jnp.dot(a1h[...], w1a[128:256, :], preferred_element_type=f32)
    h += jnp.dot(a2l[...], w1b[0:128, :], preferred_element_type=f32)
    h += jnp.dot(a2h[...], w1b[128:256, :], preferred_element_type=f32)
    h = jnp.maximum(h, 0.0)
    r1 = jnp.dot(h, w2a[...], preferred_element_type=f32)
    r2 = jnp.dot(h, w2b[...], preferred_element_type=f32)
    t1[...] = jnp.stack([r1[:, 0:128], r1[:, 128:256]], axis=1)
    t2[...] = jnp.stack([r2[:, 0:128], r2[:, 128:256]], axis=1)


_k2_transform = pl.pallas_call(
    _k2_body,
    grid=(N // BLK,),
    in_specs=[
        pl.BlockSpec((BLK, 128), lambda i: (i, 0)),
        pl.BlockSpec((BLK, 128), lambda i: (N // BLK + i, 0)),
        pl.BlockSpec((BLK, 128), lambda i: (i, 0)),
        pl.BlockSpec((BLK, 128), lambda i: (N // BLK + i, 0)),
        pl.BlockSpec((256, 512), lambda i: (0, 0)),
        pl.BlockSpec((256, 512), lambda i: (0, 0)),
        pl.BlockSpec((512, 256), lambda i: (0, 0)),
        pl.BlockSpec((512, 256), lambda i: (0, 0)),
    ],
    out_specs=[pl.BlockSpec((BLK, 2, 128), lambda i: (i, 0, 0))] * 2,
    out_shape=[jax.ShapeDtypeStruct((N, 2, 128), jnp.float32)] * 2,
)


def _k4_body(lo, hi, out):
    i = pl.program_id(0)

    @pl.when(i == 0)
    def _():
        out[...] = jnp.zeros_like(out)

    slo = jnp.sum(jnp.maximum(lo[...], 0.0), axis=0)
    shi = jnp.sum(jnp.maximum(hi[...], 0.0), axis=0)
    out[...] += jnp.concatenate([slo, shi])[None, :] * (1.0 / N)


_k4_pool = pl.pallas_call(
    _k4_body,
    grid=(N // BLK,),
    in_specs=[
        pl.BlockSpec((BLK, 128), lambda i: (i, 0)),
        pl.BlockSpec((BLK, 128), lambda i: (N // BLK + i, 0)),
    ],
    out_specs=pl.BlockSpec((1, 256), lambda i: (0, 0)),
    out_shape=jax.ShapeDtypeStruct((1, 256), jnp.float32),
)


def _mk_src(s):
    sp = jnp.concatenate([s, jnp.zeros((EPAD - E,), jnp.int32)])
    return jnp.concatenate([2 * sp, 2 * sp + 1]).reshape(2 * NS * NB_E, BB)


def _mk_dst(d):
    dp = jnp.concatenate([d, jnp.full((EPAD - E,), N, jnp.int32)])
    return dp.reshape(NS * NB_E, BB)


def kernel(inputs, adj_1_edge_index, adj_2_edge_index, W1_r1, W1_r2, W2_r1, W2_r2):
    x2 = inputs.reshape(2 * N, 128)
    e1 = adj_1_edge_index.astype(jnp.int32)
    e2 = adj_2_edge_index.astype(jnp.int32)
    s1k, d1k = _mk_src(e1[0]), _mk_dst(e1[1])
    s2k, d2k = _mk_src(e2[0]), _mk_dst(e2[1])
    zeros = jnp.zeros((ACC_N, 128), jnp.float32)

    a1, a2 = _k1_aggregate(x2, s1k, d1k, s2k, d2k, zeros)
    t1, t2 = _k2_transform(a1, a1, a2, a2, W1_r1, W1_r2, W2_r1, W2_r2)
    h2 = _k3_aggregate(t1.reshape(2 * N, 128), t2.reshape(2 * N, 128),
                       s1k, d1k, s2k, d2k, zeros)
    return _k4_pool(h2, h2)

# --- scband reference (transcript-rebuilt; emitter-appended) ---
"""Pipeline reference for scband-rgcn-37014028157507 (READ-ONLY COPY).

The authoritative reference and input builder live on the scoring server;
editing this copy changes nothing except your own understanding.
"""

import jax, jax.numpy as jnp
import numpy as np

N_NODES = 10000
N_EDGES = 160000
D_IN = 256
HIDDEN1 = 512
HIDDEN2 = 256

def setup_inputs(seed: int = 0) -> dict:
    key = jax.random.key(seed)
    k1, k2, k3, k4, k5, k6, k7 = jax.random.split(key, 7)
    inputs = jax.random.normal(k1, (N_NODES, D_IN), dtype=jnp.float32)
    adj_1_edge_index = jax.random.randint(k2, (2, N_EDGES), 0, N_NODES, dtype=jnp.int64)
    adj_2_edge_index = jax.random.randint(k3, (2, N_EDGES), 0, N_NODES, dtype=jnp.int64)
    s1 = 1.0 / np.sqrt(D_IN)
    s2 = 1.0 / np.sqrt(HIDDEN1)
    W1_r1 = jax.random.uniform(k4, (D_IN, HIDDEN1), dtype=jnp.float32, minval=-s1, maxval=s1)
    W1_r2 = jax.random.uniform(k5, (D_IN, HIDDEN1), dtype=jnp.float32, minval=-s1, maxval=s1)
    W2_r1 = jax.random.uniform(k6, (HIDDEN1, HIDDEN2), dtype=jnp.float32, minval=-s2, maxval=s2)
    W2_r2 = jax.random.uniform(k7, (HIDDEN1, HIDDEN2), dtype=jnp.float32, minval=-s2, maxval=s2)
    return {"inputs": inputs, "adj_1_edge_index": adj_1_edge_index, "adj_2_edge_index": adj_2_edge_index,
            "W1_r1": W1_r1, "W1_r2": W1_r2, "W2_r1": W2_r1, "W2_r2": W2_r2}

def _rel_layer(x, ei1, ei2, Wa, Wb, n_nodes):
    # relational graph convolution: sum_r A_r @ (x @ W_r), then ReLU
    m1 = (x @ Wa)[ei1[0]]
    h = jax.ops.segment_sum(m1, ei1[1], num_segments=n_nodes)
    m2 = (x @ Wb)[ei2[0]]
    h = h + jax.ops.segment_sum(m2, ei2[1], num_segments=n_nodes)
    return jax.nn.relu(h)

def reference(inputs, adj_1_edge_index, adj_2_edge_index, W1_r1, W1_r2, W2_r1, W2_r2):
    n = inputs.shape[0]
    hidden1 = _rel_layer(inputs, adj_1_edge_index, adj_2_edge_index, W1_r1, W1_r2, n)
    hidden2 = _rel_layer(hidden1, adj_1_edge_index, adj_2_edge_index, W2_r1, W2_r2, n)
    outputs = jnp.mean(hidden2, axis=0, keepdims=True)
    return outputs

if __name__ == "__main__":
    import jax
    _d = setup_inputs()
    print(jax.jit(kernel)(*tuple(_d.values())))

</pallas_src>

<mosaic_0001>
#map = affine_map<(d0, d1) -> (0, 0)>
module attributes {stable_mosaic.version = 14 : i64} {
  func.func @_k1_aggregate(%arg0: i32, %arg1: i32, %arg2: memref<20000x128xf32, #tpu.memory_space<hbm>>, %arg3: memref<5120x64xi32, #tpu.memory_space<hbm>>, %arg4: memref<2560x64xi32, #tpu.memory_space<hbm>>, %arg5: memref<5120x64xi32, #tpu.memory_space<hbm>>, %arg6: memref<2560x64xi32, #tpu.memory_space<hbm>>, %arg7: memref<10112x128xf32, #tpu.memory_space<hbm>>, %arg8: memref<20000x128xf32, #tpu.memory_space<hbm>>, %arg9: memref<20000x128xf32, #tpu.memory_space<hbm>>, %arg10: memref<2x32x64xi32, #tpu.memory_space<vmem>>, %arg11: memref<2x32x64xi32, #tpu.memory_space<vmem>>, %arg12: memref<4x64x128xf32, #tpu.memory_space<vmem>>, %arg13: memref<10112x128xf32, #tpu.memory_space<vmem_shared>>, %arg14: memref<!tpu.dma_semaphore, #tpu.memory_space<semaphore_mem>>, %arg15: memref<!tpu.dma_semaphore, #tpu.memory_space<semaphore_mem>>) attributes {dimension_semantics = [#tpu.dimension_semantics<core_parallel>, #tpu.dimension_semantics<subcore_parallel>], iteration_bounds = array<i64: 2, 16>, scalar_prefetch = 0 : i64, scratch_operands = 6 : i64, tpu.core_type = #tpu.core_type<sc_vector_subcore>, window_params = [{transform_indices = #map}, {transform_indices = #map}, {transform_indices = #map}, {transform_indices = #map}, {transform_indices = #map}, {transform_indices = #map}, {transform_indices = #map}, {transform_indices = #map}]} {
    %mul3A = arith.constant 632 : i32
    %mul3A_0 = arith.muli %arg1, %mul3A : i32
    %mul3A_1 = arith.constant 632 : i32
    %mul3A_2 = arith.muli %arg1, %mul3A_1 : i32
    "tpu.region"() ({
      %run_scoped3A_210 = tpu.sem_alloc : memref<!tpu.dma_semaphore, #tpu.memory_space<semaphore_mem>>
      %dma_start3A_211 = arith.constant 0 : i32
      %dma_start3A_212 = tpu.memref_slice %arg13[%mul3A_2, %dma_start3A_211] : memref<10112x128xf32, #tpu.memory_space<vmem_shared>> -> memref<632x128xf32, #tpu.memory_space<vmem_shared>>
      %dma_start3A_213 = arith.constant 0 : i32
      %dma_start3A_214 = tpu.memref_slice %arg7[%mul3A_0, %dma_start3A_213] : memref<10112x128xf32, #tpu.memory_space<hbm>> -> memref<632x128xf32, #tpu.memory_space<hbm>>
      tpu.enqueue_dma source(%dma_start3A_214 : memref<632x128xf32, #tpu.memory_space<hbm>>) target(%dma_start3A_212 : memref<632x128xf32, #tpu.memory_space<vmem_shared>>) target_semaphore(%run_scoped3A_210 : memref<!tpu.dma_semaphore, #tpu.memory_space<semaphore_mem>>)
      %dma_wait3A_215 = arith.constant 0 : i32
      %dma_wait3A_216 = tpu.memref_slice %arg13[%mul3A_2, %dma_wait3A_215] : memref<10112x128xf32, #tpu.memory_space<vmem_shared>> -> memref<632x128xf32, #tpu.memory_space<vmem_shared>>
      %dma_wait3A_217 = arith.constant 0 : i32
      %dma_wait3A_218 = tpu.memref_slice %arg7[%mul3A_0, %dma_wait3A_217] : memref<10112x128xf32, #tpu.memory_space<hbm>> -> memref<632x128xf32, #tpu.memory_space<hbm>>
      tpu.wait_dma2 semaphore(%run_scoped3A_210 : memref<!tpu.dma_semaphore, #tpu.memory_space<semaphore_mem>>) src(%dma_wait3A_218 : memref<632x128xf32, #tpu.memory_space<hbm>>) dst(%dma_wait3A_216 : memref<632x128xf32, #tpu.memory_space<vmem_shared>>)
      tpu.yield
    }) : () -> ()
    %barrier3A = arith.constant 0 : index
    tpu.barrier barrier_id(%barrier3A)
    %mul3A_3 = arith.constant 2560 : i32
    %mul3A_4 = arith.muli %arg0, %mul3A_3 : i32
    %mul3A_5 = arith.constant 160 : i32
    %mul3A_6 = arith.muli %arg1, %mul3A_5 : i32
    %add3A = arith.addi %mul3A_4, %mul3A_6 : i32
    %mul3A_7 = arith.constant 0 : i32
    %mul3A_8 = arith.constant 32 : i32
    %mul3A_9 = arith.muli %mul3A_7, %mul3A_8 : i32
    %add3A_10 = arith.addi %add3A, %mul3A_9 : i32
    %run_scoped3A = arith.constant 0 : i32
    "tpu.region"() ({
      %run_scoped3A_210 = tpu.sem_alloc : memref<!tpu.dma_semaphore, #tpu.memory_space<semaphore_mem>>
      %dma_start3A_211 = arith.constant 0 : i32
      %dma_start3A_212 = arith.constant 0 : i32
      %dma_start3A_213 = tpu.memref_slice %arg10[%run_scoped3A, %dma_start3A_211, %dma_start3A_212] : memref<2x32x64xi32, #tpu.memory_space<vmem>> -> memref<1x32x64xi32, #tpu.memory_space<vmem>>
      %dma_start3A_214 = tpu.memref_squeeze %dma_start3A_213 : memref<1x32x64xi32, #tpu.memory_space<vmem>> -> memref<32x64xi32, #tpu.memory_space<vmem>>
      %dma_start3A_215 = arith.constant 0 : i32
      %dma_start3A_216 = tpu.memref_slice %arg3[%add3A_10, %dma_start3A_215] : memref<5120x64xi32, #tpu.memory_space<hbm>> -> memref<32x64xi32, #tpu.memory_space<hbm>>
      %dma_start3A_217 = arith.constant 0 : i32
      %dma_start3A_218 = arith.constant 0 : i32
      %dma_start3A_219 = tpu.memref_slice %arg10[%run_scoped3A, %dma_start3A_217, %dma_start3A_218] : memref<2x32x64xi32, #tpu.memory_space<vmem>> -> memref<1x32x64xi32, #tpu.memory_space<vmem>>
      %dma_start3A_220 = tpu.memref_squeeze %dma_start3A_219 : memref<1x32x64xi32, #tpu.memory_space<vmem>> -> memref<32x64xi32, #tpu.memory_space<vmem>>
      %dma_start3A_221 = arith.constant 0 : i32
      %dma_start3A_222 = tpu.memref_slice %arg3[%add3A_10, %dma_start3A_221] : memref<5120x64xi32, #tpu.memory_space<hbm>> -> memref<32x64xi32, #tpu.memory_space<hbm>>
      tpu.enqueue_dma source(%dma_start3A_222 : memref<32x64xi32, #tpu.memory_space<hbm>>) target(%dma_start3A_220 : memref<32x64xi32, #tpu.memory_space<vmem>>) target_semaphore(%run_scoped3A_210 : memref<!tpu.dma_semaphore, #tpu.memory_space<semaphore_mem>>)
      %dma_wait3A_223 = arith.constant 0 : i32
      %dma_wait3A_224 = arith.constant 0 : i32
      %dma_wait3A_225 = tpu.memref_slice %arg10[%run_scoped3A, %dma_wait3A_223, %dma_wait3A_224] : memref<2x32x64xi32, #tpu.memory_space<vmem>> -> memref<1x32x64xi32, #tpu.memory_space<vmem>>
      %dma_wait3A_226 = tpu.memref_squeeze %dma_wait3A_225 : memref<1x32x64xi32, #tpu.memory_space<vmem>> -> memref<32x64xi32, #tpu.memory_space<vmem>>
      %dma_wait3A_227 = arith.constant 0 : i32
      %dma_wait3A_228 = tpu.memref_slice %arg3[%add3A_10, %dma_wait3A_227] : memref<5120x64xi32, #tpu.memory_space<hbm>> -> memref<32x64xi32, #tpu.memory_space<hbm>>
      %dma_wait3A_229 = arith.constant 0 : i32
      %dma_wait3A_230 = arith.constant 0 : i32
      %dma_wait3A_231 = tpu.memref_slice %arg10[%run_scoped3A, %dma_wait3A_229, %dma_wait3A_230] : memref<2x32x64xi32, #tpu.memory_space<vmem>> -> memref<1x32x64xi32, #tpu.memory_space<vmem>>
      %dma_wait3A_232 = tpu.memref_squeeze %dma_wait3A_231 : memref<1x32x64xi32, #tpu.memory_space<vmem>> -> memref<32x64xi32, #tpu.memory_space<vmem>>
      %dma_wait3A_233 = arith.constant 0 : i32
      %dma_wait3A_234 = tpu.memref_slice %arg3[%add3A_10, %dma_wait3A_233] : memref<5120x64xi32, #tpu.memory_space<hbm>> -> memref<32x64xi32, #tpu.memory_space<hbm>>
      tpu.wait_dma2 semaphore(%run_scoped3A_210 : memref<!tpu.dma_semaphore, #tpu.memory_space<semaphore_mem>>) src(%dma_wait3A_234 : memref<32x64xi32, #tpu.memory_space<hbm>>) dst(%dma_wait3A_232 : memref<32x64xi32, #tpu.memory_space<vmem>>)
      tpu.yield
    }) : () -> ()
    %mul3A_11 = arith.constant 160 : i32
    %mul3A_12 = arith.muli %arg1, %mul3A_11 : i32
    %mul3A_13 = arith.constant 0 : i32
    %mul3A_14 = arith.constant 32 : i32
    %mul3A_15 = arith.muli %mul3A_13, %mul3A_14 : i32
    %add3A_16 = arith.addi %mul3A_12, %mul3A_15 : i32
    %run_scoped3A_17 = arith.constant 0 : i32
    "tpu.region"() ({
      %run_scoped3A_210 = tpu.sem_alloc : memref<!tpu.dma_semaphore, #tpu.memory_space<semaphore_mem>>
      %dma_start3A_211 = arith.constant 0 : i32
      %dma_start3A_212 = arith.constant 0 : i32
      %dma_start3A_213 = tpu.memref_slice %arg11[%run_scoped3A_17, %dma_start3A_211, %dma_start3A_212] : memref<2x32x64xi32, #tpu.memory_space<vmem>> -> memref<1x32x64xi32, #tpu.memory_space<vmem>>
      %dma_start3A_214 = tpu.memref_squeeze %dma_start3A_213 : memref<1x32x64xi32, #tpu.memory_space<vmem>> -> memref<32x64xi32, #tpu.memory_space<vmem>>
      %dma_start3A_215 = arith.constant 0 : i32
      %dma_start3A_216 = tpu.memref_slice %arg4[%add3A_16, %dma_start3A_215] : memref<2560x64xi32, #tpu.memory_space<hbm>> -> memref<32x64xi32, #tpu.memory_space<hbm>>
      %dma_start3A_217 = arith.constant 0 : i32
      %dma_start3A_218 = arith.constant 0 : i32
      %dma_start3A_219 = tpu.memref_slice %arg11[%run_scoped3A_17, %dma_start3A_217, %dma_start3A_218] : memref<2x32x64xi32, #tpu.memory_space<vmem>> -> memref<1x32x64xi32, #tpu.memory_space<vmem>>
      %dma_start3A_220 = tpu.memref_squeeze %dma_start3A_219 : memref<1x32x64xi32, #tpu.memory_space<vmem>> -> memref<32x64xi32, #tpu.memory_space<vmem>>
      %dma_start3A_221 = arith.constant 0 : i32
      %dma_start3A_222 = tpu.memref_slice %arg4[%add3A_16, %dma_start3A_221] : memref<2560x64xi32, #tpu.memory_space<hbm>> -> memref<32x64xi32, #tpu.memory_space<hbm>>
      tpu.enqueue_dma source(%dma_start3A_222 : memref<32x64xi32, #tpu.memory_space<hbm>>) target(%dma_start3A_220 : memref<32x64xi32, #tpu.memory_space<vmem>>) target_semaphore(%run_scoped3A_210 : memref<!tpu.dma_semaphore, #tpu.memory_space<semaphore_mem>>)
      %dma_wait3A_223 = arith.constant 0 : i32
      %dma_wait3A_224 = arith.constant 0 : i32
      %dma_wait3A_225 = tpu.memref_slice %arg11[%run_scoped3A_17, %dma_wait3A_223, %dma_wait3A_224] : memref<2x32x64xi32, #tpu.memory_space<vmem>> -> memref<1x32x64xi32, #tpu.memory_space<vmem>>
      %dma_wait3A_226 = tpu.memref_squeeze %dma_wait3A_225 : memref<1x32x64xi32, #tpu.memory_space<vmem>> -> memref<32x64xi32, #tpu.memory_space<vmem>>
      %dma_wait3A_227 = arith.constant 0 : i32
      %dma_wait3A_228 = tpu.memref_slice %arg4[%add3A_16, %dma_wait3A_227] : memref<2560x64xi32, #tpu.memory_space<hbm>> -> memref<32x64xi32, #tpu.memory_space<hbm>>
      %dma_wait3A_229 = arith.constant 0 : i32
      %dma_wait3A_230 = arith.constant 0 : i32
      %dma_wait3A_231 = tpu.memref_slice %arg11[%run_scoped3A_17, %dma_wait3A_229, %dma_wait3A_230] : memref<2x32x64xi32, #tpu.memory_space<vmem>> -> memref<1x32x64xi32, #tpu.memory_space<vmem>>
      %dma_wait3A_232 = tpu.memref_squeeze %dma_wait3A_231 : memref<1x32x64xi32, #tpu.memory_space<vmem>> -> memref<32x64xi32, #tpu.memory_space<vmem>>
      %dma_wait3A_233 = arith.constant 0 : i32
      %dma_wait3A_234 = tpu.memref_slice %arg4[%add3A_16, %dma_wait3A_233] : memref<2560x64xi32, #tpu.memory_space<hbm>> -> memref<32x64xi32, #tpu.memory_space<hbm>>
      tpu.wait_dma2 semaphore(%run_scoped3A_210 : memref<!tpu.dma_semaphore, #tpu.memory_space<semaphore_mem>>) src(%dma_wait3A_234 : memref<32x64xi32, #tpu.memory_space<hbm>>) dst(%dma_wait3A_232 : memref<32x64xi32, #tpu.memory_space<vmem>>)
      tpu.yield
    }) : () -> ()
    %div3A = arith.constant 0 : i32
    %div3A_18 = arith.constant 32 : i32
    %div3A_19 = arith.divsi %div3A, %div3A_18 : i32
    %rem3A = arith.constant 2 : i32
    %rem3A_20 = arith.remsi %div3A_19, %rem3A : i32
    %rem3A_21 = arith.constant 0 : i32
    %rem3A_22 = arith.constant 32 : i32
    %rem3A_23 = arith.remsi %rem3A_21, %rem3A_22 : i32
    %rem3A_24 = arith.constant 0 : i32
    %rem3A_25 = arith.constant 4 : i32
    %rem3A_26 = arith.remsi %rem3A_24, %rem3A_25 : i32
    %dma_start3A = arith.constant 0 : i32
    %dma_start3A_27 = arith.constant 0 : i32
    %dma_start3A_28 = tpu.memref_slice %arg12[%rem3A_26, %dma_start3A, %dma_start3A_27] : memref<4x64x128xf32, #tpu.memory_space<vmem>> -> memref<1x64x128xf32, #tpu.memory_space<vmem>>
    %dma_start3A_29 = tpu.memref_squeeze %dma_start3A_28 : memref<1x64x128xf32, #tpu.memory_space<vmem>> -> memref<64x128xf32, #tpu.memory_space<vmem>>
    %dma_start3A_30 = arith.constant 0 : i32
    %dma_start3A_31 = tpu.memref_slice %arg10[%rem3A_20, %rem3A_23, %dma_start3A_30] : memref<2x32x64xi32, #tpu.memory_space<vmem>> -> memref<1x1x64xi32, #tpu.memory_space<vmem>>
    %dma_start3A_32 = tpu.memref_squeeze %dma_start3A_31 : memref<1x1x64xi32, #tpu.memory_space<vmem>> -> memref<64xi32, #tpu.memory_space<vmem>>
    %dma_start3A_33 = arith.constant 0 : i32
    %dma_start3A_34 = arith.constant 0 : i32
    %dma_start3A_35 = tpu.memref_slice %arg2[%dma_start3A_33, %dma_start3A_34] : memref<20000x128xf32, #tpu.memory_space<hbm>> -> memref<20000x128xf32, #tpu.memory_space<hbm>>
    tpu.enqueue_indirect_dma source(%dma_start3A_35 : memref<20000x128xf32, #tpu.memory_space<hbm>>) target(%dma_start3A_29 : memref<64x128xf32, #tpu.memory_space<vmem>>) offsets(%dma_start3A_32 : memref<64xi32, #tpu.memory_space<vmem>>) semaphore(%arg14 : memref<!tpu.dma_semaphore, #tpu.memory_space<semaphore_mem>>)
    %div3A_36 = arith.constant 1 : i32
    %div3A_37 = arith.constant 32 : i32
    %div3A_38 = arith.divsi %div3A_36, %div3A_37 : i32
    %rem3A_39 = arith.constant 2 : i32
    %rem3A_40 = arith.remsi %div3A_38, %rem3A_39 : i32
    %rem3A_41 = arith.constant 1 : i32
    %rem3A_42 = arith.constant 32 : i32
    %rem3A_43 = arith.remsi %rem3A_41, %rem3A_42 : i32
    %rem3A_44 = arith.constant 1 : i32
    %rem3A_45 = arith.constant 4 : i32
    %rem3A_46 = arith.remsi %rem3A_44, %rem3A_45 : i32
    %dma_start3A_47 = arith.constant 0 : i32
    %dma_start3A_48 = arith.constant 0 : i32
    %dma_start3A_49 = tpu.memref_slice %arg12[%rem3A_46, %dma_start3A_47, %dma_start3A_48] : memref<4x64x128xf32, #tpu.memory_space<vmem>> -> memref<1x64x128xf32, #tpu.memory_space<vmem>>
    %dma_start3A_50 = tpu.memref_squeeze %dma_start3A_49 : memref<1x64x128xf32, #tpu.memory_space<vmem>> -> memref<64x128xf32, #tpu.memory_space<vmem>>
    %dma_start3A_51 = arith.constant 0 : i32
    %dma_start3A_52 = tpu.memref_slice %arg10[%rem3A_40, %rem3A_43, %dma_start3A_51] : memref<2x32x64xi32, #tpu.memory_space<vmem>> -> memref<1x1x64xi32, #tpu.memory_space<vmem>>
    %dma_start3A_53 = tpu.memref_squeeze %dma_start3A_52 : memref<1x1x64xi32, #tpu.memory_space<vmem>> -> memref<64xi32, #tpu.memory_space<vmem>>
    %dma_start3A_54 = arith.constant 0 : i32
    %dma_start3A_55 = arith.constant 0 : i32
    %dma_start3A_56 = tpu.memref_slice %arg2[%dma_start3A_54, %dma_start3A_55] : memref<20000x128xf32, #tpu.memory_space<hbm>> -> memref<20000x128xf32, #tpu.memory_space<hbm>>
    tpu.enqueue_indirect_dma source(%dma_start3A_56 : memref<20000x128xf32, #tpu.memory_space<hbm>>) target(%dma_start3A_50 : memref<64x128xf32, #tpu.memory_space<vmem>>) offsets(%dma_start3A_53 : memref<64xi32, #tpu.memory_space<vmem>>) semaphore(%arg14 : memref<!tpu.dma_semaphore, #tpu.memory_space<semaphore_mem>>)
    %scan3A = arith.constant 0 : i32
    %scan3A_57 = arith.constant 0 : i32
    %scan3A_58 = arith.constant 160 : i32
    %scan3A_59 = arith.addi %scan3A_57, %scan3A_58 : i32
    %scan3A_60 = arith.constant 1 : i32
    scf.for %scan3A_210 = %scan3A_57 to %scan3A_59 step %scan3A_60  : i32 {
      %rem3A_211 = arith.constant 32 : i32
      %rem3A_212 = arith.remsi %scan3A_210, %rem3A_211 : i32
      %eq3A_213 = arith.constant 0 : i32
      %eq3A_214 = arith.cmpi eq, %rem3A_212, %eq3A_213 : i32
      %convert_element_type3A_215 = arith.extui %eq3A_214 : i1 to i32
      %cond3A_216 = arith.constant 0 : i32
      %cond3A_217 = arith.cmpi ne, %convert_element_type3A_215, %cond3A_216 : i32
      scf.if %cond3A_217 {
        %div3A_265 = arith.constant 32 : i32
        %div3A_266 = arith.divsi %scan3A_210, %div3A_265 : i32
        %add3A_267 = arith.constant 1 : i32
        %add3A_268 = arith.addi %div3A_266, %add3A_267 : i32
        %lt3A_269 = arith.constant 5 : i32
        %lt3A_270 = arith.cmpi slt, %add3A_268, %lt3A_269 : i32
        %convert_element_type3A_271 = arith.extui %lt3A_270 : i1 to i32
        %cond3A_272 = arith.constant 0 : i32
        %cond3A_273 = arith.cmpi ne, %convert_element_type3A_271, %cond3A_272 : i32
        scf.if %cond3A_273 {
          %add3A_274 = arith.constant 1 : i32
          %add3A_275 = arith.addi %div3A_266, %add3A_274 : i32
          %add3A_276 = arith.constant 1 : i32
          %add3A_277 = arith.addi %div3A_266, %add3A_276 : i32
          %rem3A_278 = arith.constant 2 : i32
          %rem3A_279 = arith.remsi %add3A_277, %rem3A_278 : i32
          %mul3A_280 = arith.constant 2560 : i32
          %mul3A_281 = arith.muli %arg0, %mul3A_280 : i32
          %mul3A_282 = arith.constant 160 : i32
          %mul3A_283 = arith.muli %arg1, %mul3A_282 : i32
          %add3A_284 = arith.addi %mul3A_281, %mul3A_283 : i32
          %mul3A_285 = arith.constant 32 : i32
          %mul3A_286 = arith.muli %add3A_275, %mul3A_285 : i32
          %add3A_287 = arith.addi %add3A_284, %mul3A_286 : i32
          "tpu.region"() ({
            %run_scoped3A_293 = tpu.sem_alloc : memref<!tpu.dma_semaphore, #tpu.memory_space<semaphore_mem>>
            %dma_start3A_294 = arith.constant 0 : i32
            %dma_start3A_295 = arith.constant 0 : i32
            %dma_start3A_296 = tpu.memref_slice %arg10[%rem3A_279, %dma_start3A_294, %dma_start3A_295] : memref<2x32x64xi32, #tpu.memory_space<vmem>> -> memref<1x32x64xi32, #tpu.memory_space<vmem>>
            %dma_start3A_297 = tpu.memref_squeeze %dma_start3A_296 : memref<1x32x64xi32, #tpu.memory_space<vmem>> -> memref<32x64xi32, #tpu.memory_space<vmem>>
            %dma_start3A_298 = arith.constant 0 : i32
            %dma_start3A_299 = tpu.memref_slice %arg3[%add3A_287, %dma_start3A_298] : memref<5120x64xi32, #tpu.memory_space<hbm>> -> memref<32x64xi32, #tpu.memory_space<hbm>>
            %dma_start3A_300 = arith.constant 0 : i32
            %dma_start3A_301 = arith.constant 0 : i32
            %dma_start3A_302 = tpu.memref_slice %arg10[%rem3A_279, %dma_start3A_300, %dma_start3A_301] : memref<2x32x64xi32, #tpu.memory_space<vmem>> -> memref<1x32x64xi32, #tpu.memory_space<vmem>>
            %dma_start3A_303 = tpu.memref_squeeze %dma_start3A_302 : memref<1x32x64xi32, #tpu.memory_space<vmem>> -> memref<32x64xi32, #tpu.memory_space<vmem>>
            %dma_start3A_304 = arith.constant 0 : i32
            %dma_start3A_305 = tpu.memref_slice %arg3[%add3A_287, %dma_start3A_304] : memref<5120x64xi32, #tpu.memory_space<hbm>> -> memref<32x64xi32, #tpu.memory_space<hbm>>
            tpu.enqueue_dma source(%dma_start3A_305 : memref<32x64xi32, #tpu.memory_space<hbm>>) target(%dma_start3A_303 : memref<32x64xi32, #tpu.memory_space<vmem>>) target_semaphore(%run_scoped3A_293 : memref<!tpu.dma_semaphore, #tpu.memory_space<semaphore_mem>>)
            %dma_wait3A_306 = arith.constant 0 : i32
            %dma_wait3A_307 = arith.constant 0 : i32
            %dma_wait3A_308 = tpu.memref_slice %arg10[%rem3A_279, %dma_wait3A_306, %dma_wait3A_307] : memref<2x32x64xi32, #tpu.memory_space<vmem>> -> memref<1x32x64xi32, #tpu.memory_space<vmem>>
            %dma_wait3A_309 = tpu.memref_squeeze %dma_wait3A_308 : memref<1x32x64xi32, #tpu.memory_space<vmem>> -> memref<32x64xi32, #tpu.memory_space<vmem>>
            %dma_wait3A_310 = arith.constant 0 : i32
            %dma_wait3A_311 = tpu.memref_slice %arg3[%add3A_287, %dma_wait3A_310] : memref<5120x64xi32, #tpu.memory_space<hbm>> -> memref<32x64xi32, #tpu.memory_space<hbm>>
            %dma_wait3A_312 = arith.constant 0 : i32
            %dma_wait3A_313 = arith.constant 0 : i32
            %dma_wait3A_314 = tpu.memref_slice %arg10[%rem3A_279, %dma_wait3A_312, %dma_wait3A_313] : memref<2x32x64xi32, #tpu.memory_space<vmem>> -> memref<1x32x64xi32, #tpu.memory_space<vmem>>
            %dma_wait3A_315 = tpu.memref_squeeze %dma_wait3A_314 : memref<1x32x64xi32, #tpu.memory_space<vmem>> -> memref<32x64xi32, #tpu.memory_space<vmem>>
            %dma_wait3A_316 = arith.constant 0 : i32
            %dma_wait3A_317 = tpu.memref_slice %arg3[%add3A_287, %dma_wait3A_316] : memref<5120x64xi32, #tpu.memory_space<hbm>> -> memref<32x64xi32, #tpu.memory_space<hbm>>
            tpu.wait_dma2 semaphore(%run_scoped3A_293 : memref<!tpu.dma_semaphore, #tpu.memory_space<semaphore_mem>>) src(%dma_wait3A_317 : memref<32x64xi32, #tpu.memory_space<hbm>>) dst(%dma_wait3A_315 : memref<32x64xi32, #tpu.memory_space<vmem>>)
            tpu.yield
          }) : () -> ()
          %mul3A_288 = arith.constant 160 : i32
          %mul3A_289 = arith.muli %arg1, %mul3A_288 : i32
          %mul3A_290 = arith.constant 32 : i32
          %mul3A_291 = arith.muli %add3A_275, %mul3A_290 : i32
          %add3A_292 = arith.addi %mul3A_289, %mul3A_291 : i32
          "tpu.region"() ({
            %run_scoped3A_293 = tpu.sem_alloc : memref<!tpu.dma_semaphore, #tpu.memory_space<semaphore_mem>>
            %dma_start3A_294 = arith.constant 0 : i32
            %dma_start3A_295 = arith.constant 0 : i32
            %dma_start3A_296 = tpu.memref_slice %arg11[%rem3A_279, %dma_start3A_294, %dma_start3A_295] : memref<2x32x64xi32, #tpu.memory_space<vmem>> -> memref<1x32x64xi32, #tpu.memory_space<vmem>>
            %dma_start3A_297 = tpu.memref_squeeze %dma_start3A_296 : memref<1x32x64xi32, #tpu.memory_space<vmem>> -> memref<32x64xi32, #tpu.memory_space<vmem>>
            %dma_start3A_298 = arith.constant 0 : i32
            %dma_start3A_299 = tpu.memref_slice %arg4[%add3A_292, %dma_start3A_298] : memref<2560x64xi32, #tpu.memory_space<hbm>> -> memref<32x64xi32, #tpu.memory_space<hbm>>
            %dma_start3A_300 = arith.constant 0 : i32
            %dma_start3A_301 = arith.constant 0 : i32
            %dma_start3A_302 = tpu.memref_slice %arg11[%rem3A_279, %dma_start3A_300, %dma_start3A_301] : memref<2x32x64xi32, #tpu.memory_space<vmem>> -> memref<1x32x64xi32, #tpu.memory_space<vmem>>
            %dma_start3A_303 = tpu.memref_squeeze %dma_start3A_302 : memref<1x32x64xi32, #tpu.memory_space<vmem>> -> memref<32x64xi32, #tpu.memory_space<vmem>>
            %dma_start3A_304 = arith.constant 0 : i32
            %dma_start3A_305 = tpu.memref_slice %arg4[%add3A_292, %dma_start3A_304] : memref<2560x64xi32, #tpu.memory_space<hbm>> -> memref<32x64xi32, #tpu.memory_space<hbm>>
            tpu.enqueue_dma source(%dma_start3A_305 : memref<32x64xi32, #tpu.memory_space<hbm>>) target(%dma_start3A_303 : memref<32x64xi32, #tpu.memory_space<vmem>>) target_semaphore(%run_scoped3A_293 : memref<!tpu.dma_semaphore, #tpu.memory_space<semaphore_mem>>)
            %dma_wait3A_306 = arith.constant 0 : i32
            %dma_wait3A_307 = arith.constant 0 : i32
            %dma_wait3A_308 = tpu.memref_slice %arg11[%rem3A_279, %dma_wait3A_306, %dma_wait3A_307] : memref<2x32x64xi32, #tpu.memory_space<vmem>> -> memref<1x32x64xi32, #tpu.memory_space<vmem>>
            %dma_wait3A_309 = tpu.memref_squeeze %dma_wait3A_308 : memref<1x32x64xi32, #tpu.memory_space<vmem>> -> memref<32x64xi32, #tpu.memory_space<vmem>>
            %dma_wait3A_310 = arith.constant 0 : i32
            %dma_wait3A_311 = tpu.memref_slice %arg4[%add3A_292, %dma_wait3A_310] : memref<2560x64xi32, #tpu.memory_space<hbm>> -> memref<32x64xi32, #tpu.memory_space<hbm>>
            %dma_wait3A_312 = arith.constant 0 : i32
            %dma_wait3A_313 = arith.constant 0 : i32
            %dma_wait3A_314 = tpu.memref_slice %arg11[%rem3A_279, %dma_wait3A_312, %dma_wait3A_313] : memref<2x32x64xi32, #tpu.memory_space<vmem>> -> memref<1x32x64xi32, #tpu.memory_space<vmem>>
            %dma_wait3A_315 = tpu.memref_squeeze %dma_wait3A_314 : memref<1x32x64xi32, #tpu.memory_space<vmem>> -> memref<32x64xi32, #tpu.memory_space<vmem>>
            %dma_wait3A_316 = arith.constant 0 : i32
            %dma_wait3A_317 = tpu.memref_slice %arg4[%add3A_292, %dma_wait3A_316] : memref<2560x64xi32, #tpu.memory_space<hbm>> -> memref<32x64xi32, #tpu.memory_space<hbm>>
            tpu.wait_dma2 semaphore(%run_scoped3A_293 : memref<!tpu.dma_semaphore, #tpu.memory_space<semaphore_mem>>) src(%dma_wait3A_317 : memref<32x64xi32, #tpu.memory_space<hbm>>) dst(%dma_wait3A_315 : memref<32x64xi32, #tpu.memory_space<vmem>>)
            tpu.yield
          }) : () -> ()
        } else {
        }
      } else {
      }
      %div3A_218 = arith.constant 32 : i32
      %div3A_219 = arith.divsi %scan3A_210, %div3A_218 : i32
      %rem3A_220 = arith.constant 2 : i32
      %rem3A_221 = arith.remsi %div3A_219, %rem3A_220 : i32
      %rem3A_222 = arith.constant 32 : i32
      %rem3A_223 = arith.remsi %scan3A_210, %rem3A_222 : i32
      %rem3A_224 = arith.constant 4 : i32
      %rem3A_225 = arith.remsi %scan3A_210, %rem3A_224 : i32
      %dma_wait3A_226 = arith.constant 0 : i32
      %dma_wait3A_227 = arith.constant 0 : i32
      %dma_wait3A_228 = tpu.memref_slice %arg12[%rem3A_225, %dma_wait3A_226, %dma_wait3A_227] : memref<4x64x128xf32, #tpu.memory_space<vmem>> -> memref<1x64x128xf32, #tpu.memory_space<vmem>>
      %dma_wait3A_229 = tpu.memref_squeeze %dma_wait3A_228 : memref<1x64x128xf32, #tpu.memory_space<vmem>> -> memref<64x128xf32, #tpu.memory_space<vmem>>
      %dma_wait3A_230 = arith.constant 0 : i32
      %dma_wait3A_231 = tpu.memref_slice %arg10[%rem3A_221, %rem3A_223, %dma_wait3A_230] : memref<2x32x64xi32, #tpu.memory_space<vmem>> -> memref<1x1x64xi32, #tpu.memory_space<vmem>>
      %dma_wait3A_232 = tpu.memref_squeeze %dma_wait3A_231 : memref<1x1x64xi32, #tpu.memory_space<vmem>> -> memref<64xi32, #tpu.memory_space<vmem>>
      %dma_wait3A_233 = arith.constant 0 : i32
      %dma_wait3A_234 = arith.constant 0 : i32
      %dma_wait3A_235 = tpu.memref_slice %arg2[%dma_wait3A_233, %dma_wait3A_234] : memref<20000x128xf32, #tpu.memory_space<hbm>> -> memref<20000x128xf32, #tpu.memory_space<hbm>>
      tpu.wait_indirect_dma semaphore(%arg14 : memref<!tpu.dma_semaphore, #tpu.memory_space<semaphore_mem>>) src(%dma_wait3A_235 : memref<20000x128xf32, #tpu.memory_space<hbm>>) dst(%dma_wait3A_229 : memref<64x128xf32, #tpu.memory_space<vmem>>)
      %div3A_236 = arith.constant 32 : i32
      %div3A_237 = arith.divsi %scan3A_210, %div3A_236 : i32
      %rem3A_238 = arith.constant 2 : i32
      %rem3A_239 = arith.remsi %div3A_237, %rem3A_238 : i32
      %rem3A_240 = arith.constant 32 : i32
      %rem3A_241 = arith.remsi %scan3A_210, %rem3A_240 : i32
      %rem3A_242 = arith.constant 4 : i32
      %rem3A_243 = arith.remsi %scan3A_210, %rem3A_242 : i32
      %dma_start3A_244 = arith.constant 0 : i32
      %dma_start3A_245 = arith.constant 0 : i32
      %dma_start3A_246 = tpu.memref_slice %arg12[%rem3A_243, %dma_start3A_244, %dma_start3A_245] : memref<4x64x128xf32, #tpu.memory_space<vmem>> -> memref<1x64x128xf32, #tpu.memory_space<vmem>>
      %dma_start3A_247 = tpu.memref_squeeze %dma_start3A_246 : memref<1x64x128xf32, #tpu.memory_space<vmem>> -> memref<64x128xf32, #tpu.memory_space<vmem>>
      %dma_start3A_248 = arith.constant 0 : i32
      %dma_start3A_249 = tpu.memref_slice %arg11[%rem3A_239, %rem3A_241, %dma_start3A_248] : memref<2x32x64xi32, #tpu.memory_space<vmem>> -> memref<1x1x64xi32, #tpu.memory_space<vmem>>
      %dma_start3A_250 = tpu.memref_squeeze %dma_start3A_249 : memref<1x1x64xi32, #tpu.memory_space<vmem>> -> memref<64xi32, #tpu.memory_space<vmem>>
      %dma_start3A_251 = arith.constant 0 : i32
      %dma_start3A_252 = arith.constant 0 : i32
      %dma_start3A_253 = tpu.memref_slice %arg13[%dma_start3A_251, %dma_start3A_252] : memref<10112x128xf32, #tpu.memory_space<vmem_shared>> -> memref<10112x128xf32, #tpu.memory_space<vmem_shared>>
      tpu.enqueue_indirect_dma source(%dma_start3A_247 : memref<64x128xf32, #tpu.memory_space<vmem>>) target(%dma_start3A_253 : memref<10112x128xf32, #tpu.memory_space<vmem_shared>>) offsets(%dma_start3A_250 : memref<64xi32, #tpu.memory_space<vmem>>) semaphore(%arg15 : memref<!tpu.dma_semaphore, #tpu.memory_space<semaphore_mem>>) {add = true}
      %ge3A = arith.constant 2 : i32
      %ge3A_254 = arith.cmpi sge, %scan3A_210, %ge3A : i32
      %convert_element_type3A_255 = arith.extui %ge3A_254 : i1 to i32
      %cond3A_256 = arith.constant 0 : i32
      %cond3A_257 = arith.cmpi ne, %convert_element_type3A_255, %cond3A_256 : i32
      scf.if %cond3A_257 {
        %dma_wait3A_265 = arith.constant 0 : i32
        %dma_wait3A_266 = arith.constant 0 : i32
        %dma_wait3A_267 = arith.constant 0 : i32
        %dma_wait3A_268 = tpu.memref_slice %arg12[%dma_wait3A_265, %dma_wait3A_266, %dma_wait3A_267] : memref<4x64x128xf32, #tpu.memory_space<vmem>> -> memref<1x64x128xf32, #tpu.memory_space<vmem>>
        %dma_wait3A_269 = tpu.memref_squeeze %dma_wait3A_268 : memref<1x64x128xf32, #tpu.memory_space<vmem>> -> memref<64x128xf32, #tpu.memory_space<vmem>>
        %dma_wait3A_270 = arith.constant 0 : i32
        %dma_wait3A_271 = arith.constant 0 : i32
        %dma_wait3A_272 = tpu.memref_slice %arg2[%dma_wait3A_270, %dma_wait3A_271] : memref<20000x128xf32, #tpu.memory_space<hbm>> -> memref<64x128xf32, #tpu.memory_space<hbm>>
        %dma_wait3A_273 = arith.constant 0 : i32
        %dma_wait3A_274 = arith.constant 0 : i32
        %dma_wait3A_275 = tpu.memref_slice %arg12[%dma_wait3A_265, %dma_wait3A_273, %dma_wait3A_274] : memref<4x64x128xf32, #tpu.memory_space<vmem>> -> memref<1x64x128xf32, #tpu.memory_space<vmem>>
        %dma_wait3A_276 = tpu.memref_squeeze %dma_wait3A_275 : memref<1x64x128xf32, #tpu.memory_space<vmem>> -> memref<64x128xf32, #tpu.memory_space<vmem>>
        %dma_wait3A_277 = arith.constant 0 : i32
        %dma_wait3A_278 = arith.constant 0 : i32
        %dma_wait3A_279 = tpu.memref_slice %arg2[%dma_wait3A_277, %dma_wait3A_278] : memref<20000x128xf32, #tpu.memory_space<hbm>> -> memref<64x128xf32, #tpu.memory_space<hbm>>
        tpu.wait_dma2 semaphore(%arg15 : memref<!tpu.dma_semaphore, #tpu.memory_space<semaphore_mem>>) src(%dma_wait3A_279 : memref<64x128xf32, #tpu.memory_space<hbm>>) dst(%dma_wait3A_276 : memref<64x128xf32, #tpu.memory_space<vmem>>)
      } else {
      }
      %add3A_258 = arith.constant 2 : i32
      %add3A_259 = arith.addi %scan3A_210, %add3A_258 : i32
      %lt3A_260 = arith.constant 160 : i32
      %lt3A_261 = arith.cmpi slt, %add3A_259, %lt3A_260 : i32
      %convert_element_type3A_262 = arith.extui %lt3A_261 : i1 to i32
      %cond3A_263 = arith.constant 0 : i32
      %cond3A_264 = arith.cmpi ne, %convert_element_type3A_262, %cond3A_263 : i32
      scf.if %cond3A_264 {
        %add3A_265 = arith.constant 2 : i32
        %add3A_266 = arith.addi %scan3A_210, %add3A_265 : i32
        %div3A_267 = arith.constant 32 : i32
        %div3A_268 = arith.divsi %add3A_266, %div3A_267 : i32
        %rem3A_269 = arith.constant 2 : i32
        %rem3A_270 = arith.remsi %div3A_268, %rem3A_269 : i32
        %rem3A_271 = arith.constant 32 : i32
        %rem3A_272 = arith.remsi %add3A_266, %rem3A_271 : i32
        %rem3A_273 = arith.constant 4 : i32
        %rem3A_274 = arith.remsi %add3A_266, %rem3A_273 : i32
        %dma_start3A_275 = arith.constant 0 : i32
        %dma_start3A_276 = arith.constant 0 : i32
        %dma_start3A_277 = tpu.memref_slice %arg12[%rem3A_274, %dma_start3A_275, %dma_start3A_276] : memref<4x64x128xf32, #tpu.memory_space<vmem>> -> memref<1x64x128xf32, #tpu.memory_space<vmem>>
        %dma_start3A_278 = tpu.memref_squeeze %dma_start3A_277 : memref<1x64x128xf32, #tpu.memory_space<vmem>> -> memref<64x128xf32, #tpu.memory_space<vmem>>
        %dma_start3A_279 = arith.constant 0 : i32
        %dma_start3A_280 = tpu.memref_slice %arg10[%rem3A_270, %rem3A_272, %dma_start3A_279] : memref<2x32x64xi32, #tpu.memory_space<vmem>> -> memref<1x1x64xi32, #tpu.memory_space<vmem>>
        %dma_start3A_281 = tpu.memref_squeeze %dma_start3A_280 : memref<1x1x64xi32, #tpu.memory_space<vmem>> -> memref<64xi32, #tpu.memory_space<vmem>>
        %dma_start3A_282 = arith.constant 0 : i32
        %dma_start3A_283 = arith.constant 0 : i32
        %dma_start3A_284 = tpu.memref_slice %arg2[%dma_start3A_282, %dma_start3A_283] : memref<20000x128xf32, #tpu.memory_space<hbm>> -> memref<20000x128xf32, #tpu.memory_space<hbm>>
        tpu.enqueue_indirect_dma source(%dma_start3A_284 : memref<20000x128xf32, #tpu.memory_space<hbm>>) target(%dma_start3A_278 : memref<64x128xf32, #tpu.memory_space<vmem>>) offsets(%dma_start3A_281 : memref<64xi32, #tpu.memory_space<vmem>>) semaphore(%arg14 : memref<!tpu.dma_semaphore, #tpu.memory_space<semaphore_mem>>)
      } else {
      }
    }
    %scan3A_61 = arith.constant 160 : i32
    %dma_wait3A = arith.constant 0 : i32
    %dma_wait3A_62 = arith.constant 0 : i32
    %dma_wait3A_63 = arith.constant 0 : i32
    %dma_wait3A_64 = tpu.memref_slice %arg12[%dma_wait3A, %dma_wait3A_62, %dma_wait3A_63] : memref<4x64x128xf32, #tpu.memory_space<vmem>> -> memref<1x64x128xf32, #tpu.memory_space<vmem>>
    %dma_wait3A_65 = tpu.memref_squeeze %dma_wait3A_64 : memref<1x64x128xf32, #tpu.memory_space<vmem>> -> memref<64x128xf32, #tpu.memory_space<vmem>>
    %dma_wait3A_66 = arith.constant 0 : i32
    %dma_wait3A_67 = arith.constant 0 : i32
    %dma_wait3A_68 = tpu.memref_slice %arg2[%dma_wait3A_66, %dma_wait3A_67] : memref<20000x128xf32, #tpu.memory_space<hbm>> -> memref<64x128xf32, #tpu.memory_space<hbm>>
    %dma_wait3A_69 = arith.constant 0 : i32
    %dma_wait3A_70 = arith.constant 0 : i32
    %dma_wait3A_71 = tpu.memref_slice %arg12[%dma_wait3A, %dma_wait3A_69, %dma_wait3A_70] : memref<4x64x128xf32, #tpu.memory_space<vmem>> -> memref<1x64x128xf32, #tpu.memory_space<vmem>>
    %dma_wait3A_72 = tpu.memref_squeeze %dma_wait3A_71 : memref<1x64x128xf32, #tpu.memory_space<vmem>> -> memref<64x128xf32, #tpu.memory_space<vmem>>
    %dma_wait3A_73 = arith.constant 0 : i32
    %dma_wait3A_74 = arith.constant 0 : i32
    %dma_wait3A_75 = tpu.memref_slice %arg2[%dma_wait3A_73, %dma_wait3A_74] : memref<20000x128xf32, #tpu.memory_space<hbm>> -> memref<64x128xf32, #tpu.memory_space<hbm>>
    tpu.wait_dma2 semaphore(%arg15 : memref<!tpu.dma_semaphore, #tpu.memory_space<semaphore_mem>>) src(%dma_wait3A_75 : memref<64x128xf32, #tpu.memory_space<hbm>>) dst(%dma_wait3A_72 : memref<64x128xf32, #tpu.memory_space<vmem>>)
    %dma_wait3A_76 = arith.constant 0 : i32
    %dma_wait3A_77 = arith.constant 0 : i32
    %dma_wait3A_78 = arith.constant 0 : i32
    %dma_wait3A_79 = tpu.memref_slice %arg12[%dma_wait3A_76, %dma_wait3A_77, %dma_wait3A_78] : memref<4x64x128xf32, #tpu.memory_space<vmem>> -> memref<1x64x128xf32, #tpu.memory_space<vmem>>
    %dma_wait3A_80 = tpu.memref_squeeze %dma_wait3A_79 : memref<1x64x128xf32, #tpu.memory_space<vmem>> -> memref<64x128xf32, #tpu.memory_space<vmem>>
    %dma_wait3A_81 = arith.constant 0 : i32
    %dma_wait3A_82 = arith.constant 0 : i32
    %dma_wait3A_83 = tpu.memref_slice %arg2[%dma_wait3A_81, %dma_wait3A_82] : memref<20000x128xf32, #tpu.memory_space<hbm>> -> memref<64x128xf32, #tpu.memory_space<hbm>>
    %dma_wait3A_84 = arith.constant 0 : i32
    %dma_wait3A_85 = arith.constant 0 : i32
    %dma_wait3A_86 = tpu.memref_slice %arg12[%dma_wait3A_76, %dma_wait3A_84, %dma_wait3A_85] : memref<4x64x128xf32, #tpu.memory_space<vmem>> -> memref<1x64x128xf32, #tpu.memory_space<vmem>>
    %dma_wait3A_87 = tpu.memref_squeeze %dma_wait3A_86 : memref<1x64x128xf32, #tpu.memory_space<vmem>> -> memref<64x128xf32, #tpu.memory_space<vmem>>
    %dma_wait3A_88 = arith.constant 0 : i32
    %dma_wait3A_89 = arith.constant 0 : i32
    %dma_wait3A_90 = tpu.memref_slice %arg2[%dma_wait3A_88, %dma_wait3A_89] : memref<20000x128xf32, #tpu.memory_space<hbm>> -> memref<64x128xf32, #tpu.memory_space<hbm>>
    tpu.wait_dma2 semaphore(%arg15 : memref<!tpu.dma_semaphore, #tpu.memory_space<semaphore_mem>>) src(%dma_wait3A_90 : memref<64x128xf32, #tpu.memory_space<hbm>>) dst(%dma_wait3A_87 : memref<64x128xf32, #tpu.memory_space<vmem>>)
    %barrier3A_91 = arith.constant 0 : index
    tpu.barrier barrier_id(%barrier3A_91)
    %lt3A = arith.constant 15 : i32
    %lt3A_92 = arith.cmpi slt, %arg1, %lt3A : i32
    %convert_element_type3A = arith.extui %lt3A_92 : i1 to i32
    %cond3A = arith.constant 0 : i32
    %cond3A_93 = arith.cmpi ne, %convert_element_type3A, %cond3A : i32
    scf.if %cond3A_93 {
      %mul3A_210 = arith.constant 640 : i32
      %mul3A_211 = arith.muli %arg1, %mul3A_210 : i32
      %mul3A_212 = arith.constant 10000 : i32
      %mul3A_213 = arith.muli %arg0, %mul3A_212 : i32
      %mul3A_214 = arith.constant 640 : i32
      %mul3A_215 = arith.muli %arg1, %mul3A_214 : i32
      %add3A_216 = arith.addi %mul3A_213, %mul3A_215 : i32
      "tpu.region"() ({
        %run_scoped3A_217 = tpu.sem_alloc : memref<!tpu.dma_semaphore, #tpu.memory_space<semaphore_mem>>
        %dma_start3A_218 = arith.constant 0 : i32
        %dma_start3A_219 = tpu.memref_slice %arg8[%add3A_216, %dma_start3A_218] : memref<20000x128xf32, #tpu.memory_space<hbm>> -> memref<640x128xf32, #tpu.memory_space<hbm>>
        %dma_start3A_220 = arith.constant 0 : i32
        %dma_start3A_221 = tpu.memref_slice %arg13[%mul3A_211, %dma_start3A_220] : memref<10112x128xf32, #tpu.memory_space<vmem_shared>> -> memref<640x128xf32, #tpu.memory_space<vmem_shared>>
        tpu.enqueue_dma source(%dma_start3A_221 : memref<640x128xf32, #tpu.memory_space<vmem_shared>>) target(%dma_start3A_219 : memref<640x128xf32, #tpu.memory_space<hbm>>) target_semaphore(%run_scoped3A_217 : memref<!tpu.dma_semaphore, #tpu.memory_space<semaphore_mem>>)
        %dma_wait3A_222 = arith.constant 0 : i32
        %dma_wait3A_223 = tpu.memref_slice %arg8[%add3A_216, %dma_wait3A_222] : memref<20000x128xf32, #tpu.memory_space<hbm>> -> memref<640x128xf32, #tpu.memory_space<hbm>>
        %dma_wait3A_224 = arith.constant 0 : i32
        %dma_wait3A_225 = tpu.memref_slice %arg13[%mul3A_211, %dma_wait3A_224] : memref<10112x128xf32, #tpu.memory_space<vmem_shared>> -> memref<640x128xf32, #tpu.memory_space<vmem_shared>>
        tpu.wait_dma2 semaphore(%run_scoped3A_217 : memref<!tpu.dma_semaphore, #tpu.memory_space<semaphore_mem>>) src(%dma_wait3A_225 : memref<640x128xf32, #tpu.memory_space<vmem_shared>>) dst(%dma_wait3A_223 : memref<640x128xf32, #tpu.memory_space<hbm>>)
        tpu.yield
      }) : () -> ()
    } else {
    }
    %eq3A = arith.constant 15 : i32
    %eq3A_94 = arith.cmpi eq, %arg1, %eq3A : i32
    %convert_element_type3A_95 = arith.extui %eq3A_94 : i1 to i32
    %cond3A_96 = arith.constant 0 : i32
    %cond3A_97 = arith.cmpi ne, %convert_element_type3A_95, %cond3A_96 : i32
    scf.if %cond3A_97 {
      %mul3A_210 = arith.constant 10000 : i32
      %mul3A_211 = arith.muli %arg0, %mul3A_210 : i32
      %add3A_212 = arith.constant 9600 : i32
      %add3A_213 = arith.addi %mul3A_211, %add3A_212 : i32
      "tpu.region"() ({
        %run_scoped3A_214 = tpu.sem_alloc : memref<!tpu.dma_semaphore, #tpu.memory_space<semaphore_mem>>
        %dma_start3A_215 = arith.constant 0 : i32
        %dma_start3A_216 = tpu.memref_slice %arg8[%add3A_213, %dma_start3A_215] : memref<20000x128xf32, #tpu.memory_space<hbm>> -> memref<400x128xf32, #tpu.memory_space<hbm>>
        %dma_start3A_217 = arith.constant 9600 : i32
        %dma_start3A_218 = arith.constant 0 : i32
        %dma_start3A_219 = tpu.memref_slice %arg13[%dma_start3A_217, %dma_start3A_218] : memref<10112x128xf32, #tpu.memory_space<vmem_shared>> -> memref<400x128xf32, #tpu.memory_space<vmem_shared>>
        tpu.enqueue_dma source(%dma_start3A_219 : memref<400x128xf32, #tpu.memory_space<vmem_shared>>) target(%dma_start3A_216 : memref<400x128xf32, #tpu.memory_space<hbm>>) target_semaphore(%run_scoped3A_214 : memref<!tpu.dma_semaphore, #tpu.memory_space<semaphore_mem>>)
        %dma_wait3A_220 = arith.constant 0 : i32
        %dma_wait3A_221 = tpu.memref_slice %arg8[%add3A_213, %dma_wait3A_220] : memref<20000x128xf32, #tpu.memory_space<hbm>> -> memref<400x128xf32, #tpu.memory_space<hbm>>
        %dma_wait3A_222 = arith.constant 9600 : i32
        %dma_wait3A_223 = arith.constant 0 : i32
        %dma_wait3A_224 = tpu.memref_slice %arg13[%dma_wait3A_222, %dma_wait3A_223] : memref<10112x128xf32, #tpu.memory_space<vmem_shared>> -> memref<400x128xf32, #tpu.memory_space<vmem_shared>>
        tpu.wait_dma2 semaphore(%run_scoped3A_214 : memref<!tpu.dma_semaphore, #tpu.memory_space<semaphore_mem>>) src(%dma_wait3A_224 : memref<400x128xf32, #tpu.memory_space<vmem_shared>>) dst(%dma_wait3A_221 : memref<400x128xf32, #tpu.memory_space<hbm>>)
        tpu.yield
      }) : () -> ()
    } else {
    }
    %barrier3A_98 = arith.constant 0 : index
    tpu.barrier barrier_id(%barrier3A_98)
    %mul3A_99 = arith.constant 632 : i32
    %mul3A_100 = arith.muli %arg1, %mul3A_99 : i32
    %mul3A_101 = arith.constant 632 : i32
    %mul3A_102 = arith.muli %arg1, %mul3A_101 : i32
    "tpu.region"() ({
      %run_scoped3A_210 = tpu.sem_alloc : memref<!tpu.dma_semaphore, #tpu.memory_space<semaphore_mem>>
      %dma_start3A_211 = arith.constant 0 : i32
      %dma_start3A_212 = tpu.memref_slice %arg13[%mul3A_102, %dma_start3A_211] : memref<10112x128xf32, #tpu.memory_space<vmem_shared>> -> memref<632x128xf32, #tpu.memory_space<vmem_shared>>
      %dma_start3A_213 = arith.constant 0 : i32
      %dma_start3A_214 = tpu.memref_slice %arg7[%mul3A_100, %dma_start3A_213] : memref<10112x128xf32, #tpu.memory_space<hbm>> -> memref<632x128xf32, #tpu.memory_space<hbm>>
      tpu.enqueue_dma source(%dma_start3A_214 : memref<632x128xf32, #tpu.memory_space<hbm>>) target(%dma_start3A_212 : memref<632x128xf32, #tpu.memory_space<vmem_shared>>) target_semaphore(%run_scoped3A_210 : memref<!tpu.dma_semaphore, #tpu.memory_space<semaphore_mem>>)
      %dma_wait3A_215 = arith.constant 0 : i32
      %dma_wait3A_216 = tpu.memref_slice %arg13[%mul3A_102, %dma_wait3A_215] : memref<10112x128xf32, #tpu.memory_space<vmem_shared>> -> memref<632x128xf32, #tpu.memory_space<vmem_shared>>
      %dma_wait3A_217 = arith.constant 0 : i32
      %dma_wait3A_218 = tpu.memref_slice %arg7[%mul3A_100, %dma_wait3A_217] : memref<10112x128xf32, #tpu.memory_space<hbm>> -> memref<632x128xf32, #tpu.memory_space<hbm>>
      tpu.wait_dma2 semaphore(%run_scoped3A_210 : memref<!tpu.dma_semaphore, #tpu.memory_space<semaphore_mem>>) src(%dma_wait3A_218 : memref<632x128xf32, #tpu.memory_space<hbm>>) dst(%dma_wait3A_216 : memref<632x128xf32, #tpu.memory_space<vmem_shared>>)
      tpu.yield
    }) : () -> ()
    %barrier3A_103 = arith.constant 0 : index
    tpu.barrier barrier_id(%barrier3A_103)
    %mul3A_104 = arith.constant 2560 : i32
    %mul3A_105 = arith.muli %arg0, %mul3A_104 : i32
    %mul3A_106 = arith.constant 160 : i32
    %mul3A_107 = arith.muli %arg1, %mul3A_106 : i32
    %add3A_108 = arith.addi %mul3A_105, %mul3A_107 : i32
    %mul3A_109 = arith.constant 0 : i32
    %mul3A_110 = arith.constant 32 : i32
    %mul3A_111 = arith.muli %mul3A_109, %mul3A_110 : i32
    %add3A_112 = arith.addi %add3A_108, %mul3A_111 : i32
    %run_scoped3A_113 = arith.constant 0 : i32
    "tpu.region"() ({
      %run_scoped3A_210 = tpu.sem_alloc : memref<!tpu.dma_semaphore, #tpu.memory_space<semaphore_mem>>
      %dma_start3A_211 = arith.constant 0 : i32
      %dma_start3A_212 = arith.constant 0 : i32
      %dma_start3A_213 = tpu.memref_slice %arg10[%run_scoped3A_113, %dma_start3A_211, %dma_start3A_212] : memref<2x32x64xi32, #tpu.memory_space<vmem>> -> memref<1x32x64xi32, #tpu.memory_space<vmem>>
      %dma_start3A_214 = tpu.memref_squeeze %dma_start3A_213 : memref<1x32x64xi32, #tpu.memory_space<vmem>> -> memref<32x64xi32, #tpu.memory_space<vmem>>
      %dma_start3A_215 = arith.constant 0 : i32
      %dma_start3A_216 = tpu.memref_slice %arg5[%add3A_112, %dma_start3A_215] : memref<5120x64xi32, #tpu.memory_space<hbm>> -> memref<32x64xi32, #tpu.memory_space<hbm>>
      %dma_start3A_217 = arith.constant 0 : i32
      %dma_start3A_218 = arith.constant 0 : i32
      %dma_start3A_219 = tpu.memref_slice %arg10[%run_scoped3A_113, %dma_start3A_217, %dma_start3A_218] : memref<2x32x64xi32, #tpu.memory_space<vmem>> -> memref<1x32x64xi32, #tpu.memory_space<vmem>>
      %dma_start3A_220 = tpu.memref_squeeze %dma_start3A_219 : memref<1x32x64xi32, #tpu.memory_space<vmem>> -> memref<32x64xi32, #tpu.memory_space<vmem>>
      %dma_start3A_221 = arith.constant 0 : i32
      %dma_start3A_222 = tpu.memref_slice %arg5[%add3A_112, %dma_start3A_221] : memref<5120x64xi32, #tpu.memory_space<hbm>> -> memref<32x64xi32, #tpu.memory_space<hbm>>
      tpu.enqueue_dma source(%dma_start3A_222 : memref<32x64xi32, #tpu.memory_space<hbm>>) target(%dma_start3A_220 : memref<32x64xi32, #tpu.memory_space<vmem>>) target_semaphore(%run_scoped3A_210 : memref<!tpu.dma_semaphore, #tpu.memory_space<semaphore_mem>>)
      %dma_wait3A_223 = arith.constant 0 : i32
      %dma_wait3A_224 = arith.constant 0 : i32
      %dma_wait3A_225 = tpu.memref_slice %arg10[%run_scoped3A_113, %dma_wait3A_223, %dma_wait3A_224] : memref<2x32x64xi32, #tpu.memory_space<vmem>> -> memref<1x32x64xi32, #tpu.memory_space<vmem>>
      %dma_wait3A_226 = tpu.memref_squeeze %dma_wait3A_225 : memref<1x32x64xi32, #tpu.memory_space<vmem>> -> memref<32x64xi32, #tpu.memory_space<vmem>>
      %dma_wait3A_227 = arith.constant 0 : i32
      %dma_wait3A_228 = tpu.memref_slice %arg5[%add3A_112, %dma_wait3A_227] : memref<5120x64xi32, #tpu.memory_space<hbm>> -> memref<32x64xi32, #tpu.memory_space<hbm>>
      %dma_wait3A_229 = arith.constant 0 : i32
      %dma_wait3A_230 = arith.constant 0 : i32
      %dma_wait3A_231 = tpu.memref_slice %arg10[%run_scoped3A_113, %dma_wait3A_229, %dma_wait3A_230] : memref<2x32x64xi32, #tpu.memory_space<vmem>> -> memref<1x32x64xi32, #tpu.memory_space<vmem>>
      %dma_wait3A_232 = tpu.memref_squeeze %dma_wait3A_231 : memref<1x32x64xi32, #tpu.memory_space<vmem>> -> memref<32x64xi32, #tpu.memory_space<vmem>>
      %dma_wait3A_233 = arith.constant 0 : i32
      %dma_wait3A_234 = tpu.memref_slice %arg5[%add3A_112, %dma_wait3A_233] : memref<5120x64xi32, #tpu.memory_space<hbm>> -> memref<32x64xi32, #tpu.memory_space<hbm>>
      tpu.wait_dma2 semaphore(%run_scoped3A_210 : memref<!tpu.dma_semaphore, #tpu.memory_space<semaphore_mem>>) src(%dma_wait3A_234 : memref<32x64xi32, #tpu.memory_space<hbm>>) dst(%dma_wait3A_232 : memref<32x64xi32, #tpu.memory_space<vmem>>)
      tpu.yield
    }) : () -> ()
    %mul3A_114 = arith.constant 160 : i32
    %mul3A_115 = arith.muli %arg1, %mul3A_114 : i32
    %mul3A_116 = arith.constant 0 : i32
    %mul3A_117 = arith.constant 32 : i32
    %mul3A_118 = arith.muli %mul3A_116, %mul3A_117 : i32
    %add3A_119 = arith.addi %mul3A_115, %mul3A_118 : i32
    %run_scoped3A_120 = arith.constant 0 : i32
    "tpu.region"() ({
      %run_scoped3A_210 = tpu.sem_alloc : memref<!tpu.dma_semaphore, #tpu.memory_space<semaphore_mem>>
      %dma_start3A_211 = arith.constant 0 : i32
      %dma_start3A_212 = arith.constant 0 : i32
      %dma_start3A_213 = tpu.memref_slice %arg11[%run_scoped3A_120, %dma_start3A_211, %dma_start3A_212] : memref<2x32x64xi32, #tpu.memory_space<vmem>> -> memref<1x32x64xi32, #tpu.memory_space<vmem>>
      %dma_start3A_214 = tpu.memref_squeeze %dma_start3A_213 : memref<1x32x64xi32, #tpu.memory_space<vmem>> -> memref<32x64xi32, #tpu.memory_space<vmem>>
      %dma_start3A_215 = arith.constant 0 : i32
      %dma_start3A_216 = tpu.memref_slice %arg6[%add3A_119, %dma_start3A_215] : memref<2560x64xi32, #tpu.memory_space<hbm>> -> memref<32x64xi32, #tpu.memory_space<hbm>>
      %dma_start3A_217 = arith.constant 0 : i32
      %dma_start3A_218 = arith.constant 0 : i32
      %dma_start3A_219 = tpu.memref_slice %arg11[%run_scoped3A_120, %dma_start3A_217, %dma_start3A_218] : memref<2x32x64xi32, #tpu.memory_space<vmem>> -> memref<1x32x64xi32, #tpu.memory_space<vmem>>
      %dma_start3A_220 = tpu.memref_squeeze %dma_start3A_219 : memref<1x32x64xi32, #tpu.memory_space<vmem>> -> memref<32x64xi32, #tpu.memory_space<vmem>>
      %dma_start3A_221 = arith.constant 0 : i32
      %dma_start3A_222 = tpu.memref_slice %arg6[%add3A_119, %dma_start3A_221] : memref<2560x64xi32, #tpu.memory_space<hbm>> -> memref<32x64xi32, #tpu.memory_space<hbm>>
      tpu.enqueue_dma source(%dma_start3A_222 : memref<32x64xi32, #tpu.memory_space<hbm>>) target(%dma_start3A_220 : memref<32x64xi32, #tpu.memory_space<vmem>>) target_semaphore(%run_scoped3A_210 : memref<!tpu.dma_semaphore, #tpu.memory_space<semaphore_mem>>)
      %dma_wait3A_223 = arith.constant 0 : i32
      %dma_wait3A_224 = arith.constant 0 : i32
      %dma_wait3A_225 = tpu.memref_slice %arg11[%run_scoped3A_120, %dma_wait3A_223, %dma_wait3A_224] : memref<2x32x64xi32, #tpu.memory_space<vmem>> -> memref<1x32x64xi32, #tpu.memory_space<vmem>>
      %dma_wait3A_226 = tpu.memref_squeeze %dma_wait3A_225 : memref<1x32x64xi32, #tpu.memory_space<vmem>> -> memref<32x64xi32, #tpu.memory_space<vmem>>
      %dma_wait3A_227 = arith.constant 0 : i32
      %dma_wait3A_228 = tpu.memref_slice %arg6[%add3A_119, %dma_wait3A_227] : memref<2560x64xi32, #tpu.memory_space<hbm>> -> memref<32x64xi32, #tpu.memory_space<hbm>>
      %dma_wait3A_229 = arith.constant 0 : i32
      %dma_wait3A_230 = arith.constant 0 : i32
      %dma_wait3A_231 = tpu.memref_slice %arg11[%run_scoped3A_120, %dma_wait3A_229, %dma_wait3A_230] : memref<2x32x64xi32, #tpu.memory_space<vmem>> -> memref<1x32x64xi32, #tpu.memory_space<vmem>>
      %dma_wait3A_232 = tpu.memref_squeeze %dma_wait3A_231 : memref<1x32x64xi32, #tpu.memory_space<vmem>> -> memref<32x64xi32, #tpu.memory_space<vmem>>
      %dma_wait3A_233 = arith.constant 0 : i32
      %dma_wait3A_234 = tpu.memref_slice %arg6[%add3A_119, %dma_wait3A_233] : memref<2560x64xi32, #tpu.memory_space<hbm>> -> memref<32x64xi32, #tpu.memory_space<hbm>>
      tpu.wait_dma2 semaphore(%run_scoped3A_210 : memref<!tpu.dma_semaphore, #tpu.memory_space<semaphore_mem>>) src(%dma_wait3A_234 : memref<32x64xi32, #tpu.memory_space<hbm>>) dst(%dma_wait3A_232 : memref<32x64xi32, #tpu.memory_space<vmem>>)
      tpu.yield
    }) : () -> ()
    %div3A_121 = arith.constant 0 : i32
    %div3A_122 = arith.constant 32 : i32
    %div3A_123 = arith.divsi %div3A_121, %div3A_122 : i32
    %rem3A_124 = arith.constant 2 : i32
    %rem3A_125 = arith.remsi %div3A_123, %rem3A_124 : i32
    %rem3A_126 = arith.constant 0 : i32
    %rem3A_127 = arith.constant 32 : i32
    %rem3A_128 = arith.remsi %rem3A_126, %rem3A_127 : i32
    %rem3A_129 = arith.constant 0 : i32
    %rem3A_130 = arith.constant 4 : i32
    %rem3A_131 = arith.remsi %rem3A_129, %rem3A_130 : i32
    %dma_start3A_132 = arith.constant 0 : i32
    %dma_start3A_133 = arith.constant 0 : i32
    %dma_start3A_134 = tpu.memref_slice %arg12[%rem3A_131, %dma_start3A_132, %dma_start3A_133] : memref<4x64x128xf32, #tpu.memory_space<vmem>> -> memref<1x64x128xf32, #tpu.memory_space<vmem>>
    %dma_start3A_135 = tpu.memref_squeeze %dma_start3A_134 : memref<1x64x128xf32, #tpu.memory_space<vmem>> -> memref<64x128xf32, #tpu.memory_space<vmem>>
    %dma_start3A_136 = arith.constant 0 : i32
    %dma_start3A_137 = tpu.memref_slice %arg10[%rem3A_125, %rem3A_128, %dma_start3A_136] : memref<2x32x64xi32, #tpu.memory_space<vmem>> -> memref<1x1x64xi32, #tpu.memory_space<vmem>>
    %dma_start3A_138 = tpu.memref_squeeze %dma_start3A_137 : memref<1x1x64xi32, #tpu.memory_space<vmem>> -> memref<64xi32, #tpu.memory_space<vmem>>
    %dma_start3A_139 = arith.constant 0 : i32
    %dma_start3A_140 = arith.constant 0 : i32
    %dma_start3A_141 = tpu.memref_slice %arg2[%dma_start3A_139, %dma_start3A_140] : memref<20000x128xf32, #tpu.memory_space<hbm>> -> memref<20000x128xf32, #tpu.memory_space<hbm>>
    tpu.enqueue_indirect_dma source(%dma_start3A_141 : memref<20000x128xf32, #tpu.memory_space<hbm>>) target(%dma_start3A_135 : memref<64x128xf32, #tpu.memory_space<vmem>>) offsets(%dma_start3A_138 : memref<64xi32, #tpu.memory_space<vmem>>) semaphore(%arg14 : memref<!tpu.dma_semaphore, #tpu.memory_space<semaphore_mem>>)
    %div3A_142 = arith.constant 1 : i32
    %div3A_143 = arith.constant 32 : i32
    %div3A_144 = arith.divsi %div3A_142, %div3A_143 : i32
    %rem3A_145 = arith.constant 2 : i32
    %rem3A_146 = arith.remsi %div3A_144, %rem3A_145 : i32
    %rem3A_147 = arith.constant 1 : i32
    %rem3A_148 = arith.constant 32 : i32
    %rem3A_149 = arith.remsi %rem3A_147, %rem3A_148 : i32
    %rem3A_150 = arith.constant 1 : i32
    %rem3A_151 = arith.constant 4 : i32
    %rem3A_152 = arith.remsi %rem3A_150, %rem3A_151 : i32
    %dma_start3A_153 = arith.constant 0 : i32
    %dma_start3A_154 = arith.constant 0 : i32
    %dma_start3A_155 = tpu.memref_slice %arg12[%rem3A_152, %dma_start3A_153, %dma_start3A_154] : memref<4x64x128xf32, #tpu.memory_space<vmem>> -> memref<1x64x128xf32, #tpu.memory_space<vmem>>
    %dma_start3A_156 = tpu.memref_squeeze %dma_start3A_155 : memref<1x64x128xf32, #tpu.memory_space<vmem>> -> memref<64x128xf32, #tpu.memory_space<vmem>>
    %dma_start3A_157 = arith.constant 0 : i32
    %dma_start3A_158 = tpu.memref_slice %arg10[%rem3A_146, %rem3A_149, %dma_start3A_157] : memref<2x32x64xi32, #tpu.memory_space<vmem>> -> memref<1x1x64xi32, #tpu.memory_space<vmem>>
    %dma_start3A_159 = tpu.memref_squeeze %dma_start3A_158 : memref<1x1x64xi32, #tpu.memory_space<vmem>> -> memref<64xi32, #tpu.memory_space<vmem>>
    %dma_start3A_160 = arith.constant 0 : i32
    %dma_start3A_161 = arith.constant 0 : i32
    %dma_start3A_162 = tpu.memref_slice %arg2[%dma_start3A_160, %dma_start3A_161] : memref<20000x128xf32, #tpu.memory_space<hbm>> -> memref<20000x128xf32, #tpu.memory_space<hbm>>
    tpu.enqueue_indirect_dma source(%dma_start3A_162 : memref<20000x128xf32, #tpu.memory_space<hbm>>) target(%dma_start3A_156 : memref<64x128xf32, #tpu.memory_space<vmem>>) offsets(%dma_start3A_159 : memref<64xi32, #tpu.memory_space<vmem>>) semaphore(%arg14 : memref<!tpu.dma_semaphore, #tpu.memory_space<semaphore_mem>>)
    %scan3A_163 = arith.constant 0 : i32
    %scan3A_164 = arith.constant 0 : i32
    %scan3A_165 = arith.constant 160 : i32
    %scan3A_166 = arith.addi %scan3A_164, %scan3A_165 : i32
    %scan3A_167 = arith.constant 1 : i32
    scf.for %scan3A_210 = %scan3A_164 to %scan3A_166 step %scan3A_167  : i32 {
      %rem3A_211 = arith.constant 32 : i32
      %rem3A_212 = arith.remsi %scan3A_210, %rem3A_211 : i32
      %eq3A_213 = arith.constant 0 : i32
      %eq3A_214 = arith.cmpi eq, %rem3A_212, %eq3A_213 : i32
      %convert_element_type3A_215 = arith.extui %eq3A_214 : i1 to i32
      %cond3A_216 = arith.constant 0 : i32
      %cond3A_217 = arith.cmpi ne, %convert_element_type3A_215, %cond3A_216 : i32
      scf.if %cond3A_217 {
        %div3A_265 = arith.constant 32 : i32
        %div3A_266 = arith.divsi %scan3A_210, %div3A_265 : i32
        %add3A_267 = arith.constant 1 : i32
        %add3A_268 = arith.addi %div3A_266, %add3A_267 : i32
        %lt3A_269 = arith.constant 5 : i32
        %lt3A_270 = arith.cmpi slt, %add3A_268, %lt3A_269 : i32
        %convert_element_type3A_271 = arith.extui %lt3A_270 : i1 to i32
        %cond3A_272 = arith.constant 0 : i32
        %cond3A_273 = arith.cmpi ne, %convert_element_type3A_271, %cond3A_272 : i32
        scf.if %cond3A_273 {
          %add3A_274 = arith.constant 1 : i32
          %add3A_275 = arith.addi %div3A_266, %add3A_274 : i32
          %add3A_276 = arith.constant 1 : i32
          %add3A_277 = arith.addi %div3A_266, %add3A_276 : i32
          %rem3A_278 = arith.constant 2 : i32
          %rem3A_279 = arith.remsi %add3A_277, %rem3A_278 : i32
          %mul3A_280 = arith.constant 2560 : i32
          %mul3A_281 = arith.muli %arg0, %mul3A_280 : i32
          %mul3A_282 = arith.constant 160 : i32
          %mul3A_283 = arith.muli %arg1, %mul3A_282 : i32
          %add3A_284 = arith.addi %mul3A_281, %mul3A_283 : i32
          %mul3A_285 = arith.constant 32 : i32
          %mul3A_286 = arith.muli %add3A_275, %mul3A_285 : i32
          %add3A_287 = arith.addi %add3A_284, %mul3A_286 : i32
          "tpu.region"() ({
            %run_scoped3A_293 = tpu.sem_alloc : memref<!tpu.dma_semaphore, #tpu.memory_space<semaphore_mem>>
            %dma_start3A_294 = arith.constant 0 : i32
            %dma_start3A_295 = arith.constant 0 : i32
            %dma_start3A_296 = tpu.memref_slice %arg10[%rem3A_279, %dma_start3A_294, %dma_start3A_295] : memref<2x32x64xi32, #tpu.memory_space<vmem>> -> memref<1x32x64xi32, #tpu.memory_space<vmem>>
            %dma_start3A_297 = tpu.memref_squeeze %dma_start3A_296 : memref<1x32x64xi32, #tpu.memory_space<vmem>> -> memref<32x64xi32, #tpu.memory_space<vmem>>
            %dma_start3A_298 = arith.constant 0 : i32
            %dma_start3A_299 = tpu.memref_slice %arg5[%add3A_287, %dma_start3A_298] : memref<5120x64xi32, #tpu.memory_space<hbm>> -> memref<32x64xi32, #tpu.memory_space<hbm>>
            %dma_start3A_300 = arith.constant 0 : i32
            %dma_start3A_301 = arith.constant 0 : i32
            %dma_start3A_302 = tpu.memref_slice %arg10[%rem3A_279, %dma_start3A_300, %dma_start3A_301] : memref<2x32x64xi32, #tpu.memory_space<vmem>> -> memref<1x32x64xi32, #tpu.memory_space<vmem>>
            %dma_start3A_303 = tpu.memref_squeeze %dma_start3A_302 : memref<1x32x64xi32, #tpu.memory_space<vmem>> -> memref<32x64xi32, #tpu.memory_space<vmem>>
            %dma_start3A_304 = arith.constant 0 : i32
            %dma_start3A_305 = tpu.memref_slice %arg5[%add3A_287, %dma_start3A_304] : memref<5120x64xi32, #tpu.memory_space<hbm>> -> memref<32x64xi32, #tpu.memory_space<hbm>>
            tpu.enqueue_dma source(%dma_start3A_305 : memref<32x64xi32, #tpu.memory_space<hbm>>) target(%dma_start3A_303 : memref<32x64xi32, #tpu.memory_space<vmem>>) target_semaphore(%run_scoped3A_293 : memref<!tpu.dma_semaphore, #tpu.memory_space<semaphore_mem>>)
            %dma_wait3A_306 = arith.constant 0 : i32
            %dma_wait3A_307 = arith.constant 0 : i32
            %dma_wait3A_308 = tpu.memref_slice %arg10[%rem3A_279, %dma_wait3A_306, %dma_wait3A_307] : memref<2x32x64xi32, #tpu.memory_space<vmem>> -> memref<1x32x64xi32, #tpu.memory_space<vmem>>
            %dma_wait3A_309 = tpu.memref_squeeze %dma_wait3A_308 : memref<1x32x64xi32, #tpu.memory_space<vmem>> -> memref<32x64xi32, #tpu.memory_space<vmem>>
            %dma_wait3A_310 = arith.constant 0 : i32
            %dma_wait3A_311 = tpu.memref_slice %arg5[%add3A_287, %dma_wait3A_310] : memref<5120x64xi32, #tpu.memory_space<hbm>> -> memref<32x64xi32, #tpu.memory_space<hbm>>
            %dma_wait3A_312 = arith.constant 0 : i32
            %dma_wait3A_313 = arith.constant 0 : i32
            %dma_wait3A_314 = tpu.memref_slice %arg10[%rem3A_279, %dma_wait3A_312, %dma_wait3A_313] : memref<2x32x64xi32, #tpu.memory_space<vmem>> -> memref<1x32x64xi32, #tpu.memory_space<vmem>>
            %dma_wait3A_315 = tpu.memref_squeeze %dma_wait3A_314 : memref<1x32x64xi32, #tpu.memory_space<vmem>> -> memref<32x64xi32, #tpu.memory_space<vmem>>
            %dma_wait3A_316 = arith.constant 0 : i32
            %dma_wait3A_317 = tpu.memref_slice %arg5[%add3A_287, %dma_wait3A_316] : memref<5120x64xi32, #tpu.memory_space<hbm>> -> memref<32x64xi32, #tpu.memory_space<hbm>>
            tpu.wait_dma2 semaphore(%run_scoped3A_293 : memref<!tpu.dma_semaphore, #tpu.memory_space<semaphore_mem>>) src(%dma_wait3A_317 : memref<32x64xi32, #tpu.memory_space<hbm>>) dst(%dma_wait3A_315 : memref<32x64xi32, #tpu.memory_space<vmem>>)
            tpu.yield
          }) : () -> ()
          %mul3A_288 = arith.constant 160 : i32
          %mul3A_289 = arith.muli %arg1, %mul3A_288 : i32
          %mul3A_290 = arith.constant 32 : i32
          %mul3A_291 = arith.muli %add3A_275, %mul3A_290 : i32
          %add3A_292 = arith.addi %mul3A_289, %mul3A_291 : i32
          "tpu.region"() ({
            %run_scoped3A_293 = tpu.sem_alloc : memref<!tpu.dma_semaphore, #tpu.memory_space<semaphore_mem>>
            %dma_start3A_294 = arith.constant 0 : i32
            %dma_start3A_295 = arith.constant 0 : i32
            %dma_start3A_296 = tpu.memref_slice %arg11[%rem3A_279, %dma_start3A_294, %dma_start3A_295] : memref<2x32x64xi32, #tpu.memory_space<vmem>> -> memref<1x32x64xi32, #tpu.memory_space<vmem>>
            %dma_start3A_297 = tpu.memref_squeeze %dma_start3A_296 : memref<1x32x64xi32, #tpu.memory_space<vmem>> -> memref<32x64xi32, #tpu.memory_space<vmem>>
            %dma_start3A_298 = arith.constant 0 : i32
            %dma_start3A_299 = tpu.memref_slice %arg6[%add3A_292, %dma_start3A_298] : memref<2560x64xi32, #tpu.memory_space<hbm>> -> memref<32x64xi32, #tpu.memory_space<hbm>>
            %dma_start3A_300 = arith.constant 0 : i32
            %dma_start3A_301 = arith.constant 0 : i32
            %dma_start3A_302 = tpu.memref_slice %arg11[%rem3A_279, %dma_start3A_300, %dma_start3A_301] : memref<2x32x64xi32, #tpu.memory_space<vmem>> -> memref<1x32x64xi32, #tpu.memory_space<vmem>>
            %dma_start3A_303 = tpu.memref_squeeze %dma_start3A_302 : memref<1x32x64xi32, #tpu.memory_space<vmem>> -> memref<32x64xi32, #tpu.memory_space<vmem>>
            %dma_start3A_304 = arith.constant 0 : i32
            %dma_start3A_305 = tpu.memref_slice %arg6[%add3A_292, %dma_start3A_304] : memref<2560x64xi32, #tpu.memory_space<hbm>> -> memref<32x64xi32, #tpu.memory_space<hbm>>
            tpu.enqueue_dma source(%dma_start3A_305 : memref<32x64xi32, #tpu.memory_space<hbm>>) target(%dma_start3A_303 : memref<32x64xi32, #tpu.memory_space<vmem>>) target_semaphore(%run_scoped3A_293 : memref<!tpu.dma_semaphore, #tpu.memory_space<semaphore_mem>>)
            %dma_wait3A_306 = arith.constant 0 : i32
            %dma_wait3A_307 = arith.constant 0 : i32
            %dma_wait3A_308 = tpu.memref_slice %arg11[%rem3A_279, %dma_wait3A_306, %dma_wait3A_307] : memref<2x32x64xi32, #tpu.memory_space<vmem>> -> memref<1x32x64xi32, #tpu.memory_space<vmem>>
            %dma_wait3A_309 = tpu.memref_squeeze %dma_wait3A_308 : memref<1x32x64xi32, #tpu.memory_space<vmem>> -> memref<32x64xi32, #tpu.memory_space<vmem>>
            %dma_wait3A_310 = arith.constant 0 : i32
            %dma_wait3A_311 = tpu.memref_slice %arg6[%add3A_292, %dma_wait3A_310] : memref<2560x64xi32, #tpu.memory_space<hbm>> -> memref<32x64xi32, #tpu.memory_space<hbm>>
            %dma_wait3A_312 = arith.constant 0 : i32
            %dma_wait3A_313 = arith.constant 0 : i32
            %dma_wait3A_314 = tpu.memref_slice %arg11[%rem3A_279, %dma_wait3A_312, %dma_wait3A_313] : memref<2x32x64xi32, #tpu.memory_space<vmem>> -> memref<1x32x64xi32, #tpu.memory_space<vmem>>
            %dma_wait3A_315 = tpu.memref_squeeze %dma_wait3A_314 : memref<1x32x64xi32, #tpu.memory_space<vmem>> -> memref<32x64xi32, #tpu.memory_space<vmem>>
            %dma_wait3A_316 = arith.constant 0 : i32
            %dma_wait3A_317 = tpu.memref_slice %arg6[%add3A_292, %dma_wait3A_316] : memref<2560x64xi32, #tpu.memory_space<hbm>> -> memref<32x64xi32, #tpu.memory_space<hbm>>
            tpu.wait_dma2 semaphore(%run_scoped3A_293 : memref<!tpu.dma_semaphore, #tpu.memory_space<semaphore_mem>>) src(%dma_wait3A_317 : memref<32x64xi32, #tpu.memory_space<hbm>>) dst(%dma_wait3A_315 : memref<32x64xi32, #tpu.memory_space<vmem>>)
            tpu.yield
          }) : () -> ()
        } else {
        }
      } else {
      }
      %div3A_218 = arith.constant 32 : i32
      %div3A_219 = arith.divsi %scan3A_210, %div3A_218 : i32
      %rem3A_220 = arith.constant 2 : i32
      %rem3A_221 = arith.remsi %div3A_219, %rem3A_220 : i32
      %rem3A_222 = arith.constant 32 : i32
      %rem3A_223 = arith.remsi %scan3A_210, %rem3A_222 : i32
      %rem3A_224 = arith.constant 4 : i32
      %rem3A_225 = arith.remsi %scan3A_210, %rem3A_224 : i32
      %dma_wait3A_226 = arith.constant 0 : i32
      %dma_wait3A_227 = arith.constant 0 : i32
      %dma_wait3A_228 = tpu.memref_slice %arg12[%rem3A_225, %dma_wait3A_226, %dma_wait3A_227] : memref<4x64x128xf32, #tpu.memory_space<vmem>> -> memref<1x64x128xf32, #tpu.memory_space<vmem>>
      %dma_wait3A_229 = tpu.memref_squeeze %dma_wait3A_228 : memref<1x64x128xf32, #tpu.memory_space<vmem>> -> memref<64x128xf32, #tpu.memory_space<vmem>>
      %dma_wait3A_230 = arith.constant 0 : i32
      %dma_wait3A_231 = tpu.memref_slice %arg10[%rem3A_221, %rem3A_223, %dma_wait3A_230] : memref<2x32x64xi32, #tpu.memory_space<vmem>> -> memref<1x1x64xi32, #tpu.memory_space<vmem>>
      %dma_wait3A_232 = tpu.memref_squeeze %dma_wait3A_231 : memref<1x1x64xi32, #tpu.memory_space<vmem>> -> memref<64xi32, #tpu.memory_space<vmem>>
      %dma_wait3A_233 = arith.constant 0 : i32
      %dma_wait3A_234 = arith.constant 0 : i32
      %dma_wait3A_235 = tpu.memref_slice %arg2[%dma_wait3A_233, %dma_wait3A_234] : memref<20000x128xf32, #tpu.memory_space<hbm>> -> memref<20000x128xf32, #tpu.memory_space<hbm>>
      tpu.wait_indirect_dma semaphore(%arg14 : memref<!tpu.dma_semaphore, #tpu.memory_space<semaphore_mem>>) src(%dma_wait3A_235 : memref<20000x128xf32, #tpu.memory_space<hbm>>) dst(%dma_wait3A_229 : memref<64x128xf32, #tpu.memory_space<vmem>>)
      %div3A_236 = arith.constant 32 : i32
      %div3A_237 = arith.divsi %scan3A_210, %div3A_236 : i32
      %rem3A_238 = arith.constant 2 : i32
      %rem3A_239 = arith.remsi %div3A_237, %rem3A_238 : i32
      %rem3A_240 = arith.constant 32 : i32
      %rem3A_241 = arith.remsi %scan3A_210, %rem3A_240 : i32
      %rem3A_242 = arith.constant 4 : i32
      %rem3A_243 = arith.remsi %scan3A_210, %rem3A_242 : i32
      %dma_start3A_244 = arith.constant 0 : i32
      %dma_start3A_245 = arith.constant 0 : i32
      %dma_start3A_246 = tpu.memref_slice %arg12[%rem3A_243, %dma_start3A_244, %dma_start3A_245] : memref<4x64x128xf32, #tpu.memory_space<vmem>> -> memref<1x64x128xf32, #tpu.memory_space<vmem>>
      %dma_start3A_247 = tpu.memref_squeeze %dma_start3A_246 : memref<1x64x128xf32, #tpu.memory_space<vmem>> -> memref<64x128xf32, #tpu.memory_space<vmem>>
      %dma_start3A_248 = arith.constant 0 : i32
      %dma_start3A_249 = tpu.memref_slice %arg11[%rem3A_239, %rem3A_241, %dma_start3A_248] : memref<2x32x64xi32, #tpu.memory_space<vmem>> -> memref<1x1x64xi32, #tpu.memory_space<vmem>>
      %dma_start3A_250 = tpu.memref_squeeze %dma_start3A_249 : memref<1x1x64xi32, #tpu.memory_space<vmem>> -> memref<64xi32, #tpu.memory_space<vmem>>
      %dma_start3A_251 = arith.constant 0 : i32
      %dma_start3A_252 = arith.constant 0 : i32
      %dma_start3A_253 = tpu.memref_slice %arg13[%dma_start3A_251, %dma_start3A_252] : memref<10112x128xf32, #tpu.memory_space<vmem_shared>> -> memref<10112x128xf32, #tpu.memory_space<vmem_shared>>
      tpu.enqueue_indirect_dma source(%dma_start3A_247 : memref<64x128xf32, #tpu.memory_space<vmem>>) target(%dma_start3A_253 : memref<10112x128xf32, #tpu.memory_space<vmem_shared>>) offsets(%dma_start3A_250 : memref<64xi32, #tpu.memory_space<vmem>>) semaphore(%arg15 : memref<!tpu.dma_semaphore, #tpu.memory_space<semaphore_mem>>) {add = true}
      %ge3A = arith.constant 2 : i32
      %ge3A_254 = arith.cmpi sge, %scan3A_210, %ge3A : i32
      %convert_element_type3A_255 = arith.extui %ge3A_254 : i1 to i32
      %cond3A_256 = arith.constant 0 : i32
      %cond3A_257 = arith.cmpi ne, %convert_element_type3A_255, %cond3A_256 : i32
      scf.if %cond3A_257 {
        %dma_wait3A_265 = arith.constant 0 : i32
        %dma_wait3A_266 = arith.constant 0 : i32
        %dma_wait3A_267 = arith.constant 0 : i32
        %dma_wait3A_268 = tpu.memref_slice %arg12[%dma_wait3A_265, %dma_wait3A_266, %dma_wait3A_267] : memref<4x64x128xf32, #tpu.memory_space<vmem>> -> memref<1x64x128xf32, #tpu.memory_space<vmem>>
        %dma_wait3A_269 = tpu.memref_squeeze %dma_wait3A_268 : memref<1x64x128xf32, #tpu.memory_space<vmem>> -> memref<64x128xf32, #tpu.memory_space<vmem>>
        %dma_wait3A_270 = arith.constant 0 : i32
        %dma_wait3A_271 = arith.constant 0 : i32
        %dma_wait3A_272 = tpu.memref_slice %arg2[%dma_wait3A_270, %dma_wait3A_271] : memref<20000x128xf32, #tpu.memory_space<hbm>> -> memref<64x128xf32, #tpu.memory_space<hbm>>
        %dma_wait3A_273 = arith.constant 0 : i32
        %dma_wait3A_274 = arith.constant 0 : i32
        %dma_wait3A_275 = tpu.memref_slice %arg12[%dma_wait3A_265, %dma_wait3A_273, %dma_wait3A_274] : memref<4x64x128xf32, #tpu.memory_space<vmem>> -> memref<1x64x128xf32, #tpu.memory_space<vmem>>
        %dma_wait3A_276 = tpu.memref_squeeze %dma_wait3A_275 : memref<1x64x128xf32, #tpu.memory_space<vmem>> -> memref<64x128xf32, #tpu.memory_space<vmem>>
        %dma_wait3A_277 = arith.constant 0 : i32
        %dma_wait3A_278 = arith.constant 0 : i32
        %dma_wait3A_279 = tpu.memref_slice %arg2[%dma_wait3A_277, %dma_wait3A_278] : memref<20000x128xf32, #tpu.memory_space<hbm>> -> memref<64x128xf32, #tpu.memory_space<hbm>>
        tpu.wait_dma2 semaphore(%arg15 : memref<!tpu.dma_semaphore, #tpu.memory_space<semaphore_mem>>) src(%dma_wait3A_279 : memref<64x128xf32, #tpu.memory_space<hbm>>) dst(%dma_wait3A_276 : memref<64x128xf32, #tpu.memory_space<vmem>>)
      } else {
      }
      %add3A_258 = arith.constant 2 : i32
      %add3A_259 = arith.addi %scan3A_210, %add3A_258 : i32
      %lt3A_260 = arith.constant 160 : i32
      %lt3A_261 = arith.cmpi slt, %add3A_259, %lt3A_260 : i32
      %convert_element_type3A_262 = arith.extui %lt3A_261 : i1 to i32
      %cond3A_263 = arith.constant 0 : i32
      %cond3A_264 = arith.cmpi ne, %convert_element_type3A_262, %cond3A_263 : i32
      scf.if %cond3A_264 {
        %add3A_265 = arith.constant 2 : i32
        %add3A_266 = arith.addi %scan3A_210, %add3A_265 : i32
        %div3A_267 = arith.constant 32 : i32
        %div3A_268 = arith.divsi %add3A_266, %div3A_267 : i32
        %rem3A_269 = arith.constant 2 : i32
        %rem3A_270 = arith.remsi %div3A_268, %rem3A_269 : i32
        %rem3A_271 = arith.constant 32 : i32
        %rem3A_272 = arith.remsi %add3A_266, %rem3A_271 : i32
        %rem3A_273 = arith.constant 4 : i32
        %rem3A_274 = arith.remsi %add3A_266, %rem3A_273 : i32
        %dma_start3A_275 = arith.constant 0 : i32
        %dma_start3A_276 = arith.constant 0 : i32
        %dma_start3A_277 = tpu.memref_slice %arg12[%rem3A_274, %dma_start3A_275, %dma_start3A_276] : memref<4x64x128xf32, #tpu.memory_space<vmem>> -> memref<1x64x128xf32, #tpu.memory_space<vmem>>
        %dma_start3A_278 = tpu.memref_squeeze %dma_start3A_277 : memref<1x64x128xf32, #tpu.memory_space<vmem>> -> memref<64x128xf32, #tpu.memory_space<vmem>>
        %dma_start3A_279 = arith.constant 0 : i32
        %dma_start3A_280 = tpu.memref_slice %arg10[%rem3A_270, %rem3A_272, %dma_start3A_279] : memref<2x32x64xi32, #tpu.memory_space<vmem>> -> memref<1x1x64xi32, #tpu.memory_space<vmem>>
        %dma_start3A_281 = tpu.memref_squeeze %dma_start3A_280 : memref<1x1x64xi32, #tpu.memory_space<vmem>> -> memref<64xi32, #tpu.memory_space<vmem>>
        %dma_start3A_282 = arith.constant 0 : i32
        %dma_start3A_283 = arith.constant 0 : i32
        %dma_start3A_284 = tpu.memref_slice %arg2[%dma_start3A_282, %dma_start3A_283] : memref<20000x128xf32, #tpu.memory_space<hbm>> -> memref<20000x128xf32, #tpu.memory_space<hbm>>
        tpu.enqueue_indirect_dma source(%dma_start3A_284 : memref<20000x128xf32, #tpu.memory_space<hbm>>) target(%dma_start3A_278 : memref<64x128xf32, #tpu.memory_space<vmem>>) offsets(%dma_start3A_281 : memref<64xi32, #tpu.memory_space<vmem>>) semaphore(%arg14 : memref<!tpu.dma_semaphore, #tpu.memory_space<semaphore_mem>>)
      } else {
      }
    }
    %scan3A_168 = arith.constant 160 : i32
    %dma_wait3A_169 = arith.constant 0 : i32
    %dma_wait3A_170 = arith.constant 0 : i32
    %dma_wait3A_171 = arith.constant 0 : i32
    %dma_wait3A_172 = tpu.memref_slice %arg12[%dma_wait3A_169, %dma_wait3A_170, %dma_wait3A_171] : memref<4x64x128xf32, #tpu.memory_space<vmem>> -> memref<1x64x128xf32, #tpu.memory_space<vmem>>
    %dma_wait3A_173 = tpu.memref_squeeze %dma_wait3A_172 : memref<1x64x128xf32, #tpu.memory_space<vmem>> -> memref<64x128xf32, #tpu.memory_space<vmem>>
    %dma_wait3A_174 = arith.constant 0 : i32
    %dma_wait3A_175 = arith.constant 0 : i32
    %dma_wait3A_176 = tpu.memref_slice %arg2[%dma_wait3A_174, %dma_wait3A_175] : memref<20000x128xf32, #tpu.memory_space<hbm>> -> memref<64x128xf32, #tpu.memory_space<hbm>>
    %dma_wait3A_177 = arith.constant 0 : i32
    %dma_wait3A_178 = arith.constant 0 : i32
    %dma_wait3A_179 = tpu.memref_slice %arg12[%dma_wait3A_169, %dma_wait3A_177, %dma_wait3A_178] : memref<4x64x128xf32, #tpu.memory_space<vmem>> -> memref<1x64x128xf32, #tpu.memory_space<vmem>>
    %dma_wait3A_180 = tpu.memref_squeeze %dma_wait3A_179 : memref<1x64x128xf32, #tpu.memory_space<vmem>> -> memref<64x128xf32, #tpu.memory_space<vmem>>
    %dma_wait3A_181 = arith.constant 0 : i32
    %dma_wait3A_182 = arith.constant 0 : i32
    %dma_wait3A_183 = tpu.memref_slice %arg2[%dma_wait3A_181, %dma_wait3A_182] : memref<20000x128xf32, #tpu.memory_space<hbm>> -> memref<64x128xf32, #tpu.memory_space<hbm>>
    tpu.wait_dma2 semaphore(%arg15 : memref<!tpu.dma_semaphore, #tpu.memory_space<semaphore_mem>>) src(%dma_wait3A_183 : memref<64x128xf32, #tpu.memory_space<hbm>>) dst(%dma_wait3A_180 : memref<64x128xf32, #tpu.memory_space<vmem>>)
    %dma_wait3A_184 = arith.constant 0 : i32
    %dma_wait3A_185 = arith.constant 0 : i32
    %dma_wait3A_186 = arith.constant 0 : i32
    %dma_wait3A_187 = tpu.memref_slice %arg12[%dma_wait3A_184, %dma_wait3A_185, %dma_wait3A_186] : memref<4x64x128xf32, #tpu.memory_space<vmem>> -> memref<1x64x128xf32, #tpu.memory_space<vmem>>
    %dma_wait3A_188 = tpu.memref_squeeze %dma_wait3A_187 : memref<1x64x128xf32, #tpu.memory_space<vmem>> -> memref<64x128xf32, #tpu.memory_space<vmem>>
    %dma_wait3A_189 = arith.constant 0 : i32
    %dma_wait3A_190 = arith.constant 0 : i32
    %dma_wait3A_191 = tpu.memref_slice %arg2[%dma_wait3A_189, %dma_wait3A_190] : memref<20000x128xf32, #tpu.memory_space<hbm>> -> memref<64x128xf32, #tpu.memory_space<hbm>>
    %dma_wait3A_192 = arith.constant 0 : i32
    %dma_wait3A_193 = arith.constant 0 : i32
    %dma_wait3A_194 = tpu.memref_slice %arg12[%dma_wait3A_184, %dma_wait3A_192, %dma_wait3A_193] : memref<4x64x128xf32, #tpu.memory_space<vmem>> -> memref<1x64x128xf32, #tpu.memory_space<vmem>>
    %dma_wait3A_195 = tpu.memref_squeeze %dma_wait3A_194 : memref<1x64x128xf32, #tpu.memory_space<vmem>> -> memref<64x128xf32, #tpu.memory_space<vmem>>
    %dma_wait3A_196 = arith.constant 0 : i32
    %dma_wait3A_197 = arith.constant 0 : i32
    %dma_wait3A_198 = tpu.memref_slice %arg2[%dma_wait3A_196, %dma_wait3A_197] : memref<20000x128xf32, #tpu.memory_space<hbm>> -> memref<64x128xf32, #tpu.memory_space<hbm>>
    tpu.wait_dma2 semaphore(%arg15 : memref<!tpu.dma_semaphore, #tpu.memory_space<semaphore_mem>>) src(%dma_wait3A_198 : memref<64x128xf32, #tpu.memory_space<hbm>>) dst(%dma_wait3A_195 : memref<64x128xf32, #tpu.memory_space<vmem>>)
    %barrier3A_199 = arith.constant 0 : index
    tpu.barrier barrier_id(%barrier3A_199)
    %lt3A_200 = arith.constant 15 : i32
    %lt3A_201 = arith.cmpi slt, %arg1, %lt3A_200 : i32
    %convert_element_type3A_202 = arith.extui %lt3A_201 : i1 to i32
    %cond3A_203 = arith.constant 0 : i32
    %cond3A_204 = arith.cmpi ne, %convert_element_type3A_202, %cond3A_203 : i32
    scf.if %cond3A_204 {
      %mul3A_210 = arith.constant 640 : i32
      %mul3A_211 = arith.muli %arg1, %mul3A_210 : i32
      %mul3A_212 = arith.constant 10000 : i32
      %mul3A_213 = arith.muli %arg0, %mul3A_212 : i32
      %mul3A_214 = arith.constant 640 : i32
      %mul3A_215 = arith.muli %arg1, %mul3A_214 : i32
      %add3A_216 = arith.addi %mul3A_213, %mul3A_215 : i32
      "tpu.region"() ({
        %run_scoped3A_217 = tpu.sem_alloc : memref<!tpu.dma_semaphore, #tpu.memory_space<semaphore_mem>>
        %dma_start3A_218 = arith.constant 0 : i32
        %dma_start3A_219 = tpu.memref_slice %arg9[%add3A_216, %dma_start3A_218] : memref<20000x128xf32, #tpu.memory_space<hbm>> -> memref<640x128xf32, #tpu.memory_space<hbm>>
        %dma_start3A_220 = arith.constant 0 : i32
        %dma_start3A_221 = tpu.memref_slice %arg13[%mul3A_211, %dma_start3A_220] : memref<10112x128xf32, #tpu.memory_space<vmem_shared>> -> memref<640x128xf32, #tpu.memory_space<vmem_shared>>
        tpu.enqueue_dma source(%dma_start3A_221 : memref<640x128xf32, #tpu.memory_space<vmem_shared>>) target(%dma_start3A_219 : memref<640x128xf32, #tpu.memory_space<hbm>>) target_semaphore(%run_scoped3A_217 : memref<!tpu.dma_semaphore, #tpu.memory_space<semaphore_mem>>)
        %dma_wait3A_222 = arith.constant 0 : i32
        %dma_wait3A_223 = tpu.memref_slice %arg9[%add3A_216, %dma_wait3A_222] : memref<20000x128xf32, #tpu.memory_space<hbm>> -> memref<640x128xf32, #tpu.memory_space<hbm>>
        %dma_wait3A_224 = arith.constant 0 : i32
        %dma_wait3A_225 = tpu.memref_slice %arg13[%mul3A_211, %dma_wait3A_224] : memref<10112x128xf32, #tpu.memory_space<vmem_shared>> -> memref<640x128xf32, #tpu.memory_space<vmem_shared>>
        tpu.wait_dma2 semaphore(%run_scoped3A_217 : memref<!tpu.dma_semaphore, #tpu.memory_space<semaphore_mem>>) src(%dma_wait3A_225 : memref<640x128xf32, #tpu.memory_space<vmem_shared>>) dst(%dma_wait3A_223 : memref<640x128xf32, #tpu.memory_space<hbm>>)
        tpu.yield
      }) : () -> ()
    } else {
    }
    %eq3A_205 = arith.constant 15 : i32
    %eq3A_206 = arith.cmpi eq, %arg1, %eq3A_205 : i32
    %convert_element_type3A_207 = arith.extui %eq3A_206 : i1 to i32
    %cond3A_208 = arith.constant 0 : i32
    %cond3A_209 = arith.cmpi ne, %convert_element_type3A_207, %cond3A_208 : i32
    scf.if %cond3A_209 {
      %mul3A_210 = arith.constant 10000 : i32
      %mul3A_211 = arith.muli %arg0, %mul3A_210 : i32
      %add3A_212 = arith.constant 9600 : i32
      %add3A_213 = arith.addi %mul3A_211, %add3A_212 : i32
      "tpu.region"() ({
        %run_scoped3A_214 = tpu.sem_alloc : memref<!tpu.dma_semaphore, #tpu.memory_space<semaphore_mem>>
        %dma_start3A_215 = arith.constant 0 : i32
        %dma_start3A_216 = tpu.memref_slice %arg9[%add3A_213, %dma_start3A_215] : memref<20000x128xf32, #tpu.memory_space<hbm>> -> memref<400x128xf32, #tpu.memory_space<hbm>>
        %dma_start3A_217 = arith.constant 9600 : i32
        %dma_start3A_218 = arith.constant 0 : i32
        %dma_start3A_219 = tpu.memref_slice %arg13[%dma_start3A_217, %dma_start3A_218] : memref<10112x128xf32, #tpu.memory_space<vmem_shared>> -> memref<400x128xf32, #tpu.memory_space<vmem_shared>>
        tpu.enqueue_dma source(%dma_start3A_219 : memref<400x128xf32, #tpu.memory_space<vmem_shared>>) target(%dma_start3A_216 : memref<400x128xf32, #tpu.memory_space<hbm>>) target_semaphore(%run_scoped3A_214 : memref<!tpu.dma_semaphore, #tpu.memory_space<semaphore_mem>>)
        %dma_wait3A_220 = arith.constant 0 : i32
        %dma_wait3A_221 = tpu.memref_slice %arg9[%add3A_213, %dma_wait3A_220] : memref<20000x128xf32, #tpu.memory_space<hbm>> -> memref<400x128xf32, #tpu.memory_space<hbm>>
        %dma_wait3A_222 = arith.constant 9600 : i32
        %dma_wait3A_223 = arith.constant 0 : i32
        %dma_wait3A_224 = tpu.memref_slice %arg13[%dma_wait3A_222, %dma_wait3A_223] : memref<10112x128xf32, #tpu.memory_space<vmem_shared>> -> memref<400x128xf32, #tpu.memory_space<vmem_shared>>
        tpu.wait_dma2 semaphore(%run_scoped3A_214 : memref<!tpu.dma_semaphore, #tpu.memory_space<semaphore_mem>>) src(%dma_wait3A_224 : memref<400x128xf32, #tpu.memory_space<vmem_shared>>) dst(%dma_wait3A_221 : memref<400x128xf32, #tpu.memory_space<hbm>>)
        tpu.yield
      }) : () -> ()
    } else {
    }
    return
  }
}

#map = affine_map<(d0, d1) -> (0, 0)>
module attributes {stable_mosaic.version = 14 : i64} {
  func.func @_k3_aggregate(%arg0: i32, %arg1: i32, %arg2: memref<20000x128xf32, #tpu.memory_space<hbm>>, %arg3: memref<20000x128xf32, #tpu.memory_space<hbm>>, %arg4: memref<5120x64xi32, #tpu.memory_space<hbm>>, %arg5: memref<2560x64xi32, #tpu.memory_space<hbm>>, %arg6: memref<5120x64xi32, #tpu.memory_space<hbm>>, %arg7: memref<2560x64xi32, #tpu.memory_space<hbm>>, %arg8: memref<10112x128xf32, #tpu.memory_space<hbm>>, %arg9: memref<20000x128xf32, #tpu.memory_space<hbm>>, %arg10: memref<2x32x64xi32, #tpu.memory_space<vmem>>, %arg11: memref<2x32x64xi32, #tpu.memory_space<vmem>>, %arg12: memref<4x64x128xf32, #tpu.memory_space<vmem>>, %arg13: memref<10112x128xf32, #tpu.memory_space<vmem_shared>>, %arg14: memref<!tpu.dma_semaphore, #tpu.memory_space<semaphore_mem>>, %arg15: memref<!tpu.dma_semaphore, #tpu.memory_space<semaphore_mem>>) attributes {dimension_semantics = [#tpu.dimension_semantics<core_parallel>, #tpu.dimension_semantics<subcore_parallel>], iteration_bounds = array<i64: 2, 16>, scalar_prefetch = 0 : i64, scratch_operands = 6 : i64, tpu.core_type = #tpu.core_type<sc_vector_subcore>, window_params = [{transform_indices = #map}, {transform_indices = #map}, {transform_indices = #map}, {transform_indices = #map}, {transform_indices = #map}, {transform_indices = #map}, {transform_indices = #map}, {transform_indices = #map}]} {
    %mul3A = arith.constant 632 : i32
    %mul3A_0 = arith.muli %arg1, %mul3A : i32
    %mul3A_1 = arith.constant 632 : i32
    %mul3A_2 = arith.muli %arg1, %mul3A_1 : i32
    "tpu.region"() ({
      %run_scoped3A_193 = tpu.sem_alloc : memref<!tpu.dma_semaphore, #tpu.memory_space<semaphore_mem>>
      %dma_start3A_194 = arith.constant 0 : i32
      %dma_start3A_195 = tpu.memref_slice %arg13[%mul3A_2, %dma_start3A_194] : memref<10112x128xf32, #tpu.memory_space<vmem_shared>> -> memref<632x128xf32, #tpu.memory_space<vmem_shared>>
      %dma_start3A_196 = arith.constant 0 : i32
      %dma_start3A_197 = tpu.memref_slice %arg8[%mul3A_0, %dma_start3A_196] : memref<10112x128xf32, #tpu.memory_space<hbm>> -> memref<632x128xf32, #tpu.memory_space<hbm>>
      tpu.enqueue_dma source(%dma_start3A_197 : memref<632x128xf32, #tpu.memory_space<hbm>>) target(%dma_start3A_195 : memref<632x128xf32, #tpu.memory_space<vmem_shared>>) target_semaphore(%run_scoped3A_193 : memref<!tpu.dma_semaphore, #tpu.memory_space<semaphore_mem>>)
      %dma_wait3A_198 = arith.constant 0 : i32
      %dma_wait3A_199 = tpu.memref_slice %arg13[%mul3A_2, %dma_wait3A_198] : memref<10112x128xf32, #tpu.memory_space<vmem_shared>> -> memref<632x128xf32, #tpu.memory_space<vmem_shared>>
      %dma_wait3A_200 = arith.constant 0 : i32
      %dma_wait3A_201 = tpu.memref_slice %arg8[%mul3A_0, %dma_wait3A_200] : memref<10112x128xf32, #tpu.memory_space<hbm>> -> memref<632x128xf32, #tpu.memory_space<hbm>>
      tpu.wait_dma2 semaphore(%run_scoped3A_193 : memref<!tpu.dma_semaphore, #tpu.memory_space<semaphore_mem>>) src(%dma_wait3A_201 : memref<632x128xf32, #tpu.memory_space<hbm>>) dst(%dma_wait3A_199 : memref<632x128xf32, #tpu.memory_space<vmem_shared>>)
      tpu.yield
    }) : () -> ()
    %barrier3A = arith.constant 0 : index
    tpu.barrier barrier_id(%barrier3A)
    %mul3A_3 = arith.constant 2560 : i32
    %mul3A_4 = arith.muli %arg0, %mul3A_3 : i32
    %mul3A_5 = arith.constant 160 : i32
    %mul3A_6 = arith.muli %arg1, %mul3A_5 : i32
    %add3A = arith.addi %mul3A_4, %mul3A_6 : i32
    %mul3A_7 = arith.constant 0 : i32
    %mul3A_8 = arith.constant 32 : i32
    %mul3A_9 = arith.muli %mul3A_7, %mul3A_8 : i32
    %add3A_10 = arith.addi %add3A, %mul3A_9 : i32
    %run_scoped3A = arith.constant 0 : i32
    "tpu.region"() ({
      %run_scoped3A_193 = tpu.sem_alloc : memref<!tpu.dma_semaphore, #tpu.memory_space<semaphore_mem>>
      %dma_start3A_194 = arith.constant 0 : i32
      %dma_start3A_195 = arith.constant 0 : i32
      %dma_start3A_196 = tpu.memref_slice %arg10[%run_scoped3A, %dma_start3A_194, %dma_start3A_195] : memref<2x32x64xi32, #tpu.memory_space<vmem>> -> memref<1x32x64xi32, #tpu.memory_space<vmem>>
      %dma_start3A_197 = tpu.memref_squeeze %dma_start3A_196 : memref<1x32x64xi32, #tpu.memory_space<vmem>> -> memref<32x64xi32, #tpu.memory_space<vmem>>
      %dma_start3A_198 = arith.constant 0 : i32
      %dma_start3A_199 = tpu.memref_slice %arg4[%add3A_10, %dma_start3A_198] : memref<5120x64xi32, #tpu.memory_space<hbm>> -> memref<32x64xi32, #tpu.memory_space<hbm>>
      %dma_start3A_200 = arith.constant 0 : i32
      %dma_start3A_201 = arith.constant 0 : i32
      %dma_start3A_202 = tpu.memref_slice %arg10[%run_scoped3A, %dma_start3A_200, %dma_start3A_201] : memref<2x32x64xi32, #tpu.memory_space<vmem>> -> memref<1x32x64xi32, #tpu.memory_space<vmem>>
      %dma_start3A_203 = tpu.memref_squeeze %dma_start3A_202 : memref<1x32x64xi32, #tpu.memory_space<vmem>> -> memref<32x64xi32, #tpu.memory_space<vmem>>
      %dma_start3A_204 = arith.constant 0 : i32
      %dma_start3A_205 = tpu.memref_slice %arg4[%add3A_10, %dma_start3A_204] : memref<5120x64xi32, #tpu.memory_space<hbm>> -> memref<32x64xi32, #tpu.memory_space<hbm>>
      tpu.enqueue_dma source(%dma_start3A_205 : memref<32x64xi32, #tpu.memory_space<hbm>>) target(%dma_start3A_203 : memref<32x64xi32, #tpu.memory_space<vmem>>) target_semaphore(%run_scoped3A_193 : memref<!tpu.dma_semaphore, #tpu.memory_space<semaphore_mem>>)
      %dma_wait3A_206 = arith.constant 0 : i32
      %dma_wait3A_207 = arith.constant 0 : i32
      %dma_wait3A_208 = tpu.memref_slice %arg10[%run_scoped3A, %dma_wait3A_206, %dma_wait3A_207] : memref<2x32x64xi32, #tpu.memory_space<vmem>> -> memref<1x32x64xi32, #tpu.memory_space<vmem>>
      %dma_wait3A_209 = tpu.memref_squeeze %dma_wait3A_208 : memref<1x32x64xi32, #tpu.memory_space<vmem>> -> memref<32x64xi32, #tpu.memory_space<vmem>>
      %dma_wait3A_210 = arith.constant 0 : i32
      %dma_wait3A_211 = tpu.memref_slice %arg4[%add3A_10, %dma_wait3A_210] : memref<5120x64xi32, #tpu.memory_space<hbm>> -> memref<32x64xi32, #tpu.memory_space<hbm>>
      %dma_wait3A_212 = arith.constant 0 : i32
      %dma_wait3A_213 = arith.constant 0 : i32
      %dma_wait3A_214 = tpu.memref_slice %arg10[%run_scoped3A, %dma_wait3A_212, %dma_wait3A_213] : memref<2x32x64xi32, #tpu.memory_space<vmem>> -> memref<1x32x64xi32, #tpu.memory_space<vmem>>
      %dma_wait3A_215 = tpu.memref_squeeze %dma_wait3A_214 : memref<1x32x64xi32, #tpu.memory_space<vmem>> -> memref<32x64xi32, #tpu.memory_space<vmem>>
      %dma_wait3A_216 = arith.constant 0 : i32
      %dma_wait3A_217 = tpu.memref_slice %arg4[%add3A_10, %dma_wait3A_216] : memref<5120x64xi32, #tpu.memory_space<hbm>> -> memref<32x64xi32, #tpu.memory_space<hbm>>
      tpu.wait_dma2 semaphore(%run_scoped3A_193 : memref<!tpu.dma_semaphore, #tpu.memory_space<semaphore_mem>>) src(%dma_wait3A_217 : memref<32x64xi32, #tpu.memory_space<hbm>>) dst(%dma_wait3A_215 : memref<32x64xi32, #tpu.memory_space<vmem>>)
      tpu.yield
    }) : () -> ()
    %mul3A_11 = arith.constant 160 : i32
    %mul3A_12 = arith.muli %arg1, %mul3A_11 : i32
    %mul3A_13 = arith.constant 0 : i32
    %mul3A_14 = arith.constant 32 : i32
    %mul3A_15 = arith.muli %mul3A_13, %mul3A_14 : i32
    %add3A_16 = arith.addi %mul3A_12, %mul3A_15 : i32
    %run_scoped3A_17 = arith.constant 0 : i32
    "tpu.region"() ({
      %run_scoped3A_193 = tpu.sem_alloc : memref<!tpu.dma_semaphore, #tpu.memory_space<semaphore_mem>>
      %dma_start3A_194 = arith.constant 0 : i32
      %dma_start3A_195 = arith.constant 0 : i32
      %dma_start3A_196 = tpu.memref_slice %arg11[%run_scoped3A_17, %dma_start3A_194, %dma_start3A_195] : memref<2x32x64xi32, #tpu.memory_space<vmem>> -> memref<1x32x64xi32, #tpu.memory_space<vmem>>
      %dma_start3A_197 = tpu.memref_squeeze %dma_start3A_196 : memref<1x32x64xi32, #tpu.memory_space<vmem>> -> memref<32x64xi32, #tpu.memory_space<vmem>>
      %dma_start3A_198 = arith.constant 0 : i32
      %dma_start3A_199 = tpu.memref_slice %arg5[%add3A_16, %dma_start3A_198] : memref<2560x64xi32, #tpu.memory_space<hbm>> -> memref<32x64xi32, #tpu.memory_space<hbm>>
      %dma_start3A_200 = arith.constant 0 : i32
      %dma_start3A_201 = arith.constant 0 : i32
      %dma_start3A_202 = tpu.memref_slice %arg11[%run_scoped3A_17, %dma_start3A_200, %dma_start3A_201] : memref<2x32x64xi32, #tpu.memory_space<vmem>> -> memref<1x32x64xi32, #tpu.memory_space<vmem>>
      %dma_start3A_203 = tpu.memref_squeeze %dma_start3A_202 : memref<1x32x64xi32, #tpu.memory_space<vmem>> -> memref<32x64xi32, #tpu.memory_space<vmem>>
      %dma_start3A_204 = arith.constant 0 : i32
      %dma_start3A_205 = tpu.memref_slice %arg5[%add3A_16, %dma_start3A_204] : memref<2560x64xi32, #tpu.memory_space<hbm>> -> memref<32x64xi32, #tpu.memory_space<hbm>>
      tpu.enqueue_dma source(%dma_start3A_205 : memref<32x64xi32, #tpu.memory_space<hbm>>) target(%dma_start3A_203 : memref<32x64xi32, #tpu.memory_space<vmem>>) target_semaphore(%run_scoped3A_193 : memref<!tpu.dma_semaphore, #tpu.memory_space<semaphore_mem>>)
      %dma_wait3A_206 = arith.constant 0 : i32
      %dma_wait3A_207 = arith.constant 0 : i32
      %dma_wait3A_208 = tpu.memref_slice %arg11[%run_scoped3A_17, %dma_wait3A_206, %dma_wait3A_207] : memref<2x32x64xi32, #tpu.memory_space<vmem>> -> memref<1x32x64xi32, #tpu.memory_space<vmem>>
      %dma_wait3A_209 = tpu.memref_squeeze %dma_wait3A_208 : memref<1x32x64xi32, #tpu.memory_space<vmem>> -> memref<32x64xi32, #tpu.memory_space<vmem>>
      %dma_wait3A_210 = arith.constant 0 : i32
      %dma_wait3A_211 = tpu.memref_slice %arg5[%add3A_16, %dma_wait3A_210] : memref<2560x64xi32, #tpu.memory_space<hbm>> -> memref<32x64xi32, #tpu.memory_space<hbm>>
      %dma_wait3A_212 = arith.constant 0 : i32
      %dma_wait3A_213 = arith.constant 0 : i32
      %dma_wait3A_214 = tpu.memref_slice %arg11[%run_scoped3A_17, %dma_wait3A_212, %dma_wait3A_213] : memref<2x32x64xi32, #tpu.memory_space<vmem>> -> memref<1x32x64xi32, #tpu.memory_space<vmem>>
      %dma_wait3A_215 = tpu.memref_squeeze %dma_wait3A_214 : memref<1x32x64xi32, #tpu.memory_space<vmem>> -> memref<32x64xi32, #tpu.memory_space<vmem>>
      %dma_wait3A_216 = arith.constant 0 : i32
      %dma_wait3A_217 = tpu.memref_slice %arg5[%add3A_16, %dma_wait3A_216] : memref<2560x64xi32, #tpu.memory_space<hbm>> -> memref<32x64xi32, #tpu.memory_space<hbm>>
      tpu.wait_dma2 semaphore(%run_scoped3A_193 : memref<!tpu.dma_semaphore, #tpu.memory_space<semaphore_mem>>) src(%dma_wait3A_217 : memref<32x64xi32, #tpu.memory_space<hbm>>) dst(%dma_wait3A_215 : memref<32x64xi32, #tpu.memory_space<vmem>>)
      tpu.yield
    }) : () -> ()
    %div3A = arith.constant 0 : i32
    %div3A_18 = arith.constant 32 : i32
    %div3A_19 = arith.divsi %div3A, %div3A_18 : i32
    %rem3A = arith.constant 2 : i32
    %rem3A_20 = arith.remsi %div3A_19, %rem3A : i32
    %rem3A_21 = arith.constant 0 : i32
    %rem3A_22 = arith.constant 32 : i32
    %rem3A_23 = arith.remsi %rem3A_21, %rem3A_22 : i32
    %rem3A_24 = arith.constant 0 : i32
    %rem3A_25 = arith.constant 4 : i32
    %rem3A_26 = arith.remsi %rem3A_24, %rem3A_25 : i32
    %dma_start3A = arith.constant 0 : i32
    %dma_start3A_27 = arith.constant 0 : i32
    %dma_start3A_28 = tpu.memref_slice %arg12[%rem3A_26, %dma_start3A, %dma_start3A_27] : memref<4x64x128xf32, #tpu.memory_space<vmem>> -> memref<1x64x128xf32, #tpu.memory_space<vmem>>
    %dma_start3A_29 = tpu.memref_squeeze %dma_start3A_28 : memref<1x64x128xf32, #tpu.memory_space<vmem>> -> memref<64x128xf32, #tpu.memory_space<vmem>>
    %dma_start3A_30 = arith.constant 0 : i32
    %dma_start3A_31 = tpu.memref_slice %arg10[%rem3A_20, %rem3A_23, %dma_start3A_30] : memref<2x32x64xi32, #tpu.memory_space<vmem>> -> memref<1x1x64xi32, #tpu.memory_space<vmem>>
    %dma_start3A_32 = tpu.memref_squeeze %dma_start3A_31 : memref<1x1x64xi32, #tpu.memory_space<vmem>> -> memref<64xi32, #tpu.memory_space<vmem>>
    %dma_start3A_33 = arith.constant 0 : i32
    %dma_start3A_34 = arith.constant 0 : i32
    %dma_start3A_35 = tpu.memref_slice %arg2[%dma_start3A_33, %dma_start3A_34] : memref<20000x128xf32, #tpu.memory_space<hbm>> -> memref<20000x128xf32, #tpu.memory_space<hbm>>
    tpu.enqueue_indirect_dma source(%dma_start3A_35 : memref<20000x128xf32, #tpu.memory_space<hbm>>) target(%dma_start3A_29 : memref<64x128xf32, #tpu.memory_space<vmem>>) offsets(%dma_start3A_32 : memref<64xi32, #tpu.memory_space<vmem>>) semaphore(%arg14 : memref<!tpu.dma_semaphore, #tpu.memory_space<semaphore_mem>>)
    %div3A_36 = arith.constant 1 : i32
    %div3A_37 = arith.constant 32 : i32
    %div3A_38 = arith.divsi %div3A_36, %div3A_37 : i32
    %rem3A_39 = arith.constant 2 : i32
    %rem3A_40 = arith.remsi %div3A_38, %rem3A_39 : i32
    %rem3A_41 = arith.constant 1 : i32
    %rem3A_42 = arith.constant 32 : i32
    %rem3A_43 = arith.remsi %rem3A_41, %rem3A_42 : i32
    %rem3A_44 = arith.constant 1 : i32
    %rem3A_45 = arith.constant 4 : i32
    %rem3A_46 = arith.remsi %rem3A_44, %rem3A_45 : i32
    %dma_start3A_47 = arith.constant 0 : i32
    %dma_start3A_48 = arith.constant 0 : i32
    %dma_start3A_49 = tpu.memref_slice %arg12[%rem3A_46, %dma_start3A_47, %dma_start3A_48] : memref<4x64x128xf32, #tpu.memory_space<vmem>> -> memref<1x64x128xf32, #tpu.memory_space<vmem>>
    %dma_start3A_50 = tpu.memref_squeeze %dma_start3A_49 : memref<1x64x128xf32, #tpu.memory_space<vmem>> -> memref<64x128xf32, #tpu.memory_space<vmem>>
    %dma_start3A_51 = arith.constant 0 : i32
    %dma_start3A_52 = tpu.memref_slice %arg10[%rem3A_40, %rem3A_43, %dma_start3A_51] : memref<2x32x64xi32, #tpu.memory_space<vmem>> -> memref<1x1x64xi32, #tpu.memory_space<vmem>>
    %dma_start3A_53 = tpu.memref_squeeze %dma_start3A_52 : memref<1x1x64xi32, #tpu.memory_space<vmem>> -> memref<64xi32, #tpu.memory_space<vmem>>
    %dma_start3A_54 = arith.constant 0 : i32
    %dma_start3A_55 = arith.constant 0 : i32
    %dma_start3A_56 = tpu.memref_slice %arg2[%dma_start3A_54, %dma_start3A_55] : memref<20000x128xf32, #tpu.memory_space<hbm>> -> memref<20000x128xf32, #tpu.memory_space<hbm>>
    tpu.enqueue_indirect_dma source(%dma_start3A_56 : memref<20000x128xf32, #tpu.memory_space<hbm>>) target(%dma_start3A_50 : memref<64x128xf32, #tpu.memory_space<vmem>>) offsets(%dma_start3A_53 : memref<64xi32, #tpu.memory_space<vmem>>) semaphore(%arg14 : memref<!tpu.dma_semaphore, #tpu.memory_space<semaphore_mem>>)
    %scan3A = arith.constant 0 : i32
    %scan3A_57 = arith.constant 0 : i32
    %scan3A_58 = arith.constant 160 : i32
    %scan3A_59 = arith.addi %scan3A_57, %scan3A_58 : i32
    %scan3A_60 = arith.constant 1 : i32
    scf.for %scan3A_193 = %scan3A_57 to %scan3A_59 step %scan3A_60  : i32 {
      %rem3A_194 = arith.constant 32 : i32
      %rem3A_195 = arith.remsi %scan3A_193, %rem3A_194 : i32
      %eq3A_196 = arith.constant 0 : i32
      %eq3A_197 = arith.cmpi eq, %rem3A_195, %eq3A_196 : i32
      %convert_element_type3A_198 = arith.extui %eq3A_197 : i1 to i32
      %cond3A_199 = arith.constant 0 : i32
      %cond3A_200 = arith.cmpi ne, %convert_element_type3A_198, %cond3A_199 : i32
      scf.if %cond3A_200 {
        %div3A_248 = arith.constant 32 : i32
        %div3A_249 = arith.divsi %scan3A_193, %div3A_248 : i32
        %add3A_250 = arith.constant 1 : i32
        %add3A_251 = arith.addi %div3A_249, %add3A_250 : i32
        %lt3A_252 = arith.constant 5 : i32
        %lt3A_253 = arith.cmpi slt, %add3A_251, %lt3A_252 : i32
        %convert_element_type3A_254 = arith.extui %lt3A_253 : i1 to i32
        %cond3A_255 = arith.constant 0 : i32
        %cond3A_256 = arith.cmpi ne, %convert_element_type3A_254, %cond3A_255 : i32
        scf.if %cond3A_256 {
          %add3A_257 = arith.constant 1 : i32
          %add3A_258 = arith.addi %div3A_249, %add3A_257 : i32
          %add3A_259 = arith.constant 1 : i32
          %add3A_260 = arith.addi %div3A_249, %add3A_259 : i32
          %rem3A_261 = arith.constant 2 : i32
          %rem3A_262 = arith.remsi %add3A_260, %rem3A_261 : i32
          %mul3A_263 = arith.constant 2560 : i32
          %mul3A_264 = arith.muli %arg0, %mul3A_263 : i32
          %mul3A_265 = arith.constant 160 : i32
          %mul3A_266 = arith.muli %arg1, %mul3A_265 : i32
          %add3A_267 = arith.addi %mul3A_264, %mul3A_266 : i32
          %mul3A_268 = arith.constant 32 : i32
          %mul3A_269 = arith.muli %add3A_258, %mul3A_268 : i32
          %add3A_270 = arith.addi %add3A_267, %mul3A_269 : i32
          "tpu.region"() ({
            %run_scoped3A_276 = tpu.sem_alloc : memref<!tpu.dma_semaphore, #tpu.memory_space<semaphore_mem>>
            %dma_start3A_277 = arith.constant 0 : i32
            %dma_start3A_278 = arith.constant 0 : i32
            %dma_start3A_279 = tpu.memref_slice %arg10[%rem3A_262, %dma_start3A_277, %dma_start3A_278] : memref<2x32x64xi32, #tpu.memory_space<vmem>> -> memref<1x32x64xi32, #tpu.memory_space<vmem>>
            %dma_start3A_280 = tpu.memref_squeeze %dma_start3A_279 : memref<1x32x64xi32, #tpu.memory_space<vmem>> -> memref<32x64xi32, #tpu.memory_space<vmem>>
            %dma_start3A_281 = arith.constant 0 : i32
            %dma_start3A_282 = tpu.memref_slice %arg4[%add3A_270, %dma_start3A_281] : memref<5120x64xi32, #tpu.memory_space<hbm>> -> memref<32x64xi32, #tpu.memory_space<hbm>>
            %dma_start3A_283 = arith.constant 0 : i32
            %dma_start3A_284 = arith.constant 0 : i32
            %dma_start3A_285 = tpu.memref_slice %arg10[%rem3A_262, %dma_start3A_283, %dma_start3A_284] : memref<2x32x64xi32, #tpu.memory_space<vmem>> -> memref<1x32x64xi32, #tpu.memory_space<vmem>>
            %dma_start3A_286 = tpu.memref_squeeze %dma_start3A_285 : memref<1x32x64xi32, #tpu.memory_space<vmem>> -> memref<32x64xi32, #tpu.memory_space<vmem>>
            %dma_start3A_287 = arith.constant 0 : i32
            %dma_start3A_288 = tpu.memref_slice %arg4[%add3A_270, %dma_start3A_287] : memref<5120x64xi32, #tpu.memory_space<hbm>> -> memref<32x64xi32, #tpu.memory_space<hbm>>
            tpu.enqueue_dma source(%dma_start3A_288 : memref<32x64xi32, #tpu.memory_space<hbm>>) target(%dma_start3A_286 : memref<32x64xi32, #tpu.memory_space<vmem>>) target_semaphore(%run_scoped3A_276 : memref<!tpu.dma_semaphore, #tpu.memory_space<semaphore_mem>>)
            %dma_wait3A_289 = arith.constant 0 : i32
            %dma_wait3A_290 = arith.constant 0 : i32
            %dma_wait3A_291 = tpu.memref_slice %arg10[%rem3A_262, %dma_wait3A_289, %dma_wait3A_290] : memref<2x32x64xi32, #tpu.memory_space<vmem>> -> memref<1x32x64xi32, #tpu.memory_space<vmem>>
            %dma_wait3A_292 = tpu.memref_squeeze %dma_wait3A_291 : memref<1x32x64xi32, #tpu.memory_space<vmem>> -> memref<32x64xi32, #tpu.memory_space<vmem>>
            %dma_wait3A_293 = arith.constant 0 : i32
            %dma_wait3A_294 = tpu.memref_slice %arg4[%add3A_270, %dma_wait3A_293] : memref<5120x64xi32, #tpu.memory_space<hbm>> -> memref<32x64xi32, #tpu.memory_space<hbm>>
            %dma_wait3A_295 = arith.constant 0 : i32
            %dma_wait3A_296 = arith.constant 0 : i32
            %dma_wait3A_297 = tpu.memref_slice %arg10[%rem3A_262, %dma_wait3A_295, %dma_wait3A_296] : memref<2x32x64xi32, #tpu.memory_space<vmem>> -> memref<1x32x64xi32, #tpu.memory_space<vmem>>
            %dma_wait3A_298 = tpu.memref_squeeze %dma_wait3A_297 : memref<1x32x64xi32, #tpu.memory_space<vmem>> -> memref<32x64xi32, #tpu.memory_space<vmem>>
            %dma_wait3A_299 = arith.constant 0 : i32
            %dma_wait3A_300 = tpu.memref_slice %arg4[%add3A_270, %dma_wait3A_299] : memref<5120x64xi32, #tpu.memory_space<hbm>> -> memref<32x64xi32, #tpu.memory_space<hbm>>
            tpu.wait_dma2 semaphore(%run_scoped3A_276 : memref<!tpu.dma_semaphore, #tpu.memory_space<semaphore_mem>>) src(%dma_wait3A_300 : memref<32x64xi32, #tpu.memory_space<hbm>>) dst(%dma_wait3A_298 : memref<32x64xi32, #tpu.memory_space<vmem>>)
            tpu.yield
          }) : () -> ()
          %mul3A_271 = arith.constant 160 : i32
          %mul3A_272 = arith.muli %arg1, %mul3A_271 : i32
          %mul3A_273 = arith.constant 32 : i32
          %mul3A_274 = arith.muli %add3A_258, %mul3A_273 : i32
          %add3A_275 = arith.addi %mul3A_272, %mul3A_274 : i32
          "tpu.region"() ({
            %run_scoped3A_276 = tpu.sem_alloc : memref<!tpu.dma_semaphore, #tpu.memory_space<semaphore_mem>>
            %dma_start3A_277 = arith.constant 0 : i32
            %dma_start3A_278 = arith.constant 0 : i32
            %dma_start3A_279 = tpu.memref_slice %arg11[%rem3A_262, %dma_start3A_277, %dma_start3A_278] : memref<2x32x64xi32, #tpu.memory_space<vmem>> -> memref<1x32x64xi32, #tpu.memory_space<vmem>>
            %dma_start3A_280 = tpu.memref_squeeze %dma_start3A_279 : memref<1x32x64xi32, #tpu.memory_space<vmem>> -> memref<32x64xi32, #tpu.memory_space<vmem>>
            %dma_start3A_281 = arith.constant 0 : i32
            %dma_start3A_282 = tpu.memref_slice %arg5[%add3A_275, %dma_start3A_281] : memref<2560x64xi32, #tpu.memory_space<hbm>> -> memref<32x64xi32, #tpu.memory_space<hbm>>
            %dma_start3A_283 = arith.constant 0 : i32
            %dma_start3A_284 = arith.constant 0 : i32
            %dma_start3A_285 = tpu.memref_slice %arg11[%rem3A_262, %dma_start3A_283, %dma_start3A_284] : memref<2x32x64xi32, #tpu.memory_space<vmem>> -> memref<1x32x64xi32, #tpu.memory_space<vmem>>
            %dma_start3A_286 = tpu.memref_squeeze %dma_start3A_285 : memref<1x32x64xi32, #tpu.memory_space<vmem>> -> memref<32x64xi32, #tpu.memory_space<vmem>>
            %dma_start3A_287 = arith.constant 0 : i32
            %dma_start3A_288 = tpu.memref_slice %arg5[%add3A_275, %dma_start3A_287] : memref<2560x64xi32, #tpu.memory_space<hbm>> -> memref<32x64xi32, #tpu.memory_space<hbm>>
            tpu.enqueue_dma source(%dma_start3A_288 : memref<32x64xi32, #tpu.memory_space<hbm>>) target(%dma_start3A_286 : memref<32x64xi32, #tpu.memory_space<vmem>>) target_semaphore(%run_scoped3A_276 : memref<!tpu.dma_semaphore, #tpu.memory_space<semaphore_mem>>)
            %dma_wait3A_289 = arith.constant 0 : i32
            %dma_wait3A_290 = arith.constant 0 : i32
            %dma_wait3A_291 = tpu.memref_slice %arg11[%rem3A_262, %dma_wait3A_289, %dma_wait3A_290] : memref<2x32x64xi32, #tpu.memory_space<vmem>> -> memref<1x32x64xi32, #tpu.memory_space<vmem>>
            %dma_wait3A_292 = tpu.memref_squeeze %dma_wait3A_291 : memref<1x32x64xi32, #tpu.memory_space<vmem>> -> memref<32x64xi32, #tpu.memory_space<vmem>>
            %dma_wait3A_293 = arith.constant 0 : i32
            %dma_wait3A_294 = tpu.memref_slice %arg5[%add3A_275, %dma_wait3A_293] : memref<2560x64xi32, #tpu.memory_space<hbm>> -> memref<32x64xi32, #tpu.memory_space<hbm>>
            %dma_wait3A_295 = arith.constant 0 : i32
            %dma_wait3A_296 = arith.constant 0 : i32
            %dma_wait3A_297 = tpu.memref_slice %arg11[%rem3A_262, %dma_wait3A_295, %dma_wait3A_296] : memref<2x32x64xi32, #tpu.memory_space<vmem>> -> memref<1x32x64xi32, #tpu.memory_space<vmem>>
            %dma_wait3A_298 = tpu.memref_squeeze %dma_wait3A_297 : memref<1x32x64xi32, #tpu.memory_space<vmem>> -> memref<32x64xi32, #tpu.memory_space<vmem>>
            %dma_wait3A_299 = arith.constant 0 : i32
            %dma_wait3A_300 = tpu.memref_slice %arg5[%add3A_275, %dma_wait3A_299] : memref<2560x64xi32, #tpu.memory_space<hbm>> -> memref<32x64xi32, #tpu.memory_space<hbm>>
            tpu.wait_dma2 semaphore(%run_scoped3A_276 : memref<!tpu.dma_semaphore, #tpu.memory_space<semaphore_mem>>) src(%dma_wait3A_300 : memref<32x64xi32, #tpu.memory_space<hbm>>) dst(%dma_wait3A_298 : memref<32x64xi32, #tpu.memory_space<vmem>>)
            tpu.yield
          }) : () -> ()
        } else {
        }
      } else {
      }
      %div3A_201 = arith.constant 32 : i32
      %div3A_202 = arith.divsi %scan3A_193, %div3A_201 : i32
      %rem3A_203 = arith.constant 2 : i32
      %rem3A_204 = arith.remsi %div3A_202, %rem3A_203 : i32
      %rem3A_205 = arith.constant 32 : i32
      %rem3A_206 = arith.remsi %scan3A_193, %rem3A_205 : i32
      %rem3A_207 = arith.constant 4 : i32
      %rem3A_208 = arith.remsi %scan3A_193, %rem3A_207 : i32
      %dma_wait3A_209 = arith.constant 0 : i32
      %dma_wait3A_210 = arith.constant 0 : i32
      %dma_wait3A_211 = tpu.memref_slice %arg12[%rem3A_208, %dma_wait3A_209, %dma_wait3A_210] : memref<4x64x128xf32, #tpu.memory_space<vmem>> -> memref<1x64x128xf32, #tpu.memory_space<vmem>>
      %dma_wait3A_212 = tpu.memref_squeeze %dma_wait3A_211 : memref<1x64x128xf32, #tpu.memory_space<vmem>> -> memref<64x128xf32, #tpu.memory_space<vmem>>
      %dma_wait3A_213 = arith.constant 0 : i32
      %dma_wait3A_214 = tpu.memref_slice %arg10[%rem3A_204, %rem3A_206, %dma_wait3A_213] : memref<2x32x64xi32, #tpu.memory_space<vmem>> -> memref<1x1x64xi32, #tpu.memory_space<vmem>>
      %dma_wait3A_215 = tpu.memref_squeeze %dma_wait3A_214 : memref<1x1x64xi32, #tpu.memory_space<vmem>> -> memref<64xi32, #tpu.memory_space<vmem>>
      %dma_wait3A_216 = arith.constant 0 : i32
      %dma_wait3A_217 = arith.constant 0 : i32
      %dma_wait3A_218 = tpu.memref_slice %arg2[%dma_wait3A_216, %dma_wait3A_217] : memref<20000x128xf32, #tpu.memory_space<hbm>> -> memref<20000x128xf32, #tpu.memory_space<hbm>>
      tpu.wait_indirect_dma semaphore(%arg14 : memref<!tpu.dma_semaphore, #tpu.memory_space<semaphore_mem>>) src(%dma_wait3A_218 : memref<20000x128xf32, #tpu.memory_space<hbm>>) dst(%dma_wait3A_212 : memref<64x128xf32, #tpu.memory_space<vmem>>)
      %div3A_219 = arith.constant 32 : i32
      %div3A_220 = arith.divsi %scan3A_193, %div3A_219 : i32
      %rem3A_221 = arith.constant 2 : i32
      %rem3A_222 = arith.remsi %div3A_220, %rem3A_221 : i32
      %rem3A_223 = arith.constant 32 : i32
      %rem3A_224 = arith.remsi %scan3A_193, %rem3A_223 : i32
      %rem3A_225 = arith.constant 4 : i32
      %rem3A_226 = arith.remsi %scan3A_193, %rem3A_225 : i32
      %dma_start3A_227 = arith.constant 0 : i32
      %dma_start3A_228 = arith.constant 0 : i32
      %dma_start3A_229 = tpu.memref_slice %arg12[%rem3A_226, %dma_start3A_227, %dma_start3A_228] : memref<4x64x128xf32, #tpu.memory_space<vmem>> -> memref<1x64x128xf32, #tpu.memory_space<vmem>>
      %dma_start3A_230 = tpu.memref_squeeze %dma_start3A_229 : memref<1x64x128xf32, #tpu.memory_space<vmem>> -> memref<64x128xf32, #tpu.memory_space<vmem>>
      %dma_start3A_231 = arith.constant 0 : i32
      %dma_start3A_232 = tpu.memref_slice %arg11[%rem3A_222, %rem3A_224, %dma_start3A_231] : memref<2x32x64xi32, #tpu.memory_space<vmem>> -> memref<1x1x64xi32, #tpu.memory_space<vmem>>
      %dma_start3A_233 = tpu.memref_squeeze %dma_start3A_232 : memref<1x1x64xi32, #tpu.memory_space<vmem>> -> memref<64xi32, #tpu.memory_space<vmem>>
      %dma_start3A_234 = arith.constant 0 : i32
      %dma_start3A_235 = arith.constant 0 : i32
      %dma_start3A_236 = tpu.memref_slice %arg13[%dma_start3A_234, %dma_start3A_235] : memref<10112x128xf32, #tpu.memory_space<vmem_shared>> -> memref<10112x128xf32, #tpu.memory_space<vmem_shared>>
      tpu.enqueue_indirect_dma source(%dma_start3A_230 : memref<64x128xf32, #tpu.memory_space<vmem>>) target(%dma_start3A_236 : memref<10112x128xf32, #tpu.memory_space<vmem_shared>>) offsets(%dma_start3A_233 : memref<64xi32, #tpu.memory_space<vmem>>) semaphore(%arg15 : memref<!tpu.dma_semaphore, #tpu.memory_space<semaphore_mem>>) {add = true}
      %ge3A = arith.constant 2 : i32
      %ge3A_237 = arith.cmpi sge, %scan3A_193, %ge3A : i32
      %convert_element_type3A_238 = arith.extui %ge3A_237 : i1 to i32
      %cond3A_239 = arith.constant 0 : i32
      %cond3A_240 = arith.cmpi ne, %convert_element_type3A_238, %cond3A_239 : i32
      scf.if %cond3A_240 {
        %dma_wait3A_248 = arith.constant 0 : i32
        %dma_wait3A_249 = arith.constant 0 : i32
        %dma_wait3A_250 = arith.constant 0 : i32
        %dma_wait3A_251 = tpu.memref_slice %arg12[%dma_wait3A_248, %dma_wait3A_249, %dma_wait3A_250] : memref<4x64x128xf32, #tpu.memory_space<vmem>> -> memref<1x64x128xf32, #tpu.memory_space<vmem>>
        %dma_wait3A_252 = tpu.memref_squeeze %dma_wait3A_251 : memref<1x64x128xf32, #tpu.memory_space<vmem>> -> memref<64x128xf32, #tpu.memory_space<vmem>>
        %dma_wait3A_253 = arith.constant 0 : i32
        %dma_wait3A_254 = arith.constant 0 : i32
        %dma_wait3A_255 = tpu.memref_slice %arg2[%dma_wait3A_253, %dma_wait3A_254] : memref<20000x128xf32, #tpu.memory_space<hbm>> -> memref<64x128xf32, #tpu.memory_space<hbm>>
        %dma_wait3A_256 = arith.constant 0 : i32
        %dma_wait3A_257 = arith.constant 0 : i32
        %dma_wait3A_258 = tpu.memref_slice %arg12[%dma_wait3A_248, %dma_wait3A_256, %dma_wait3A_257] : memref<4x64x128xf32, #tpu.memory_space<vmem>> -> memref<1x64x128xf32, #tpu.memory_space<vmem>>
        %dma_wait3A_259 = tpu.memref_squeeze %dma_wait3A_258 : memref<1x64x128xf32, #tpu.memory_space<vmem>> -> memref<64x128xf32, #tpu.memory_space<vmem>>
        %dma_wait3A_260 = arith.constant 0 : i32
        %dma_wait3A_261 = arith.constant 0 : i32
        %dma_wait3A_262 = tpu.memref_slice %arg2[%dma_wait3A_260, %dma_wait3A_261] : memref<20000x128xf32, #tpu.memory_space<hbm>> -> memref<64x128xf32, #tpu.memory_space<hbm>>
        tpu.wait_dma2 semaphore(%arg15 : memref<!tpu.dma_semaphore, #tpu.memory_space<semaphore_mem>>) src(%dma_wait3A_262 : memref<64x128xf32, #tpu.memory_space<hbm>>) dst(%dma_wait3A_259 : memref<64x128xf32, #tpu.memory_space<vmem>>)
      } else {
      }
      %add3A_241 = arith.constant 2 : i32
      %add3A_242 = arith.addi %scan3A_193, %add3A_241 : i32
      %lt3A_243 = arith.constant 160 : i32
      %lt3A_244 = arith.cmpi slt, %add3A_242, %lt3A_243 : i32
      %convert_element_type3A_245 = arith.extui %lt3A_244 : i1 to i32
      %cond3A_246 = arith.constant 0 : i32
      %cond3A_247 = arith.cmpi ne, %convert_element_type3A_245, %cond3A_246 : i32
      scf.if %cond3A_247 {
        %add3A_248 = arith.constant 2 : i32
        %add3A_249 = arith.addi %scan3A_193, %add3A_248 : i32
        %div3A_250 = arith.constant 32 : i32
        %div3A_251 = arith.divsi %add3A_249, %div3A_250 : i32
        %rem3A_252 = arith.constant 2 : i32
        %rem3A_253 = arith.remsi %div3A_251, %rem3A_252 : i32
        %rem3A_254 = arith.constant 32 : i32
        %rem3A_255 = arith.remsi %add3A_249, %rem3A_254 : i32
        %rem3A_256 = arith.constant 4 : i32
        %rem3A_257 = arith.remsi %add3A_249, %rem3A_256 : i32
        %dma_start3A_258 = arith.constant 0 : i32
        %dma_start3A_259 = arith.constant 0 : i32
        %dma_start3A_260 = tpu.memref_slice %arg12[%rem3A_257, %dma_start3A_258, %dma_start3A_259] : memref<4x64x128xf32, #tpu.memory_space<vmem>> -> memref<1x64x128xf32, #tpu.memory_space<vmem>>
        %dma_start3A_261 = tpu.memref_squeeze %dma_start3A_260 : memref<1x64x128xf32, #tpu.memory_space<vmem>> -> memref<64x128xf32, #tpu.memory_space<vmem>>
        %dma_start3A_262 = arith.constant 0 : i32
        %dma_start3A_263 = tpu.memref_slice %arg10[%rem3A_253, %rem3A_255, %dma_start3A_262] : memref<2x32x64xi32, #tpu.memory_space<vmem>> -> memref<1x1x64xi32, #tpu.memory_space<vmem>>
        %dma_start3A_264 = tpu.memref_squeeze %dma_start3A_263 : memref<1x1x64xi32, #tpu.memory_space<vmem>> -> memref<64xi32, #tpu.memory_space<vmem>>
        %dma_start3A_265 = arith.constant 0 : i32
        %dma_start3A_266 = arith.constant 0 : i32
        %dma_start3A_267 = tpu.memref_slice %arg2[%dma_start3A_265, %dma_start3A_266] : memref<20000x128xf32, #tpu.memory_space<hbm>> -> memref<20000x128xf32, #tpu.memory_space<hbm>>
        tpu.enqueue_indirect_dma source(%dma_start3A_267 : memref<20000x128xf32, #tpu.memory_space<hbm>>) target(%dma_start3A_261 : memref<64x128xf32, #tpu.memory_space<vmem>>) offsets(%dma_start3A_264 : memref<64xi32, #tpu.memory_space<vmem>>) semaphore(%arg14 : memref<!tpu.dma_semaphore, #tpu.memory_space<semaphore_mem>>)
      } else {
      }
    }
    %scan3A_61 = arith.constant 160 : i32
    %dma_wait3A = arith.constant 0 : i32
    %dma_wait3A_62 = arith.constant 0 : i32
    %dma_wait3A_63 = arith.constant 0 : i32
    %dma_wait3A_64 = tpu.memref_slice %arg12[%dma_wait3A, %dma_wait3A_62, %dma_wait3A_63] : memref<4x64x128xf32, #tpu.memory_space<vmem>> -> memref<1x64x128xf32, #tpu.memory_space<vmem>>
    %dma_wait3A_65 = tpu.memref_squeeze %dma_wait3A_64 : memref<1x64x128xf32, #tpu.memory_space<vmem>> -> memref<64x128xf32, #tpu.memory_space<vmem>>
    %dma_wait3A_66 = arith.constant 0 : i32
    %dma_wait3A_67 = arith.constant 0 : i32
    %dma_wait3A_68 = tpu.memref_slice %arg2[%dma_wait3A_66, %dma_wait3A_67] : memref<20000x128xf32, #tpu.memory_space<hbm>> -> memref<64x128xf32, #tpu.memory_space<hbm>>
    %dma_wait3A_69 = arith.constant 0 : i32
    %dma_wait3A_70 = arith.constant 0 : i32
    %dma_wait3A_71 = tpu.memref_slice %arg12[%dma_wait3A, %dma_wait3A_69, %dma_wait3A_70] : memref<4x64x128xf32, #tpu.memory_space<vmem>> -> memref<1x64x128xf32, #tpu.memory_space<vmem>>
    %dma_wait3A_72 = tpu.memref_squeeze %dma_wait3A_71 : memref<1x64x128xf32, #tpu.memory_space<vmem>> -> memref<64x128xf32, #tpu.memory_space<vmem>>
    %dma_wait3A_73 = arith.constant 0 : i32
    %dma_wait3A_74 = arith.constant 0 : i32
    %dma_wait3A_75 = tpu.memref_slice %arg2[%dma_wait3A_73, %dma_wait3A_74] : memref<20000x128xf32, #tpu.memory_space<hbm>> -> memref<64x128xf32, #tpu.memory_space<hbm>>
    tpu.wait_dma2 semaphore(%arg15 : memref<!tpu.dma_semaphore, #tpu.memory_space<semaphore_mem>>) src(%dma_wait3A_75 : memref<64x128xf32, #tpu.memory_space<hbm>>) dst(%dma_wait3A_72 : memref<64x128xf32, #tpu.memory_space<vmem>>)
    %dma_wait3A_76 = arith.constant 0 : i32
    %dma_wait3A_77 = arith.constant 0 : i32
    %dma_wait3A_78 = arith.constant 0 : i32
    %dma_wait3A_79 = tpu.memref_slice %arg12[%dma_wait3A_76, %dma_wait3A_77, %dma_wait3A_78] : memref<4x64x128xf32, #tpu.memory_space<vmem>> -> memref<1x64x128xf32, #tpu.memory_space<vmem>>
    %dma_wait3A_80 = tpu.memref_squeeze %dma_wait3A_79 : memref<1x64x128xf32, #tpu.memory_space<vmem>> -> memref<64x128xf32, #tpu.memory_space<vmem>>
    %dma_wait3A_81 = arith.constant 0 : i32
    %dma_wait3A_82 = arith.constant 0 : i32
    %dma_wait3A_83 = tpu.memref_slice %arg2[%dma_wait3A_81, %dma_wait3A_82] : memref<20000x128xf32, #tpu.memory_space<hbm>> -> memref<64x128xf32, #tpu.memory_space<hbm>>
    %dma_wait3A_84 = arith.constant 0 : i32
    %dma_wait3A_85 = arith.constant 0 : i32
    %dma_wait3A_86 = tpu.memref_slice %arg12[%dma_wait3A_76, %dma_wait3A_84, %dma_wait3A_85] : memref<4x64x128xf32, #tpu.memory_space<vmem>> -> memref<1x64x128xf32, #tpu.memory_space<vmem>>
    %dma_wait3A_87 = tpu.memref_squeeze %dma_wait3A_86 : memref<1x64x128xf32, #tpu.memory_space<vmem>> -> memref<64x128xf32, #tpu.memory_space<vmem>>
    %dma_wait3A_88 = arith.constant 0 : i32
    %dma_wait3A_89 = arith.constant 0 : i32
    %dma_wait3A_90 = tpu.memref_slice %arg2[%dma_wait3A_88, %dma_wait3A_89] : memref<20000x128xf32, #tpu.memory_space<hbm>> -> memref<64x128xf32, #tpu.memory_space<hbm>>
    tpu.wait_dma2 semaphore(%arg15 : memref<!tpu.dma_semaphore, #tpu.memory_space<semaphore_mem>>) src(%dma_wait3A_90 : memref<64x128xf32, #tpu.memory_space<hbm>>) dst(%dma_wait3A_87 : memref<64x128xf32, #tpu.memory_space<vmem>>)
    %mul3A_91 = arith.constant 2560 : i32
    %mul3A_92 = arith.muli %arg0, %mul3A_91 : i32
    %mul3A_93 = arith.constant 160 : i32
    %mul3A_94 = arith.muli %arg1, %mul3A_93 : i32
    %add3A_95 = arith.addi %mul3A_92, %mul3A_94 : i32
    %mul3A_96 = arith.constant 0 : i32
    %mul3A_97 = arith.constant 32 : i32
    %mul3A_98 = arith.muli %mul3A_96, %mul3A_97 : i32
    %add3A_99 = arith.addi %add3A_95, %mul3A_98 : i32
    %run_scoped3A_100 = arith.constant 0 : i32
    "tpu.region"() ({
      %run_scoped3A_193 = tpu.sem_alloc : memref<!tpu.dma_semaphore, #tpu.memory_space<semaphore_mem>>
      %dma_start3A_194 = arith.constant 0 : i32
      %dma_start3A_195 = arith.constant 0 : i32
      %dma_start3A_196 = tpu.memref_slice %arg10[%run_scoped3A_100, %dma_start3A_194, %dma_start3A_195] : memref<2x32x64xi32, #tpu.memory_space<vmem>> -> memref<1x32x64xi32, #tpu.memory_space<vmem>>
      %dma_start3A_197 = tpu.memref_squeeze %dma_start3A_196 : memref<1x32x64xi32, #tpu.memory_space<vmem>> -> memref<32x64xi32, #tpu.memory_space<vmem>>
      %dma_start3A_198 = arith.constant 0 : i32
      %dma_start3A_199 = tpu.memref_slice %arg6[%add3A_99, %dma_start3A_198] : memref<5120x64xi32, #tpu.memory_space<hbm>> -> memref<32x64xi32, #tpu.memory_space<hbm>>
      %dma_start3A_200 = arith.constant 0 : i32
      %dma_start3A_201 = arith.constant 0 : i32
      %dma_start3A_202 = tpu.memref_slice %arg10[%run_scoped3A_100, %dma_start3A_200, %dma_start3A_201] : memref<2x32x64xi32, #tpu.memory_space<vmem>> -> memref<1x32x64xi32, #tpu.memory_space<vmem>>
      %dma_start3A_203 = tpu.memref_squeeze %dma_start3A_202 : memref<1x32x64xi32, #tpu.memory_space<vmem>> -> memref<32x64xi32, #tpu.memory_space<vmem>>
      %dma_start3A_204 = arith.constant 0 : i32
      %dma_start3A_205 = tpu.memref_slice %arg6[%add3A_99, %dma_start3A_204] : memref<5120x64xi32, #tpu.memory_space<hbm>> -> memref<32x64xi32, #tpu.memory_space<hbm>>
      tpu.enqueue_dma source(%dma_start3A_205 : memref<32x64xi32, #tpu.memory_space<hbm>>) target(%dma_start3A_203 : memref<32x64xi32, #tpu.memory_space<vmem>>) target_semaphore(%run_scoped3A_193 : memref<!tpu.dma_semaphore, #tpu.memory_space<semaphore_mem>>)
      %dma_wait3A_206 = arith.constant 0 : i32
      %dma_wait3A_207 = arith.constant 0 : i32
      %dma_wait3A_208 = tpu.memref_slice %arg10[%run_scoped3A_100, %dma_wait3A_206, %dma_wait3A_207] : memref<2x32x64xi32, #tpu.memory_space<vmem>> -> memref<1x32x64xi32, #tpu.memory_space<vmem>>
      %dma_wait3A_209 = tpu.memref_squeeze %dma_wait3A_208 : memref<1x32x64xi32, #tpu.memory_space<vmem>> -> memref<32x64xi32, #tpu.memory_space<vmem>>
      %dma_wait3A_210 = arith.constant 0 : i32
      %dma_wait3A_211 = tpu.memref_slice %arg6[%add3A_99, %dma_wait3A_210] : memref<5120x64xi32, #tpu.memory_space<hbm>> -> memref<32x64xi32, #tpu.memory_space<hbm>>
      %dma_wait3A_212 = arith.constant 0 : i32
      %dma_wait3A_213 = arith.constant 0 : i32
      %dma_wait3A_214 = tpu.memref_slice %arg10[%run_scoped3A_100, %dma_wait3A_212, %dma_wait3A_213] : memref<2x32x64xi32, #tpu.memory_space<vmem>> -> memref<1x32x64xi32, #tpu.memory_space<vmem>>
      %dma_wait3A_215 = tpu.memref_squeeze %dma_wait3A_214 : memref<1x32x64xi32, #tpu.memory_space<vmem>> -> memref<32x64xi32, #tpu.memory_space<vmem>>
      %dma_wait3A_216 = arith.constant 0 : i32
      %dma_wait3A_217 = tpu.memref_slice %arg6[%add3A_99, %dma_wait3A_216] : memref<5120x64xi32, #tpu.memory_space<hbm>> -> memref<32x64xi32, #tpu.memory_space<hbm>>
      tpu.wait_dma2 semaphore(%run_scoped3A_193 : memref<!tpu.dma_semaphore, #tpu.memory_space<semaphore_mem>>) src(%dma_wait3A_217 : memref<32x64xi32, #tpu.memory_space<hbm>>) dst(%dma_wait3A_215 : memref<32x64xi32, #tpu.memory_space<vmem>>)
      tpu.yield
    }) : () -> ()
    %mul3A_101 = arith.constant 160 : i32
    %mul3A_102 = arith.muli %arg1, %mul3A_101 : i32
    %mul3A_103 = arith.constant 0 : i32
    %mul3A_104 = arith.constant 32 : i32
    %mul3A_105 = arith.muli %mul3A_103, %mul3A_104 : i32
    %add3A_106 = arith.addi %mul3A_102, %mul3A_105 : i32
    %run_scoped3A_107 = arith.constant 0 : i32
    "tpu.region"() ({
      %run_scoped3A_193 = tpu.sem_alloc : memref<!tpu.dma_semaphore, #tpu.memory_space<semaphore_mem>>
      %dma_start3A_194 = arith.constant 0 : i32
      %dma_start3A_195 = arith.constant 0 : i32
      %dma_start3A_196 = tpu.memref_slice %arg11[%run_scoped3A_107, %dma_start3A_194, %dma_start3A_195] : memref<2x32x64xi32, #tpu.memory_space<vmem>> -> memref<1x32x64xi32, #tpu.memory_space<vmem>>
      %dma_start3A_197 = tpu.memref_squeeze %dma_start3A_196 : memref<1x32x64xi32, #tpu.memory_space<vmem>> -> memref<32x64xi32, #tpu.memory_space<vmem>>
      %dma_start3A_198 = arith.constant 0 : i32
      %dma_start3A_199 = tpu.memref_slice %arg7[%add3A_106, %dma_start3A_198] : memref<2560x64xi32, #tpu.memory_space<hbm>> -> memref<32x64xi32, #tpu.memory_space<hbm>>
      %dma_start3A_200 = arith.constant 0 : i32
      %dma_start3A_201 = arith.constant 0 : i32
      %dma_start3A_202 = tpu.memref_slice %arg11[%run_scoped3A_107, %dma_start3A_200, %dma_start3A_201] : memref<2x32x64xi32, #tpu.memory_space<vmem>> -> memref<1x32x64xi32, #tpu.memory_space<vmem>>
      %dma_start3A_203 = tpu.memref_squeeze %dma_start3A_202 : memref<1x32x64xi32, #tpu.memory_space<vmem>> -> memref<32x64xi32, #tpu.memory_space<vmem>>
      %dma_start3A_204 = arith.constant 0 : i32
      %dma_start3A_205 = tpu.memref_slice %arg7[%add3A_106, %dma_start3A_204] : memref<2560x64xi32, #tpu.memory_space<hbm>> -> memref<32x64xi32, #tpu.memory_space<hbm>>
      tpu.enqueue_dma source(%dma_start3A_205 : memref<32x64xi32, #tpu.memory_space<hbm>>) target(%dma_start3A_203 : memref<32x64xi32, #tpu.memory_space<vmem>>) target_semaphore(%run_scoped3A_193 : memref<!tpu.dma_semaphore, #tpu.memory_space<semaphore_mem>>)
      %dma_wait3A_206 = arith.constant 0 : i32
      %dma_wait3A_207 = arith.constant 0 : i32
      %dma_wait3A_208 = tpu.memref_slice %arg11[%run_scoped3A_107, %dma_wait3A_206, %dma_wait3A_207] : memref<2x32x64xi32, #tpu.memory_space<vmem>> -> memref<1x32x64xi32, #tpu.memory_space<vmem>>
      %dma_wait3A_209 = tpu.memref_squeeze %dma_wait3A_208 : memref<1x32x64xi32, #tpu.memory_space<vmem>> -> memref<32x64xi32, #tpu.memory_space<vmem>>
      %dma_wait3A_210 = arith.constant 0 : i32
      %dma_wait3A_211 = tpu.memref_slice %arg7[%add3A_106, %dma_wait3A_210] : memref<2560x64xi32, #tpu.memory_space<hbm>> -> memref<32x64xi32, #tpu.memory_space<hbm>>
      %dma_wait3A_212 = arith.constant 0 : i32
      %dma_wait3A_213 = arith.constant 0 : i32
      %dma_wait3A_214 = tpu.memref_slice %arg11[%run_scoped3A_107, %dma_wait3A_212, %dma_wait3A_213] : memref<2x32x64xi32, #tpu.memory_space<vmem>> -> memref<1x32x64xi32, #tpu.memory_space<vmem>>
      %dma_wait3A_215 = tpu.memref_squeeze %dma_wait3A_214 : memref<1x32x64xi32, #tpu.memory_space<vmem>> -> memref<32x64xi32, #tpu.memory_space<vmem>>
      %dma_wait3A_216 = arith.constant 0 : i32
      %dma_wait3A_217 = tpu.memref_slice %arg7[%add3A_106, %dma_wait3A_216] : memref<2560x64xi32, #tpu.memory_space<hbm>> -> memref<32x64xi32, #tpu.memory_space<hbm>>
      tpu.wait_dma2 semaphore(%run_scoped3A_193 : memref<!tpu.dma_semaphore, #tpu.memory_space<semaphore_mem>>) src(%dma_wait3A_217 : memref<32x64xi32, #tpu.memory_space<hbm>>) dst(%dma_wait3A_215 : memref<32x64xi32, #tpu.memory_space<vmem>>)
      tpu.yield
    }) : () -> ()
    %div3A_108 = arith.constant 0 : i32
    %div3A_109 = arith.constant 32 : i32
    %div3A_110 = arith.divsi %div3A_108, %div3A_109 : i32
    %rem3A_111 = arith.constant 2 : i32
    %rem3A_112 = arith.remsi %div3A_110, %rem3A_111 : i32
    %rem3A_113 = arith.constant 0 : i32
    %rem3A_114 = arith.constant 32 : i32
    %rem3A_115 = arith.remsi %rem3A_113, %rem3A_114 : i32
    %rem3A_116 = arith.constant 0 : i32
    %rem3A_117 = arith.constant 4 : i32
    %rem3A_118 = arith.remsi %rem3A_116, %rem3A_117 : i32
    %dma_start3A_119 = arith.constant 0 : i32
    %dma_start3A_120 = arith.constant 0 : i32
    %dma_start3A_121 = tpu.memref_slice %arg12[%rem3A_118, %dma_start3A_119, %dma_start3A_120] : memref<4x64x128xf32, #tpu.memory_space<vmem>> -> memref<1x64x128xf32, #tpu.memory_space<vmem>>
    %dma_start3A_122 = tpu.memref_squeeze %dma_start3A_121 : memref<1x64x128xf32, #tpu.memory_space<vmem>> -> memref<64x128xf32, #tpu.memory_space<vmem>>
    %dma_start3A_123 = arith.constant 0 : i32
    %dma_start3A_124 = tpu.memref_slice %arg10[%rem3A_112, %rem3A_115, %dma_start3A_123] : memref<2x32x64xi32, #tpu.memory_space<vmem>> -> memref<1x1x64xi32, #tpu.memory_space<vmem>>
    %dma_start3A_125 = tpu.memref_squeeze %dma_start3A_124 : memref<1x1x64xi32, #tpu.memory_space<vmem>> -> memref<64xi32, #tpu.memory_space<vmem>>
    %dma_start3A_126 = arith.constant 0 : i32
    %dma_start3A_127 = arith.constant 0 : i32
    %dma_start3A_128 = tpu.memref_slice %arg3[%dma_start3A_126, %dma_start3A_127] : memref<20000x128xf32, #tpu.memory_space<hbm>> -> memref<20000x128xf32, #tpu.memory_space<hbm>>
    tpu.enqueue_indirect_dma source(%dma_start3A_128 : memref<20000x128xf32, #tpu.memory_space<hbm>>) target(%dma_start3A_122 : memref<64x128xf32, #tpu.memory_space<vmem>>) offsets(%dma_start3A_125 : memref<64xi32, #tpu.memory_space<vmem>>) semaphore(%arg14 : memref<!tpu.dma_semaphore, #tpu.memory_space<semaphore_mem>>)
    %div3A_129 = arith.constant 1 : i32
    %div3A_130 = arith.constant 32 : i32
    %div3A_131 = arith.divsi %div3A_129, %div3A_130 : i32
    %rem3A_132 = arith.constant 2 : i32
    %rem3A_133 = arith.remsi %div3A_131, %rem3A_132 : i32
    %rem3A_134 = arith.constant 1 : i32
    %rem3A_135 = arith.constant 32 : i32
    %rem3A_136 = arith.remsi %rem3A_134, %rem3A_135 : i32
    %rem3A_137 = arith.constant 1 : i32
    %rem3A_138 = arith.constant 4 : i32
    %rem3A_139 = arith.remsi %rem3A_137, %rem3A_138 : i32
    %dma_start3A_140 = arith.constant 0 : i32
    %dma_start3A_141 = arith.constant 0 : i32
    %dma_start3A_142 = tpu.memref_slice %arg12[%rem3A_139, %dma_start3A_140, %dma_start3A_141] : memref<4x64x128xf32, #tpu.memory_space<vmem>> -> memref<1x64x128xf32, #tpu.memory_space<vmem>>
    %dma_start3A_143 = tpu.memref_squeeze %dma_start3A_142 : memref<1x64x128xf32, #tpu.memory_space<vmem>> -> memref<64x128xf32, #tpu.memory_space<vmem>>
    %dma_start3A_144 = arith.constant 0 : i32
    %dma_start3A_145 = tpu.memref_slice %arg10[%rem3A_133, %rem3A_136, %dma_start3A_144] : memref<2x32x64xi32, #tpu.memory_space<vmem>> -> memref<1x1x64xi32, #tpu.memory_space<vmem>>
    %dma_start3A_146 = tpu.memref_squeeze %dma_start3A_145 : memref<1x1x64xi32, #tpu.memory_space<vmem>> -> memref<64xi32, #tpu.memory_space<vmem>>
    %dma_start3A_147 = arith.constant 0 : i32
    %dma_start3A_148 = arith.constant 0 : i32
    %dma_start3A_149 = tpu.memref_slice %arg3[%dma_start3A_147, %dma_start3A_148] : memref<20000x128xf32, #tpu.memory_space<hbm>> -> memref<20000x128xf32, #tpu.memory_space<hbm>>
    tpu.enqueue_indirect_dma source(%dma_start3A_149 : memref<20000x128xf32, #tpu.memory_space<hbm>>) target(%dma_start3A_143 : memref<64x128xf32, #tpu.memory_space<vmem>>) offsets(%dma_start3A_146 : memref<64xi32, #tpu.memory_space<vmem>>) semaphore(%arg14 : memref<!tpu.dma_semaphore, #tpu.memory_space<semaphore_mem>>)
    %scan3A_150 = arith.constant 0 : i32
    %scan3A_151 = arith.constant 0 : i32
    %scan3A_152 = arith.constant 160 : i32
    %scan3A_153 = arith.addi %scan3A_151, %scan3A_152 : i32
    %scan3A_154 = arith.constant 1 : i32
    scf.for %scan3A_193 = %scan3A_151 to %scan3A_153 step %scan3A_154  : i32 {
      %rem3A_194 = arith.constant 32 : i32
      %rem3A_195 = arith.remsi %scan3A_193, %rem3A_194 : i32
      %eq3A_196 = arith.constant 0 : i32
      %eq3A_197 = arith.cmpi eq, %rem3A_195, %eq3A_196 : i32
      %convert_element_type3A_198 = arith.extui %eq3A_197 : i1 to i32
      %cond3A_199 = arith.constant 0 : i32
      %cond3A_200 = arith.cmpi ne, %convert_element_type3A_198, %cond3A_199 : i32
      scf.if %cond3A_200 {
        %div3A_248 = arith.constant 32 : i32
        %div3A_249 = arith.divsi %scan3A_193, %div3A_248 : i32
        %add3A_250 = arith.constant 1 : i32
        %add3A_251 = arith.addi %div3A_249, %add3A_250 : i32
        %lt3A_252 = arith.constant 5 : i32
        %lt3A_253 = arith.cmpi slt, %add3A_251, %lt3A_252 : i32
        %convert_element_type3A_254 = arith.extui %lt3A_253 : i1 to i32
        %cond3A_255 = arith.constant 0 : i32
        %cond3A_256 = arith.cmpi ne, %convert_element_type3A_254, %cond3A_255 : i32
        scf.if %cond3A_256 {
          %add3A_257 = arith.constant 1 : i32
          %add3A_258 = arith.addi %div3A_249, %add3A_257 : i32
          %add3A_259 = arith.constant 1 : i32
          %add3A_260 = arith.addi %div3A_249, %add3A_259 : i32
          %rem3A_261 = arith.constant 2 : i32
          %rem3A_262 = arith.remsi %add3A_260, %rem3A_261 : i32
          %mul3A_263 = arith.constant 2560 : i32
          %mul3A_264 = arith.muli %arg0, %mul3A_263 : i32
          %mul3A_265 = arith.constant 160 : i32
          %mul3A_266 = arith.muli %arg1, %mul3A_265 : i32
          %add3A_267 = arith.addi %mul3A_264, %mul3A_266 : i32
          %mul3A_268 = arith.constant 32 : i32
          %mul3A_269 = arith.muli %add3A_258, %mul3A_268 : i32
          %add3A_270 = arith.addi %add3A_267, %mul3A_269 : i32
          "tpu.region"() ({
            %run_scoped3A_276 = tpu.sem_alloc : memref<!tpu.dma_semaphore, #tpu.memory_space<semaphore_mem>>
            %dma_start3A_277 = arith.constant 0 : i32
            %dma_start3A_278 = arith.constant 0 : i32
            %dma_start3A_279 = tpu.memref_slice %arg10[%rem3A_262, %dma_start3A_277, %dma_start3A_278] : memref<2x32x64xi32, #tpu.memory_space<vmem>> -> memref<1x32x64xi32, #tpu.memory_space<vmem>>
            %dma_start3A_280 = tpu.memref_squeeze %dma_start3A_279 : memref<1x32x64xi32, #tpu.memory_space<vmem>> -> memref<32x64xi32, #tpu.memory_space<vmem>>
            %dma_start3A_281 = arith.constant 0 : i32
            %dma_start3A_282 = tpu.memref_slice %arg6[%add3A_270, %dma_start3A_281] : memref<5120x64xi32, #tpu.memory_space<hbm>> -> memref<32x64xi32, #tpu.memory_space<hbm>>
            %dma_start3A_283 = arith.constant 0 : i32
            %dma_start3A_284 = arith.constant 0 : i32
            %dma_start3A_285 = tpu.memref_slice %arg10[%rem3A_262, %dma_start3A_283, %dma_start3A_284] : memref<2x32x64xi32, #tpu.memory_space<vmem>> -> memref<1x32x64xi32, #tpu.memory_space<vmem>>
            %dma_start3A_286 = tpu.memref_squeeze %dma_start3A_285 : memref<1x32x64xi32, #tpu.memory_space<vmem>> -> memref<32x64xi32, #tpu.memory_space<vmem>>
            %dma_start3A_287 = arith.constant 0 : i32
            %dma_start3A_288 = tpu.memref_slice %arg6[%add3A_270, %dma_start3A_287] : memref<5120x64xi32, #tpu.memory_space<hbm>> -> memref<32x64xi32, #tpu.memory_space<hbm>>
            tpu.enqueue_dma source(%dma_start3A_288 : memref<32x64xi32, #tpu.memory_space<hbm>>) target(%dma_start3A_286 : memref<32x64xi32, #tpu.memory_space<vmem>>) target_semaphore(%run_scoped3A_276 : memref<!tpu.dma_semaphore, #tpu.memory_space<semaphore_mem>>)
            %dma_wait3A_289 = arith.constant 0 : i32
            %dma_wait3A_290 = arith.constant 0 : i32
            %dma_wait3A_291 = tpu.memref_slice %arg10[%rem3A_262, %dma_wait3A_289, %dma_wait3A_290] : memref<2x32x64xi32, #tpu.memory_space<vmem>> -> memref<1x32x64xi32, #tpu.memory_space<vmem>>
            %dma_wait3A_292 = tpu.memref_squeeze %dma_wait3A_291 : memref<1x32x64xi32, #tpu.memory_space<vmem>> -> memref<32x64xi32, #tpu.memory_space<vmem>>
            %dma_wait3A_293 = arith.constant 0 : i32
            %dma_wait3A_294 = tpu.memref_slice %arg6[%add3A_270, %dma_wait3A_293] : memref<5120x64xi32, #tpu.memory_space<hbm>> -> memref<32x64xi32, #tpu.memory_space<hbm>>
            %dma_wait3A_295 = arith.constant 0 : i32
            %dma_wait3A_296 = arith.constant 0 : i32
            %dma_wait3A_297 = tpu.memref_slice %arg10[%rem3A_262, %dma_wait3A_295, %dma_wait3A_296] : memref<2x32x64xi32, #tpu.memory_space<vmem>> -> memref<1x32x64xi32, #tpu.memory_space<vmem>>
            %dma_wait3A_298 = tpu.memref_squeeze %dma_wait3A_297 : memref<1x32x64xi32, #tpu.memory_space<vmem>> -> memref<32x64xi32, #tpu.memory_space<vmem>>
            %dma_wait3A_299 = arith.constant 0 : i32
            %dma_wait3A_300 = tpu.memref_slice %arg6[%add3A_270, %dma_wait3A_299] : memref<5120x64xi32, #tpu.memory_space<hbm>> -> memref<32x64xi32, #tpu.memory_space<hbm>>
            tpu.wait_dma2 semaphore(%run_scoped3A_276 : memref<!tpu.dma_semaphore, #tpu.memory_space<semaphore_mem>>) src(%dma_wait3A_300 : memref<32x64xi32, #tpu.memory_space<hbm>>) dst(%dma_wait3A_298 : memref<32x64xi32, #tpu.memory_space<vmem>>)
            tpu.yield
          }) : () -> ()
          %mul3A_271 = arith.constant 160 : i32
          %mul3A_272 = arith.muli %arg1, %mul3A_271 : i32
          %mul3A_273 = arith.constant 32 : i32
          %mul3A_274 = arith.muli %add3A_258, %mul3A_273 : i32
          %add3A_275 = arith.addi %mul3A_272, %mul3A_274 : i32
          "tpu.region"() ({
            %run_scoped3A_276 = tpu.sem_alloc : memref<!tpu.dma_semaphore, #tpu.memory_space<semaphore_mem>>
            %dma_start3A_277 = arith.constant 0 : i32
            %dma_start3A_278 = arith.constant 0 : i32
            %dma_start3A_279 = tpu.memref_slice %arg11[%rem3A_262, %dma_start3A_277, %dma_start3A_278] : memref<2x32x64xi32, #tpu.memory_space<vmem>> -> memref<1x32x64xi32, #tpu.memory_space<vmem>>
            %dma_start3A_280 = tpu.memref_squeeze %dma_start3A_279 : memref<1x32x64xi32, #tpu.memory_space<vmem>> -> memref<32x64xi32, #tpu.memory_space<vmem>>
            %dma_start3A_281 = arith.constant 0 : i32
            %dma_start3A_282 = tpu.memref_slice %arg7[%add3A_275, %dma_start3A_281] : memref<2560x64xi32, #tpu.memory_space<hbm>> -> memref<32x64xi32, #tpu.memory_space<hbm>>
            %dma_start3A_283 = arith.constant 0 : i32
            %dma_start3A_284 = arith.constant 0 : i32
            %dma_start3A_285 = tpu.memref_slice %arg11[%rem3A_262, %dma_start3A_283, %dma_start3A_284] : memref<2x32x64xi32, #tpu.memory_space<vmem>> -> memref<1x32x64xi32, #tpu.memory_space<vmem>>
            %dma_start3A_286 = tpu.memref_squeeze %dma_start3A_285 : memref<1x32x64xi32, #tpu.memory_space<vmem>> -> memref<32x64xi32, #tpu.memory_space<vmem>>
            %dma_start3A_287 = arith.constant 0 : i32
            %dma_start3A_288 = tpu.memref_slice %arg7[%add3A_275, %dma_start3A_287] : memref<2560x64xi32, #tpu.memory_space<hbm>> -> memref<32x64xi32, #tpu.memory_space<hbm>>
            tpu.enqueue_dma source(%dma_start3A_288 : memref<32x64xi32, #tpu.memory_space<hbm>>) target(%dma_start3A_286 : memref<32x64xi32, #tpu.memory_space<vmem>>) target_semaphore(%run_scoped3A_276 : memref<!tpu.dma_semaphore, #tpu.memory_space<semaphore_mem>>)
            %dma_wait3A_289 = arith.constant 0 : i32
            %dma_wait3A_290 = arith.constant 0 : i32
            %dma_wait3A_291 = tpu.memref_slice %arg11[%rem3A_262, %dma_wait3A_289, %dma_wait3A_290] : memref<2x32x64xi32, #tpu.memory_space<vmem>> -> memref<1x32x64xi32, #tpu.memory_space<vmem>>
            %dma_wait3A_292 = tpu.memref_squeeze %dma_wait3A_291 : memref<1x32x64xi32, #tpu.memory_space<vmem>> -> memref<32x64xi32, #tpu.memory_space<vmem>>
            %dma_wait3A_293 = arith.constant 0 : i32
            %dma_wait3A_294 = tpu.memref_slice %arg7[%add3A_275, %dma_wait3A_293] : memref<2560x64xi32, #tpu.memory_space<hbm>> -> memref<32x64xi32, #tpu.memory_space<hbm>>
            %dma_wait3A_295 = arith.constant 0 : i32
            %dma_wait3A_296 = arith.constant 0 : i32
            %dma_wait3A_297 = tpu.memref_slice %arg11[%rem3A_262, %dma_wait3A_295, %dma_wait3A_296] : memref<2x32x64xi32, #tpu.memory_space<vmem>> -> memref<1x32x64xi32, #tpu.memory_space<vmem>>
            %dma_wait3A_298 = tpu.memref_squeeze %dma_wait3A_297 : memref<1x32x64xi32, #tpu.memory_space<vmem>> -> memref<32x64xi32, #tpu.memory_space<vmem>>
            %dma_wait3A_299 = arith.constant 0 : i32
            %dma_wait3A_300 = tpu.memref_slice %arg7[%add3A_275, %dma_wait3A_299] : memref<2560x64xi32, #tpu.memory_space<hbm>> -> memref<32x64xi32, #tpu.memory_space<hbm>>
            tpu.wait_dma2 semaphore(%run_scoped3A_276 : memref<!tpu.dma_semaphore, #tpu.memory_space<semaphore_mem>>) src(%dma_wait3A_300 : memref<32x64xi32, #tpu.memory_space<hbm>>) dst(%dma_wait3A_298 : memref<32x64xi32, #tpu.memory_space<vmem>>)
            tpu.yield
          }) : () -> ()
        } else {
        }
      } else {
      }
      %div3A_201 = arith.constant 32 : i32
      %div3A_202 = arith.divsi %scan3A_193, %div3A_201 : i32
      %rem3A_203 = arith.constant 2 : i32
      %rem3A_204 = arith.remsi %div3A_202, %rem3A_203 : i32
      %rem3A_205 = arith.constant 32 : i32
      %rem3A_206 = arith.remsi %scan3A_193, %rem3A_205 : i32
      %rem3A_207 = arith.constant 4 : i32
      %rem3A_208 = arith.remsi %scan3A_193, %rem3A_207 : i32
      %dma_wait3A_209 = arith.constant 0 : i32
      %dma_wait3A_210 = arith.constant 0 : i32
      %dma_wait3A_211 = tpu.memref_slice %arg12[%rem3A_208, %dma_wait3A_209, %dma_wait3A_210] : memref<4x64x128xf32, #tpu.memory_space<vmem>> -> memref<1x64x128xf32, #tpu.memory_space<vmem>>
      %dma_wait3A_212 = tpu.memref_squeeze %dma_wait3A_211 : memref<1x64x128xf32, #tpu.memory_space<vmem>> -> memref<64x128xf32, #tpu.memory_space<vmem>>
      %dma_wait3A_213 = arith.constant 0 : i32
      %dma_wait3A_214 = tpu.memref_slice %arg10[%rem3A_204, %rem3A_206, %dma_wait3A_213] : memref<2x32x64xi32, #tpu.memory_space<vmem>> -> memref<1x1x64xi32, #tpu.memory_space<vmem>>
      %dma_wait3A_215 = tpu.memref_squeeze %dma_wait3A_214 : memref<1x1x64xi32, #tpu.memory_space<vmem>> -> memref<64xi32, #tpu.memory_space<vmem>>
      %dma_wait3A_216 = arith.constant 0 : i32
      %dma_wait3A_217 = arith.constant 0 : i32
      %dma_wait3A_218 = tpu.memref_slice %arg3[%dma_wait3A_216, %dma_wait3A_217] : memref<20000x128xf32, #tpu.memory_space<hbm>> -> memref<20000x128xf32, #tpu.memory_space<hbm>>
      tpu.wait_indirect_dma semaphore(%arg14 : memref<!tpu.dma_semaphore, #tpu.memory_space<semaphore_mem>>) src(%dma_wait3A_218 : memref<20000x128xf32, #tpu.memory_space<hbm>>) dst(%dma_wait3A_212 : memref<64x128xf32, #tpu.memory_space<vmem>>)
      %div3A_219 = arith.constant 32 : i32
      %div3A_220 = arith.divsi %scan3A_193, %div3A_219 : i32
      %rem3A_221 = arith.constant 2 : i32
      %rem3A_222 = arith.remsi %div3A_220, %rem3A_221 : i32
      %rem3A_223 = arith.constant 32 : i32
      %rem3A_224 = arith.remsi %scan3A_193, %rem3A_223 : i32
      %rem3A_225 = arith.constant 4 : i32
      %rem3A_226 = arith.remsi %scan3A_193, %rem3A_225 : i32
      %dma_start3A_227 = arith.constant 0 : i32
      %dma_start3A_228 = arith.constant 0 : i32
      %dma_start3A_229 = tpu.memref_slice %arg12[%rem3A_226, %dma_start3A_227, %dma_start3A_228] : memref<4x64x128xf32, #tpu.memory_space<vmem>> -> memref<1x64x128xf32, #tpu.memory_space<vmem>>
      %dma_start3A_230 = tpu.memref_squeeze %dma_start3A_229 : memref<1x64x128xf32, #tpu.memory_space<vmem>> -> memref<64x128xf32, #tpu.memory_space<vmem>>
      %dma_start3A_231 = arith.constant 0 : i32
      %dma_start3A_232 = tpu.memref_slice %arg11[%rem3A_222, %rem3A_224, %dma_start3A_231] : memref<2x32x64xi32, #tpu.memory_space<vmem>> -> memref<1x1x64xi32, #tpu.memory_space<vmem>>
      %dma_start3A_233 = tpu.memref_squeeze %dma_start3A_232 : memref<1x1x64xi32, #tpu.memory_space<vmem>> -> memref<64xi32, #tpu.memory_space<vmem>>
      %dma_start3A_234 = arith.constant 0 : i32
      %dma_start3A_235 = arith.constant 0 : i32
      %dma_start3A_236 = tpu.memref_slice %arg13[%dma_start3A_234, %dma_start3A_235] : memref<10112x128xf32, #tpu.memory_space<vmem_shared>> -> memref<10112x128xf32, #tpu.memory_space<vmem_shared>>
      tpu.enqueue_indirect_dma source(%dma_start3A_230 : memref<64x128xf32, #tpu.memory_space<vmem>>) target(%dma_start3A_236 : memref<10112x128xf32, #tpu.memory_space<vmem_shared>>) offsets(%dma_start3A_233 : memref<64xi32, #tpu.memory_space<vmem>>) semaphore(%arg15 : memref<!tpu.dma_semaphore, #tpu.memory_space<semaphore_mem>>) {add = true}
      %ge3A = arith.constant 2 : i32
      %ge3A_237 = arith.cmpi sge, %scan3A_193, %ge3A : i32
      %convert_element_type3A_238 = arith.extui %ge3A_237 : i1 to i32
      %cond3A_239 = arith.constant 0 : i32
      %cond3A_240 = arith.cmpi ne, %convert_element_type3A_238, %cond3A_239 : i32
      scf.if %cond3A_240 {
        %dma_wait3A_248 = arith.constant 0 : i32
        %dma_wait3A_249 = arith.constant 0 : i32
        %dma_wait3A_250 = arith.constant 0 : i32
        %dma_wait3A_251 = tpu.memref_slice %arg12[%dma_wait3A_248, %dma_wait3A_249, %dma_wait3A_250] : memref<4x64x128xf32, #tpu.memory_space<vmem>> -> memref<1x64x128xf32, #tpu.memory_space<vmem>>
        %dma_wait3A_252 = tpu.memref_squeeze %dma_wait3A_251 : memref<1x64x128xf32, #tpu.memory_space<vmem>> -> memref<64x128xf32, #tpu.memory_space<vmem>>
        %dma_wait3A_253 = arith.constant 0 : i32
        %dma_wait3A_254 = arith.constant 0 : i32
        %dma_wait3A_255 = tpu.memref_slice %arg3[%dma_wait3A_253, %dma_wait3A_254] : memref<20000x128xf32, #tpu.memory_space<hbm>> -> memref<64x128xf32, #tpu.memory_space<hbm>>
        %dma_wait3A_256 = arith.constant 0 : i32
        %dma_wait3A_257 = arith.constant 0 : i32
        %dma_wait3A_258 = tpu.memref_slice %arg12[%dma_wait3A_248, %dma_wait3A_256, %dma_wait3A_257] : memref<4x64x128xf32, #tpu.memory_space<vmem>> -> memref<1x64x128xf32, #tpu.memory_space<vmem>>
        %dma_wait3A_259 = tpu.memref_squeeze %dma_wait3A_258 : memref<1x64x128xf32, #tpu.memory_space<vmem>> -> memref<64x128xf32, #tpu.memory_space<vmem>>
        %dma_wait3A_260 = arith.constant 0 : i32
        %dma_wait3A_261 = arith.constant 0 : i32
        %dma_wait3A_262 = tpu.memref_slice %arg3[%dma_wait3A_260, %dma_wait3A_261] : memref<20000x128xf32, #tpu.memory_space<hbm>> -> memref<64x128xf32, #tpu.memory_space<hbm>>
        tpu.wait_dma2 semaphore(%arg15 : memref<!tpu.dma_semaphore, #tpu.memory_space<semaphore_mem>>) src(%dma_wait3A_262 : memref<64x128xf32, #tpu.memory_space<hbm>>) dst(%dma_wait3A_259 : memref<64x128xf32, #tpu.memory_space<vmem>>)
      } else {
      }
      %add3A_241 = arith.constant 2 : i32
      %add3A_242 = arith.addi %scan3A_193, %add3A_241 : i32
      %lt3A_243 = arith.constant 160 : i32
      %lt3A_244 = arith.cmpi slt, %add3A_242, %lt3A_243 : i32
      %convert_element_type3A_245 = arith.extui %lt3A_244 : i1 to i32
      %cond3A_246 = arith.constant 0 : i32
      %cond3A_247 = arith.cmpi ne, %convert_element_type3A_245, %cond3A_246 : i32
      scf.if %cond3A_247 {
        %add3A_248 = arith.constant 2 : i32
        %add3A_249 = arith.addi %scan3A_193, %add3A_248 : i32
        %div3A_250 = arith.constant 32 : i32
        %div3A_251 = arith.divsi %add3A_249, %div3A_250 : i32
        %rem3A_252 = arith.constant 2 : i32
        %rem3A_253 = arith.remsi %div3A_251, %rem3A_252 : i32
        %rem3A_254 = arith.constant 32 : i32
        %rem3A_255 = arith.remsi %add3A_249, %rem3A_254 : i32
        %rem3A_256 = arith.constant 4 : i32
        %rem3A_257 = arith.remsi %add3A_249, %rem3A_256 : i32
        %dma_start3A_258 = arith.constant 0 : i32
        %dma_start3A_259 = arith.constant 0 : i32
        %dma_start3A_260 = tpu.memref_slice %arg12[%rem3A_257, %dma_start3A_258, %dma_start3A_259] : memref<4x64x128xf32, #tpu.memory_space<vmem>> -> memref<1x64x128xf32, #tpu.memory_space<vmem>>
        %dma_start3A_261 = tpu.memref_squeeze %dma_start3A_260 : memref<1x64x128xf32, #tpu.memory_space<vmem>> -> memref<64x128xf32, #tpu.memory_space<vmem>>
        %dma_start3A_262 = arith.constant 0 : i32
        %dma_start3A_263 = tpu.memref_slice %arg10[%rem3A_253, %rem3A_255, %dma_start3A_262] : memref<2x32x64xi32, #tpu.memory_space<vmem>> -> memref<1x1x64xi32, #tpu.memory_space<vmem>>
        %dma_start3A_264 = tpu.memref_squeeze %dma_start3A_263 : memref<1x1x64xi32, #tpu.memory_space<vmem>> -> memref<64xi32, #tpu.memory_space<vmem>>
        %dma_start3A_265 = arith.constant 0 : i32
        %dma_start3A_266 = arith.constant 0 : i32
        %dma_start3A_267 = tpu.memref_slice %arg3[%dma_start3A_265, %dma_start3A_266] : memref<20000x128xf32, #tpu.memory_space<hbm>> -> memref<20000x128xf32, #tpu.memory_space<hbm>>
        tpu.enqueue_indirect_dma source(%dma_start3A_267 : memref<20000x128xf32, #tpu.memory_space<hbm>>) target(%dma_start3A_261 : memref<64x128xf32, #tpu.memory_space<vmem>>) offsets(%dma_start3A_264 : memref<64xi32, #tpu.memory_space<vmem>>) semaphore(%arg14 : memref<!tpu.dma_semaphore, #tpu.memory_space<semaphore_mem>>)
      } else {
      }
    }
    %scan3A_155 = arith.constant 160 : i32
    %dma_wait3A_156 = arith.constant 0 : i32
    %dma_wait3A_157 = arith.constant 0 : i32
    %dma_wait3A_158 = arith.constant 0 : i32
    %dma_wait3A_159 = tpu.memref_slice %arg12[%dma_wait3A_156, %dma_wait3A_157, %dma_wait3A_158] : memref<4x64x128xf32, #tpu.memory_space<vmem>> -> memref<1x64x128xf32, #tpu.memory_space<vmem>>
    %dma_wait3A_160 = tpu.memref_squeeze %dma_wait3A_159 : memref<1x64x128xf32, #tpu.memory_space<vmem>> -> memref<64x128xf32, #tpu.memory_space<vmem>>
    %dma_wait3A_161 = arith.constant 0 : i32
    %dma_wait3A_162 = arith.constant 0 : i32
    %dma_wait3A_163 = tpu.memref_slice %arg3[%dma_wait3A_161, %dma_wait3A_162] : memref<20000x128xf32, #tpu.memory_space<hbm>> -> memref<64x128xf32, #tpu.memory_space<hbm>>
    %dma_wait3A_164 = arith.constant 0 : i32
    %dma_wait3A_165 = arith.constant 0 : i32
    %dma_wait3A_166 = tpu.memref_slice %arg12[%dma_wait3A_156, %dma_wait3A_164, %dma_wait3A_165] : memref<4x64x128xf32, #tpu.memory_space<vmem>> -> memref<1x64x128xf32, #tpu.memory_space<vmem>>
    %dma_wait3A_167 = tpu.memref_squeeze %dma_wait3A_166 : memref<1x64x128xf32, #tpu.memory_space<vmem>> -> memref<64x128xf32, #tpu.memory_space<vmem>>
    %dma_wait3A_168 = arith.constant 0 : i32
    %dma_wait3A_169 = arith.constant 0 : i32
    %dma_wait3A_170 = tpu.memref_slice %arg3[%dma_wait3A_168, %dma_wait3A_169] : memref<20000x128xf32, #tpu.memory_space<hbm>> -> memref<64x128xf32, #tpu.memory_space<hbm>>
    tpu.wait_dma2 semaphore(%arg15 : memref<!tpu.dma_semaphore, #tpu.memory_space<semaphore_mem>>) src(%dma_wait3A_170 : memref<64x128xf32, #tpu.memory_space<hbm>>) dst(%dma_wait3A_167 : memref<64x128xf32, #tpu.memory_space<vmem>>)
    %dma_wait3A_171 = arith.constant 0 : i32
    %dma_wait3A_172 = arith.constant 0 : i32
    %dma_wait3A_173 = arith.constant 0 : i32
    %dma_wait3A_174 = tpu.memref_slice %arg12[%dma_wait3A_171, %dma_wait3A_172, %dma_wait3A_173] : memref<4x64x128xf32, #tpu.memory_space<vmem>> -> memref<1x64x128xf32, #tpu.memory_space<vmem>>
    %dma_wait3A_175 = tpu.memref_squeeze %dma_wait3A_174 : memref<1x64x128xf32, #tpu.memory_space<vmem>> -> memref<64x128xf32, #tpu.memory_space<vmem>>
    %dma_wait3A_176 = arith.constant 0 : i32
    %dma_wait3A_177 = arith.constant 0 : i32
    %dma_wait3A_178 = tpu.memref_slice %arg3[%dma_wait3A_176, %dma_wait3A_177] : memref<20000x128xf32, #tpu.memory_space<hbm>> -> memref<64x128xf32, #tpu.memory_space<hbm>>
    %dma_wait3A_179 = arith.constant 0 : i32
    %dma_wait3A_180 = arith.constant 0 : i32
    %dma_wait3A_181 = tpu.memref_slice %arg12[%dma_wait3A_171, %dma_wait3A_179, %dma_wait3A_180] : memref<4x64x128xf32, #tpu.memory_space<vmem>> -> memref<1x64x128xf32, #tpu.memory_space<vmem>>
    %dma_wait3A_182 = tpu.memref_squeeze %dma_wait3A_181 : memref<1x64x128xf32, #tpu.memory_space<vmem>> -> memref<64x128xf32, #tpu.memory_space<vmem>>
    %dma_wait3A_183 = arith.constant 0 : i32
    %dma_wait3A_184 = arith.constant 0 : i32
    %dma_wait3A_185 = tpu.memref_slice %arg3[%dma_wait3A_183, %dma_wait3A_184] : memref<20000x128xf32, #tpu.memory_space<hbm>> -> memref<64x128xf32, #tpu.memory_space<hbm>>
    tpu.wait_dma2 semaphore(%arg15 : memref<!tpu.dma_semaphore, #tpu.memory_space<semaphore_mem>>) src(%dma_wait3A_185 : memref<64x128xf32, #tpu.memory_space<hbm>>) dst(%dma_wait3A_182 : memref<64x128xf32, #tpu.memory_space<vmem>>)
    %barrier3A_186 = arith.constant 0 : index
    tpu.barrier barrier_id(%barrier3A_186)
    %lt3A = arith.constant 15 : i32
    %lt3A_187 = arith.cmpi slt, %arg1, %lt3A : i32
    %convert_element_type3A = arith.extui %lt3A_187 : i1 to i32
    %cond3A = arith.constant 0 : i32
    %cond3A_188 = arith.cmpi ne, %convert_element_type3A, %cond3A : i32
    scf.if %cond3A_188 {
      %mul3A_193 = arith.constant 640 : i32
      %mul3A_194 = arith.muli %arg1, %mul3A_193 : i32
      %mul3A_195 = arith.constant 10000 : i32
      %mul3A_196 = arith.muli %arg0, %mul3A_195 : i32
      %mul3A_197 = arith.constant 640 : i32
      %mul3A_198 = arith.muli %arg1, %mul3A_197 : i32
      %add3A_199 = arith.addi %mul3A_196, %mul3A_198 : i32
      "tpu.region"() ({
        %run_scoped3A_200 = tpu.sem_alloc : memref<!tpu.dma_semaphore, #tpu.memory_space<semaphore_mem>>
        %dma_start3A_201 = arith.constant 0 : i32
        %dma_start3A_202 = tpu.memref_slice %arg9[%add3A_199, %dma_start3A_201] : memref<20000x128xf32, #tpu.memory_space<hbm>> -> memref<640x128xf32, #tpu.memory_space<hbm>>
        %dma_start3A_203 = arith.constant 0 : i32
        %dma_start3A_204 = tpu.memref_slice %arg13[%mul3A_194, %dma_start3A_203] : memref<10112x128xf32, #tpu.memory_space<vmem_shared>> -> memref<640x128xf32, #tpu.memory_space<vmem_shared>>
        tpu.enqueue_dma source(%dma_start3A_204 : memref<640x128xf32, #tpu.memory_space<vmem_shared>>) target(%dma_start3A_202 : memref<640x128xf32, #tpu.memory_space<hbm>>) target_semaphore(%run_scoped3A_200 : memref<!tpu.dma_semaphore, #tpu.memory_space<semaphore_mem>>)
        %dma_wait3A_205 = arith.constant 0 : i32
        %dma_wait3A_206 = tpu.memref_slice %arg9[%add3A_199, %dma_wait3A_205] : memref<20000x128xf32, #tpu.memory_space<hbm>> -> memref<640x128xf32, #tpu.memory_space<hbm>>
        %dma_wait3A_207 = arith.constant 0 : i32
        %dma_wait3A_208 = tpu.memref_slice %arg13[%mul3A_194, %dma_wait3A_207] : memref<10112x128xf32, #tpu.memory_space<vmem_shared>> -> memref<640x128xf32, #tpu.memory_space<vmem_shared>>
        tpu.wait_dma2 semaphore(%run_scoped3A_200 : memref<!tpu.dma_semaphore, #tpu.memory_space<semaphore_mem>>) src(%dma_wait3A_208 : memref<640x128xf32, #tpu.memory_space<vmem_shared>>) dst(%dma_wait3A_206 : memref<640x128xf32, #tpu.memory_space<hbm>>)
        tpu.yield
      }) : () -> ()
    } else {
    }
    %eq3A = arith.constant 15 : i32
    %eq3A_189 = arith.cmpi eq, %arg1, %eq3A : i32
    %convert_element_type3A_190 = arith.extui %eq3A_189 : i1 to i32
    %cond3A_191 = arith.constant 0 : i32
    %cond3A_192 = arith.cmpi ne, %convert_element_type3A_190, %cond3A_191 : i32
    scf.if %cond3A_192 {
      %mul3A_193 = arith.constant 10000 : i32
      %mul3A_194 = arith.muli %arg0, %mul3A_193 : i32
      %add3A_195 = arith.constant 9600 : i32
      %add3A_196 = arith.addi %mul3A_194, %add3A_195 : i32
      "tpu.region"() ({
        %run_scoped3A_197 = tpu.sem_alloc : memref<!tpu.dma_semaphore, #tpu.memory_space<semaphore_mem>>
        %dma_start3A_198 = arith.constant 0 : i32
        %dma_start3A_199 = tpu.memref_slice %arg9[%add3A_196, %dma_start3A_198] : memref<20000x128xf32, #tpu.memory_space<hbm>> -> memref<400x128xf32, #tpu.memory_space<hbm>>
        %dma_start3A_200 = arith.constant 9600 : i32
        %dma_start3A_201 = arith.constant 0 : i32
        %dma_start3A_202 = tpu.memref_slice %arg13[%dma_start3A_200, %dma_start3A_201] : memref<10112x128xf32, #tpu.memory_space<vmem_shared>> -> memref<400x128xf32, #tpu.memory_space<vmem_shared>>
        tpu.enqueue_dma source(%dma_start3A_202 : memref<400x128xf32, #tpu.memory_space<vmem_shared>>) target(%dma_start3A_199 : memref<400x128xf32, #tpu.memory_space<hbm>>) target_semaphore(%run_scoped3A_197 : memref<!tpu.dma_semaphore, #tpu.memory_space<semaphore_mem>>)
        %dma_wait3A_203 = arith.constant 0 : i32
        %dma_wait3A_204 = tpu.memref_slice %arg9[%add3A_196, %dma_wait3A_203] : memref<20000x128xf32, #tpu.memory_space<hbm>> -> memref<400x128xf32, #tpu.memory_space<hbm>>
        %dma_wait3A_205 = arith.constant 9600 : i32
        %dma_wait3A_206 = arith.constant 0 : i32
        %dma_wait3A_207 = tpu.memref_slice %arg13[%dma_wait3A_205, %dma_wait3A_206] : memref<10112x128xf32, #tpu.memory_space<vmem_shared>> -> memref<400x128xf32, #tpu.memory_space<vmem_shared>>
        tpu.wait_dma2 semaphore(%run_scoped3A_197 : memref<!tpu.dma_semaphore, #tpu.memory_space<semaphore_mem>>) src(%dma_wait3A_207 : memref<400x128xf32, #tpu.memory_space<vmem_shared>>) dst(%dma_wait3A_204 : memref<400x128xf32, #tpu.memory_space<hbm>>)
        tpu.yield
      }) : () -> ()
    } else {
    }
    return
  }
}

module attributes {stable_mosaic.version = 14 : i64} {
  func.func @_k2_body(%arg0: i32, %arg1: memref<2000x128xf32, #tpu.memory_space<vmem>>, %arg2: memref<2000x128xf32, #tpu.memory_space<vmem>>, %arg3: memref<2000x128xf32, #tpu.memory_space<vmem>>, %arg4: memref<2000x128xf32, #tpu.memory_space<vmem>>, %arg5: memref<256x512xf32, #tpu.memory_space<vmem>>, %arg6: memref<256x512xf32, #tpu.memory_space<vmem>>, %arg7: memref<512x256xf32, #tpu.memory_space<vmem>>, %arg8: memref<512x256xf32, #tpu.memory_space<vmem>>, %arg9: memref<2000x2x128xf32, #tpu.memory_space<vmem>>, %arg10: memref<2000x2x128xf32, #tpu.memory_space<vmem>>) attributes {dimension_semantics = [#tpu.dimension_semantics<arbitrary>], iteration_bounds = array<i64: 5>, scalar_prefetch = 0 : i64, scratch_operands = 0 : i64, tpu.core_type = #tpu.core_type<tc>, window_params = [{transform_indices = @transform_0, window_bounds = array<i64: 2000, 128>}, {transform_indices = @transform_1, window_bounds = array<i64: 2000, 128>}, {transform_indices = @transform_2, window_bounds = array<i64: 2000, 128>}, {transform_indices = @transform_3, window_bounds = array<i64: 2000, 128>}, {pipeline_mode = #tpu.pipeline_mode<synchronous>, transform_indices = @transform_4, window_bounds = array<i64: 256, 512>}, {pipeline_mode = #tpu.pipeline_mode<synchronous>, transform_indices = @transform_5, window_bounds = array<i64: 256, 512>}, {pipeline_mode = #tpu.pipeline_mode<synchronous>, transform_indices = @transform_6, window_bounds = array<i64: 512, 256>}, {pipeline_mode = #tpu.pipeline_mode<synchronous>, transform_indices = @transform_7, window_bounds = array<i64: 512, 256>}, {transform_indices = @transform_8, window_bounds = array<i64: 2000, 2, 128>}, {transform_indices = @transform_9, window_bounds = array<i64: 2000, 2, 128>}]} {
    %get3A = arith.constant 0 : index
    %get3A_0 = arith.constant 0 : index
    %get3A_1 = vector.load %arg1[%get3A, %get3A_0] : memref<2000x128xf32, #tpu.memory_space<vmem>>, vector<2000x128xf32>
    %get3A_2 = arith.constant 0 : index
    %get3A_3 = arith.constant 0 : index
    %get3A_4 = vector.load %arg5[%get3A_2, %get3A_3] : memref<256x512xf32, #tpu.memory_space<vmem>>, vector<128x512xf32>
    %dot_general3A = arith.constant dense<0.000000e+00> : vector<2000x512xf32>
    %dot_general3A_5 = tpu.matmul %get3A_1, %get3A_4, %dot_general3A {dimension_numbers = #tpu.dot_dimension_numbers<[1], [0], [0], [1], [0, 0, 1, 1], [], []>, transpose_lhs_hint = false} : vector<2000x128xf32>, vector<128x512xf32>, vector<2000x512xf32> -> vector<2000x512xf32>
    %get3A_6 = arith.constant 0 : index
    %get3A_7 = arith.constant 0 : index
    %get3A_8 = vector.load %arg2[%get3A_6, %get3A_7] : memref<2000x128xf32, #tpu.memory_space<vmem>>, vector<2000x128xf32>
    %get3A_9 = arith.constant 128 : index
    %get3A_10 = arith.constant 0 : index
    %get3A_11 = vector.load %arg5[%get3A_9, %get3A_10] : memref<256x512xf32, #tpu.memory_space<vmem>>, vector<128x512xf32>
    %dot_general3A_12 = arith.constant dense<0.000000e+00> : vector<2000x512xf32>
    %dot_general3A_13 = tpu.matmul %get3A_8, %get3A_11, %dot_general3A_12 {dimension_numbers = #tpu.dot_dimension_numbers<[1], [0], [0], [1], [0, 0, 1, 1], [], []>, transpose_lhs_hint = false} : vector<2000x128xf32>, vector<128x512xf32>, vector<2000x512xf32> -> vector<2000x512xf32>
    %add3A = arith.addf %dot_general3A_5, %dot_general3A_13 : vector<2000x512xf32>
    %get3A_14 = arith.constant 0 : index
    %get3A_15 = arith.constant 0 : index
    %get3A_16 = vector.load %arg3[%get3A_14, %get3A_15] : memref<2000x128xf32, #tpu.memory_space<vmem>>, vector<2000x128xf32>
    %get3A_17 = arith.constant 0 : index
    %get3A_18 = arith.constant 0 : index
    %get3A_19 = vector.load %arg6[%get3A_17, %get3A_18] : memref<256x512xf32, #tpu.memory_space<vmem>>, vector<128x512xf32>
    %dot_general3A_20 = arith.constant dense<0.000000e+00> : vector<2000x512xf32>
    %dot_general3A_21 = tpu.matmul %get3A_16, %get3A_19, %dot_general3A_20 {dimension_numbers = #tpu.dot_dimension_numbers<[1], [0], [0], [1], [0, 0, 1, 1], [], []>, transpose_lhs_hint = false} : vector<2000x128xf32>, vector<128x512xf32>, vector<2000x512xf32> -> vector<2000x512xf32>
    %add3A_22 = arith.addf %add3A, %dot_general3A_21 : vector<2000x512xf32>
    %get3A_23 = arith.constant 0 : index
    %get3A_24 = arith.constant 0 : index
    %get3A_25 = vector.load %arg4[%get3A_23, %get3A_24] : memref<2000x128xf32, #tpu.memory_space<vmem>>, vector<2000x128xf32>
    %get3A_26 = arith.constant 128 : index
    %get3A_27 = arith.constant 0 : index
    %get3A_28 = vector.load %arg6[%get3A_26, %get3A_27] : memref<256x512xf32, #tpu.memory_space<vmem>>, vector<128x512xf32>
    %dot_general3A_29 = arith.constant dense<0.000000e+00> : vector<2000x512xf32>
    %dot_general3A_30 = tpu.matmul %get3A_25, %get3A_28, %dot_general3A_29 {dimension_numbers = #tpu.dot_dimension_numbers<[1], [0], [0], [1], [0, 0, 1, 1], [], []>, transpose_lhs_hint = false} : vector<2000x128xf32>, vector<128x512xf32>, vector<2000x512xf32> -> vector<2000x512xf32>
    %add3A_31 = arith.addf %add3A_22, %dot_general3A_30 : vector<2000x512xf32>
    %max3A = arith.constant 0.000000e+00 : f32
    %max3A_32 = vector.broadcast %max3A : f32 to vector<2000x512xf32>
    %max3A_33 = arith.maximumf %add3A_31, %max3A_32 : vector<2000x512xf32>
    %get3A_34 = arith.constant 0 : index
    %get3A_35 = arith.constant 0 : index
    %get3A_36 = vector.load %arg7[%get3A_34, %get3A_35] : memref<512x256xf32, #tpu.memory_space<vmem>>, vector<512x256xf32>
    %dot_general3A_37 = arith.constant dense<0.000000e+00> : vector<2000x256xf32>
    %dot_general3A_38 = tpu.matmul %max3A_33, %get3A_36, %dot_general3A_37 {dimension_numbers = #tpu.dot_dimension_numbers<[1], [0], [0], [1], [0, 0, 1, 1], [], []>, transpose_lhs_hint = false} : vector<2000x512xf32>, vector<512x256xf32>, vector<2000x256xf32> -> vector<2000x256xf32>
    %get3A_39 = arith.constant 0 : index
    %get3A_40 = arith.constant 0 : index
    %get3A_41 = vector.load %arg8[%get3A_39, %get3A_40] : memref<512x256xf32, #tpu.memory_space<vmem>>, vector<512x256xf32>
    %dot_general3A_42 = arith.constant dense<0.000000e+00> : vector<2000x256xf32>
    %dot_general3A_43 = tpu.matmul %max3A_33, %get3A_41, %dot_general3A_42 {dimension_numbers = #tpu.dot_dimension_numbers<[1], [0], [0], [1], [0, 0, 1, 1], [], []>, transpose_lhs_hint = false} : vector<2000x512xf32>, vector<512x256xf32>, vector<2000x256xf32> -> vector<2000x256xf32>
    %slice3A = vector.extract_strided_slice %dot_general3A_38 {offsets = [0, 0], sizes = [2000, 128], strides = [1, 1]} : vector<2000x256xf32> to vector<2000x128xf32>
    %slice3A_44 = vector.extract_strided_slice %dot_general3A_38 {offsets = [0, 128], sizes = [2000, 128], strides = [1, 1]} : vector<2000x256xf32> to vector<2000x128xf32>
    %stack3A = vector.shape_cast %slice3A : vector<2000x128xf32> to vector<2000x1x128xf32>
    %stack3A_45 = vector.shape_cast %slice3A_44 : vector<2000x128xf32> to vector<2000x1x128xf32>
    %stack3A_46 = tpu.concatenate %stack3A, %stack3A_45 in 1 : vector<2000x1x128xf32>, vector<2000x1x128xf32> -> vector<2000x2x128xf32>
    %swap3A = arith.constant 0 : index
    %swap3A_47 = arith.constant 0 : index
    %swap3A_48 = arith.constant 0 : index
    %swap3A_49 = vector.load %arg9[%swap3A, %swap3A_47, %swap3A_48] : memref<2000x2x128xf32, #tpu.memory_space<vmem>>, vector<2000x2x128xf32>
    tpu.vector_store %arg9[%swap3A, %swap3A_47, %swap3A_48], %stack3A_46 {strides = array<i32>} : memref<2000x2x128xf32, #tpu.memory_space<vmem>>, vector<2000x2x128xf32>,
    %slice3A_50 = vector.extract_strided_slice %dot_general3A_43 {offsets = [0, 0], sizes = [2000, 128], strides = [1, 1]} : vector<2000x256xf32> to vector<2000x128xf32>
    %slice3A_51 = vector.extract_strided_slice %dot_general3A_43 {offsets = [0, 128], sizes = [2000, 128], strides = [1, 1]} : vector<2000x256xf32> to vector<2000x128xf32>
    %stack3A_52 = vector.shape_cast %slice3A_50 : vector<2000x128xf32> to vector<2000x1x128xf32>
    %stack3A_53 = vector.shape_cast %slice3A_51 : vector<2000x128xf32> to vector<2000x1x128xf32>
    %stack3A_54 = tpu.concatenate %stack3A_52, %stack3A_53 in 1 : vector<2000x1x128xf32>, vector<2000x1x128xf32> -> vector<2000x2x128xf32>
    %swap3A_55 = arith.constant 0 : index
    %swap3A_56 = arith.constant 0 : index
    %swap3A_57 = arith.constant 0 : index
    %swap3A_58 = vector.load %arg10[%swap3A_55, %swap3A_56, %swap3A_57] : memref<2000x2x128xf32, #tpu.memory_space<vmem>>, vector<2000x2x128xf32>
    tpu.vector_store %arg10[%swap3A_55, %swap3A_56, %swap3A_57], %stack3A_54 {strides = array<i32>} : memref<2000x2x128xf32, #tpu.memory_space<vmem>>, vector<2000x2x128xf32>,
    return
  }
  func.func @transform_0(%arg0: i32) -> (i32, i32) {
    %c0_i32 = arith.constant 0 : i32
    %c0_i32_0 = arith.constant 0 : i32
    return %arg0, %c0_i32 : i32, i32
  }
  func.func @transform_1(%arg0: i32) -> (i32, i32) {
    %add3A = arith.constant 5 : i32
    %add3A_0 = arith.addi %add3A, %arg0 : i32
    %c0_i32 = arith.constant 0 : i32
    %c0_i32_1 = arith.constant 0 : i32
    return %add3A_0, %c0_i32 : i32, i32
  }
  func.func @transform_2(%arg0: i32) -> (i32, i32) {
    %c0_i32 = arith.constant 0 : i32
    %c0_i32_0 = arith.constant 0 : i32
    return %arg0, %c0_i32 : i32, i32
  }
  func.func @transform_3(%arg0: i32) -> (i32, i32) {
    %add3A = arith.constant 5 : i32
    %add3A_0 = arith.addi %add3A, %arg0 : i32
    %c0_i32 = arith.constant 0 : i32
    %c0_i32_1 = arith.constant 0 : i32
    return %add3A_0, %c0_i32 : i32, i32
  }
  func.func @transform_4(%arg0: i32) -> (i32, i32) {
    %c0_i32 = arith.constant 0 : i32
    %c0_i32_0 = arith.constant 0 : i32
    %c0_i32_1 = arith.constant 0 : i32
    return %c0_i32, %c0_i32_0 : i32, i32
  }
  func.func @transform_5(%arg0: i32) -> (i32, i32) {
    %c0_i32 = arith.constant 0 : i32
    %c0_i32_0 = arith.constant 0 : i32
    %c0_i32_1 = arith.constant 0 : i32
    return %c0_i32, %c0_i32_0 : i32, i32
  }
  func.func @transform_6(%arg0: i32) -> (i32, i32) {
    %c0_i32 = arith.constant 0 : i32
    %c0_i32_0 = arith.constant 0 : i32
    %c0_i32_1 = arith.constant 0 : i32
    return %c0_i32, %c0_i32_0 : i32, i32
  }
  func.func @transform_7(%arg0: i32) -> (i32, i32) {
    %c0_i32 = arith.constant 0 : i32
    %c0_i32_0 = arith.constant 0 : i32
    %c0_i32_1 = arith.constant 0 : i32
    return %c0_i32, %c0_i32_0 : i32, i32
  }
  func.func @transform_8(%arg0: i32) -> (i32, i32, i32) {
    %c0_i32 = arith.constant 0 : i32
    %c0_i32_0 = arith.constant 0 : i32
    %c0_i32_1 = arith.constant 0 : i32
    return %arg0, %c0_i32, %c0_i32_0 : i32, i32, i32
  }
  func.func @transform_9(%arg0: i32) -> (i32, i32, i32) {
    %c0_i32 = arith.constant 0 : i32
    %c0_i32_0 = arith.constant 0 : i32
    %c0_i32_1 = arith.constant 0 : i32
    return %arg0, %c0_i32, %c0_i32_0 : i32, i32, i32
  }
}

module attributes {stable_mosaic.version = 14 : i64} {
  func.func @_k4_body(%arg0: i32, %arg1: memref<2000x128xf32, #tpu.memory_space<vmem>>, %arg2: memref<2000x128xf32, #tpu.memory_space<vmem>>, %arg3: memref<1x256xf32, #tpu.memory_space<vmem>>) attributes {dimension_semantics = [#tpu.dimension_semantics<arbitrary>], iteration_bounds = array<i64: 5>, scalar_prefetch = 0 : i64, scratch_operands = 0 : i64, tpu.core_type = #tpu.core_type<tc>, window_params = [{transform_indices = @transform_0, window_bounds = array<i64: 2000, 128>}, {transform_indices = @transform_1, window_bounds = array<i64: 2000, 128>}, {pipeline_mode = #tpu.pipeline_mode<synchronous>, transform_indices = @transform_2, window_bounds = array<i64: 1, 256>}]} {
    %eq3A = arith.constant 0 : i32
    %eq3A_0 = arith.cmpi eq, %arg0, %eq3A : i32
    %convert_element_type3A = arith.extui %eq3A_0 : i1 to i32
    %cond3A = arith.constant 0 : i32
    %cond3A_1 = arith.cmpi ne, %convert_element_type3A, %cond3A : i32
    scf.if %cond3A_1 {
      %broadcast_in_dim3A_22 = arith.constant 0.000000e+00 : f32
      %broadcast_in_dim3A_23 = vector.broadcast %broadcast_in_dim3A_22 : f32 to vector<1x256xf32>
      %swap3A_24 = arith.constant 0 : index
      %swap3A_25 = arith.constant 0 : index
      %swap3A_26 = vector.load %arg3[%swap3A_24, %swap3A_25] : memref<1x256xf32, #tpu.memory_space<vmem>>, vector<1x256xf32>
      tpu.vector_store %arg3[%swap3A_24, %swap3A_25], %broadcast_in_dim3A_23 {strides = array<i32>} : memref<1x256xf32, #tpu.memory_space<vmem>>, vector<1x256xf32>,
    } else {
    }
    %get3A = arith.constant 0 : index
    %get3A_2 = arith.constant 0 : index
    %get3A_3 = vector.load %arg1[%get3A, %get3A_2] : memref<2000x128xf32, #tpu.memory_space<vmem>>, vector<2000x128xf32>
    %max3A = arith.constant 0.000000e+00 : f32
    %max3A_4 = vector.broadcast %max3A : f32 to vector<2000x128xf32>
    %max3A_5 = arith.maximumf %get3A_3, %max3A_4 : vector<2000x128xf32>
    %reduce_sum3A = arith.constant dense<0.000000e+00> : vector<128xf32>
    %reduce_sum3A_6 = vector.multi_reduction <add>, %max3A_5, %reduce_sum3A [0] : vector<2000x128xf32> to vector<128xf32>
    %get3A_7 = arith.constant 0 : index
    %get3A_8 = arith.constant 0 : index
    %get3A_9 = vector.load %arg2[%get3A_7, %get3A_8] : memref<2000x128xf32, #tpu.memory_space<vmem>>, vector<2000x128xf32>
    %max3A_10 = arith.constant 0.000000e+00 : f32
    %max3A_11 = vector.broadcast %max3A_10 : f32 to vector<2000x128xf32>
    %max3A_12 = arith.maximumf %get3A_9, %max3A_11 : vector<2000x128xf32>
    %reduce_sum3A_13 = arith.constant dense<0.000000e+00> : vector<128xf32>
    %reduce_sum3A_14 = vector.multi_reduction <add>, %max3A_12, %reduce_sum3A_13 [0] : vector<2000x128xf32> to vector<128xf32>
    %get3A_15 = arith.constant 0 : index
    %get3A_16 = arith.constant 0 : index
    %get3A_17 = vector.load %arg3[%get3A_15, %get3A_16] : memref<1x256xf32, #tpu.memory_space<vmem>>, vector<1x256xf32>
    %concatenate3A = tpu.concatenate %reduce_sum3A_6, %reduce_sum3A_14 in 0 : vector<128xf32>, vector<128xf32> -> vector<256xf32>
    %broadcast_in_dim3A = vector.shape_cast %concatenate3A : vector<256xf32> to vector<1x256xf32>
    %mul3A = arith.constant 9.99999974E-5 : f32
    %mul3A_18 = vector.broadcast %mul3A : f32 to vector<1x256xf32>
    %mul3A_19 = arith.mulf %broadcast_in_dim3A, %mul3A_18 : vector<1x256xf32>
    %add3A = arith.addf %get3A_17, %mul3A_19 : vector<1x256xf32>
    %swap3A = arith.constant 0 : index
    %swap3A_20 = arith.constant 0 : index
    %swap3A_21 = vector.load %arg3[%swap3A, %swap3A_20] : memref<1x256xf32, #tpu.memory_space<vmem>>, vector<1x256xf32>
    tpu.vector_store %arg3[%swap3A, %swap3A_20], %add3A {strides = array<i32>} : memref<1x256xf32, #tpu.memory_space<vmem>>, vector<1x256xf32>,
    return
  }
  func.func @transform_0(%arg0: i32) -> (i32, i32) {
    %c0_i32 = arith.constant 0 : i32
    %c0_i32_0 = arith.constant 0 : i32
    return %arg0, %c0_i32 : i32, i32
  }
  func.func @transform_1(%arg0: i32) -> (i32, i32) {
    %add3A = arith.constant 5 : i32
    %add3A_0 = arith.addi %add3A, %arg0 : i32
    %c0_i32 = arith.constant 0 : i32
    %c0_i32_1 = arith.constant 0 : i32
    return %add3A_0, %c0_i32 : i32, i32
  }
  func.func @transform_2(%arg0: i32) -> (i32, i32) {
    %c0_i32 = arith.constant 0 : i32
    %c0_i32_0 = arith.constant 0 : i32
    %c0_i32_1 = arith.constant 0 : i32
    return %c0_i32, %c0_i32_0 : i32, i32
  }
}

</mosaic_0001>

<sc_bundles>
// kernel: kernel.6.cloned.1.call-start
scs
__scs_entry_jumppad:
0x0: {  	(pc) =	sbr.rel $0x88, $3  }
0x1: {  	(tag) =	ssettag $0x0;
	lr =	simm.s32 $0x1  }
0x2: {  	[smem:$0x3F9A] =	sst lr;
	_ =	strace $0xD0000000  }
0x3: {  	_ = 	snop  }
0x4: {  	_ = 	snop  }
0x5: {  	_ = 	snop  }
0x6: {  	_ = 	snop  }
0x7: {  	_ = 	snop  }
__scs_overlays_trampoline_lowered:
0x8: {  	[smem:$0x3FA9] =	sst s0  }
0x9: {  	[smem:$0x3FAA] =	sst s1  }
0xa: {  	[smem:$0x3FAB] =	sst s2  }
0xb: {  	[smem:$0x3FAC] =	sst s3  }
0xc: {  	[smem:$0x3FAD] =	sst s4  }
0xd: {  	[smem:$0x3FAE] =	sst s5  }
0xe: {  	[smem:$0x3FAF] =	sst s6  }
0xf: {  	[smem:$0x3FB0] =	sst s7  }
0x10: {  	[smem:$0x3FB1] =	sst s8  }
0x11: {  	[smem:$0x3FB2] =	sst s9;
	s0 =	simm.s32 @!p0 $0x0  }
0x12: {  	s1 =	sld [smem:$0x3F98];
	s0 =	simm.s32 @p0 $0x1  }
0x13: {  	[smem:$0x3FB3] =	sst s0;
	s0 =	simm.s32 @!p1 $0x0  }
0x14: {  	s2 =	sld [smem:$0x3F97];
	s0 =	simm.s32 @p1 $0x1  }
0x15: {  	[smem:$0x3FB4] =	sst s0;
	s0 =	simm.s32 @!p2 $0x0  }
0x16: {  	s3 =	sld [smem:$0x3FDB];
	s0 =	simm.s32 @p2 $0x1  }
0x17: {  	s4 =	simm.s32 $0x1BF5;
	[smem:$0x3FB6] =	sst s0  }
0x18: {  	s0 =	sld [smem:$0x3F99];
	_ =	swait.ge [sflag:s4], $0x0  }
0x19: {  	s7 =	sld [smem:$0x3F9A]  }
0x1a: {  	s8 =	sadd.s32 $0xFFFFE003, lr  }
0x1b: {  	s9 =	sadd.s32 $0xFFFFFEF7, lr;
	s5 =	simm.s32 $0xFFFFFFFF;
	p2 =	slt.u32 s8, $0xFFFFF086  }
0x1c: {  	p1 =	slt.u32 s9, $0xF7A;
	s5 =	simm.s32 @!p2 $0x0  }
0x1d: {  	s5 =	simm.s32 @p1 $0x1;
	p0 =	seq.s32 s7, s2  }
0x1e: {  	s7 =	smul.u32 @!p0 $0xF7A, s2;
	p2 =	seq.s32 @!p0 s5, $0x0  }
0x1f: {  	s9 =	smul.u32 $0xF7A, s1;
	s8 =	simm.s32 @!p0 $0x1BF5;
	p2 =	por !p2, p0  }
0x20: {  	[sflag:s8] =	ssyncset.s32 @!p0 $0xFFFFF086;
	s6 =	sadd.s32 @!p0 s3, s7;
	s7 =	simm.s32 @!p0 $0x108  }
0x21: {  	s3 =	sadd.s32 s3, s9;
	s6 =	sadd.s32 @!p0 $0x88, s6;
	s7 =	simm.s32 @p2 $0x1082  }
0x22: {  	[simem:s7], [sflag:s8] =	dma.local @!p0 [hbm:s6], $0xF7A  }
0x23: {  	s9 =	sor.u32 $0xD0000000, s2;
	s6 =	simm.s32 $0x108;
	_ =	swait.ge @!p0 [sflag:s8], $0x0  }
0x24: {  	s3 =	sadd.s32 $0x88, s3;
	s6 =	simm.s32 @!p1 $0x1082;
	[sflag:s4] =	ssyncset.s32 $0xFFFFF086  }
0x25: {  	[simem:s6], [sflag:s4] =	dma.local [hbm:s3], $0xF7A  }
0x26: {  	[smem:$0x3F9A] =	sst s1;
	(tag) =	ssettag s2;
	_ =	strace s9  }
0x27: {  	s1 =	sld [smem:$0x3FAA]  }
0x28: {  	s2 =	sld [smem:$0x3FAB]  }
0x29: {  	s4 =	sld [smem:$0x3FAD]  }
0x2a: {  	p0 =	seq.s32 s5, $0x0;
	s5 =	sld [smem:$0x3FAE]  }
0x2b: {  	s6 =	sld [smem:$0x3FAF]  }
0x2c: {  	s7 =	sld [smem:$0x3FB0]  }
0x2d: {  	s3 =	simm.s32 $0x108;
	s8 =	sld [smem:$0x3FB1]  }
0x2e: {  	s3 =	simm.s32 @!p0 $0x1082;
	s9 =	sld [smem:$0x3FB2]  }
0x2f: {  	lr =	sadd.s32 s0, s3;
	s0 =	sld [smem:$0x3FA9]  }
0x30: {  	s3 =	sld [smem:$0x3FAC]  }
0x31: {  	[smem:$0x3FB5] =	sst s10  }
0x32: {  	s10 =	sld [smem:$0x3FB3];
	_ =	sdelay $0x3  }
0x33: {  	p0 =	seq.s32 s10, $0x1;
	s10 =	sld [smem:$0x3FB5];
	_ =	sdelay $0x3  }
0x34: {  	[smem:$0x3FB5] =	sst s10  }
0x35: {  	s10 =	sld [smem:$0x3FB4];
	_ =	sdelay $0x3  }
0x36: {  	p1 =	seq.s32 s10, $0x1;
	s10 =	sld [smem:$0x3FB5];
	_ =	sdelay $0x3  }
0x37: {  	[smem:$0x3FB5] =	sst s10  }
0x38: {  	s10 =	sld [smem:$0x3FB6]  }
0x39: {  	_ = 	snop;
	(pc) =	sbr.ind lr, $3  }
0x3a: {  	_ = 	snop  }
0x3b: {  	_ = 	snop  }
0x3c: {  	p2 =	seq.s32 s10, $0x1;
	s10 =	sld [smem:$0x3FB5]  }
0x3d: {  	_ =	shalt  }
0x3e: {  	_ =	shalt  }
0x3f: {  	_ =	shalt  }
0x40: {  	_ =	shalt  }
0x41: {  	_ =	shalt  }
0x42: {  	_ =	shalt  }
0x43: {  	_ =	shalt  }
0x44: {  	_ =	shalt  }
0x45: {  	_ =	shalt  }
0x46: {  	_ =	shalt  }
0x47: {  	_ =	shalt  }
0x48: {  	_ =	shalt  }
0x49: {  	_ =	shalt  }
0x4a: {  	_ =	shalt  }
0x4b: {  	_ =	shalt  }
0x4c: {  	_ =	shalt  }
0x4d: {  	_ =	shalt  }
0x4e: {  	_ =	shalt  }
0x4f: {  	_ =	shalt  }
0x50: {  	_ =	shalt  }
0x51: {  	_ =	shalt  }
0x52: {  	_ =	shalt  }
0x53: {  	_ =	shalt  }
0x54: {  	_ =	shalt  }
0x55: {  	_ =	shalt  }
0x56: {  	_ =	shalt  }
0x57: {  	_ =	shalt  }
0x58: {  	_ =	shalt  }
0x59: {  	_ =	shalt  }
0x5a: {  	_ =	shalt  }
0x5b: {  	_ =	shalt  }
0x5c: {  	_ =	shalt  }
0x5d: {  	_ =	shalt  }
0x5e: {  	_ =	shalt  }
0x5f: {  	_ =	shalt  }
0x60: {  	_ =	shalt  }
0x61: {  	_ =	shalt  }
0x62: {  	_ =	shalt  }
0x63: {  	_ =	shalt  }
0x64: {  	_ =	shalt  }
0x65: {  	_ =	shalt  }
0x66: {  	_ =	shalt  }
0x67: {  	_ =	shalt  }
0x68: {  	_ =	shalt  }
0x69: {  	_ =	shalt  }
0x6a: {  	_ =	shalt  }
0x6b: {  	_ =	shalt  }
0x6c: {  	_ =	shalt  }
0x6d: {  	_ =	shalt  }
0x6e: {  	_ =	shalt  }
0x6f: {  	_ =	shalt  }
0x70: {  	_ =	shalt  }
0x71: {  	_ =	shalt  }
0x72: {  	_ =	shalt  }
0x73: {  	_ =	shalt  }
0x74: {  	_ =	shalt  }
0x75: {  	_ =	shalt  }
0x76: {  	_ =	shalt  }
0x77: {  	_ =	shalt  }
0x78: {  	_ =	shalt  }
0x79: {  	_ =	shalt  }
0x7a: {  	_ =	shalt  }
0x7b: {  	_ =	shalt  }
0x7c: {  	_ =	shalt  }
0x7d: {  	_ =	shalt  }
0x7e: {  	_ =	shalt  }
0x7f: {  	_ =	shalt  }
0x80: {  	_ =	shalt  }
0x81: {  	_ =	shalt  }
0x82: {  	_ =	shalt  }
0x83: {  	_ =	shalt  }
0x84: {  	_ =	shalt  }
0x85: {  	_ =	shalt  }
0x86: {  	_ =	shalt  }
0x87: {  	_ =	shalt  }
.Lfunc_end0:
.L_simem_size_0:
called_computation_lowered:
.L_overlay_start_0:
0x88: {  	s2 =	sld [smem:$0x3FD9]  }
0x89: {  	s3 =	sld [smem:$0x3FFE];
	_ =	sdelay $0x1  }
0x8a: {  	s1 =	srdreg.scid  }
0x8b: {  	s0 =	sand.u32 $0x1, s1  }
0x8c: {  	s16 =	sshll.u32 s0, $0xA;
	s2 =	sadd.s32 s3, s2  }
0x8d: {  	s2 =	sadd.s32 s2, s16  }
0x8e: {  	[smem:$0x3FC1] =	sst s2  }
0x8f: {  	_ = 	snop  }
0x90: {  	(tm) =	ssettm $0x1  }
0x91: {  	s17 =	sld [smem:$0x3FFB];
	_ =	sdelay $0x3  }
0x92: {  	_ =	strace s17  }
0x93: {  	s2 =	sld [smem:$0x3FFC];
	_ =	sdelay $0x3  }
0x94: {  	_ =	strace s2  }
0x95: {  	s2 =	sld [smem:$0x3FFD];
	_ =	sdelay $0x3  }
0x96: {  	_ =	strace s2  }
0x97: {  	_ =	strace $0x8FFFFFFF  }
0x98: {  	s18 =	sld [smem:$0x3FDB];
	_ =	sdelay $0x1  }
0x99: {  	s19 =	simm.s32 $_scs_section_size  }
0x9a: {  	s4 =	simm.s32 $_size__tile_overlayer_lowered;
	s5 =	simm.s32 $_tile_overlayer_lowered  }
0x9b: {  	s22 =	simm.s32 $0x1BFF;
	s21 =	sshll.u32 s5, $0x1;
	s2 =	sadd.s32 s19, s18  }
0x9c: {  	s6 =	simm.s32 $0x0;
	s20 =	sshll.u32 s4, $0x1;
	s4 =	sadd.s32 s21, s2  }
0x9d: {  	[timem:s6], [sflag:s22] =	dma.local [hbm:s4], s20  }
0x9e: {  	_ =	swait.ge [sflag:s22], s20  }
0x9f: {  	s3 =	ssub.s32 $0x0, s20;
	[sflag:s22] =	ssyncset.done $0x0  }
0xa0: {  	[sflag:s22] =	ssyncadd.s32 s3;
	_ =	sdelay $0x1  }
0xa1: {  	s23 =	simm.s32 $0x1B8B  }
0xa2: {  	_ =	swait.ge [sflag:s23], $0x1  }
0xa3: {  	[sflag:s23] =	ssyncset.done $0x0  }
0xa4: {  	s25 =	simm.s32 $0x1B8E;
	s24 =	sld [smem:$0x3FFE];
	[sflag:s23] =	ssyncadd.s32 $0xFFFFFFFF  }
0xa5: {  	s26 =	simm.s32 $execute0_lowered;
	[smem:$0x3FD2] =	sst s25  }
0xa6: {  	s4 =	sshll.u32 s26, $0x1;
	_ =	strace $0x80000046;
	[dreg:$0x1] =	wrdreg $0xFFFFFFFF  }
0xa7: {  	s28 =	simm.s32 $_size_execute0_lowered;
	s2 =	sadd.s32 s2, s4;
	[dreg:$0x0] =	wrdreg $0x0  }
0xa8: {  	s4 =	sshll.u32 s28, $0x1;
	[dreg:$0x2] =	wrdreg s2  }
0xa9: {  	[dreg:$0x3] =	wrdreg s4  }
0xaa: {  	[dreg:$0x4] =	wrdreg $0xC0  }
0xab: {  	_ =	task [dreg:s6], $0x5FFFF  }
0xac: {  	[dreg:$0x1] =	wrdreg $0xFFFFFFFF  }
0xad: {  	[dreg:$0x0] =	wrdreg $0x60  }
0xae: {  	[dreg:$0x2] =	wrdreg s24  }
0xaf: {  	[dreg:$0x3] =	wrdreg $0xC0000  }
0xb0: {  	[dreg:$0x4] =	wrdreg $0x9  }
0xb1: {  	_ =	task.clear_ibuf [dreg:s6], $0x5FFFF;
	_ =	strace $0x90000046  }
0xb2: {  	s29 =	simm.s32 $0x9;
	_ =	strace $0x80000048  }
0xb3: {  	_ =	swait.ge [sflag:s29], $0x1  }
0xb4: {  	[sflag:s29] =	ssyncadd.s32 $0xFFFFFFFF  }
0xb5: {  	_ =	strace $0x90000048  }
0xb6: {  	_ =	sfence  }
0xb7: {  	s30 =	sld [smem:$0x0];
	_ =	sdelay $0x2  }
0xb8: {  	s31 =	sshll.u32 s1, $0xD;
	s1 =	sshrl.u32 s1, $0x2  }
0xb9: {  	s3 =	sand.u32 $0x4000, s31;
	s1 =	sadd.s32 s1, s30  }
0xba: {  	s0 =	sor.u32 s3, s0;
	s1 =	sshll.u32 s1, $0x11  }
0xbb: {  	s0 =	sor.u32 s1, s0  }
0xbc: {  	s0 =	sadd.s32 $0x8F2B, s0  }
0xbd: {  	[sflag:s0] =	ssyncadd.remote.s32 $0x1  }
0xbe: {  	_ =	sfence.sel $0xFFFF  }
0xbf: {  	[dreg:$0x0] =	wrdreg $0xFFFFFFFF;
	(pc) =	sbr.abs _section_cstart, $3  }
0xc0: {  	[dreg:$0x1] =	wrdreg $0xFFFFFFFF  }
0xc1: {  	_ =	task.clear_ibuf [dreg:s6], $0x2FFFF;
	_ =	strace $0x9FFFFFFF  }
0xc2: {  	(tm) =	ssettm $0x7FFFFFFF  }
0xc3: {  	_ =	shalt  }
tec
execute0_lowered:
.L_overlay_start_1:
0x0: {  	(tag) =	ssettag $0x1  }
0x1: {  	s0 =	rddreg [dreg:$0x0]  }
0x2: {  	s1 =	rddreg [dreg:$0x1];
	s2 =	simm.s32 $0x0;
	s20 =	stileid.u32  }
0x3: {  	s9 =	srdreg.scid;
	s28 =	simm.s32 $0x40;
	s3 =	smul.u32 $0x2780, s20  }
0x4: {  	s29 =	simm.s32 $0x4000;
	s30 =	simm.s32 $0x80;
	s11 =	smul.u32 $0x4F000, s20  }
0x5: {  	s31 =	simm.s32 $0x6000;
	s10 =	sand.u32 $0x1, s9;
	s9 =	smul.u32 $0xA0, s20  }
0x6: {  	[smem:$0x7FF] =	sst s2;
	s4 =	sadd.s32 $0x16200, s0;
	s16 =	smul.u32 $0xA00, s20  }
0x7: {  	s5 =	sadd.s32 $0x78400, s0;
	s6 =	sadd.s32 $0x2200, s0;
	s17 =	smul.u32 $0x50000, s20  }
0x8: {  	s7 =	sadd.s32 $0x64400, s0;
	s8 =	sadd.s32 $0xC200, s0;
	s22 =	smul.u32 $0x2800, s20  }
0x9: {  	s14 =	sadd.s32 $0xB3C00, s0;
	s21 =	sshll.u32 s20, $0x6;
	s12 =	smul.u32 $0xA00, s10  }
0xa: {  	s24 =	sadd.s32 $0x12C000, s1;
	p0 =	seq.s32 s20, $0xF;
	s26 =	smul.u32 $0x27100, s10  }
0xb: {  	_ =	strace $0x80000047;
	s13 =	ssub.s32 $0x2, s10;
	s10 =	smul.u32 $0x138800, s10  }
0xc: {  	[dreg:$0x8] =	wrdreg s24;
	s3 =	sadd.s32 s3, s0;
	s15 =	sshrl.u32 s13, $0x1  }
0xd: {  	s11 =	sshrl.u32 s11, $0x2;
	s17 =	sshrl.u32 s17, $0x2;
	s15 =	ssub.s32 s13, s15  }
0xe: {  	s11 =	sadd.s32 s11, s1;
	s12 =	sadd.s32 s9, s12;
	s13 =	sor.u32 $0x1C03, s21  }
0xf: {  	s21 =	sadd.s32 s6, s16;
	s17 =	sadd.s32 s17, s1;
	[dreg:$0x3] =	wrdreg s11  }
0x10: {  	s11 =	sadd.s32 $0x8C400, s3;
	s18 =	sshll.u32 s12, $0x4;
	[dreg:$0x5] =	wrdreg s21  }
0x11: {  	[dreg:$0x6] =	wrdreg s17;
	s3 =	sadd.s32 s22, s26;
	s26 =	sadd.s32 s8, s16  }
0x12: {  	s10 =	sshrl.u32 s10, $0x3;
	s19 =	sadd.s32 s5, s18;
	[dreg:$0xb] =	wrdreg s26  }
0x13: {  	s10 =	sadd.s32 $0x25800, s10;
	s23 =	sadd.s32 s14, s3;
	[dreg:$0x4] =	wrdreg s19  }
0x14: {  	s0 =	sadd.s32 $0x101E00, s0;
	s14 =	sadd.s32 s14, s10;
	[dreg:$0x7] =	wrdreg s23  }
0x15: {  	s24 =	smax.u32 s15, $0x1;
	s25 =	sadd.s32 s7, s18;
	[dreg:$0x9] =	wrdreg s14  }
0x16: {  	s3 =	sadd.s32 s0, s3;
	s26 =	simm.s32 $0x2000;
	[dreg:$0xa] =	wrdreg s25  }
0x17: {  	[dreg:$0xc] =	wrdreg s3;
	s23 =	sadd.s32 s0, s10;
	s25 =	simm.s32 $0x3  }
0x18: {  	s0 =	simm.s32 $0x1;
	s3 =	simm.s32 $0x2;
	s10 =	simm.s32 $0x0  }
.LBB2_1:
0x19: {  	s14 =	rddreg [dreg:$0x3]  }
0x1a: {  	s14 =	sshrl.u32 s14, $0x3  }
0x1b: {  	[spmem:s14], [sflag:s13] =	dma.local [hbm:s11], $0x2780  }
0x1c: {  	_ =	swait.ge [sflag:s25], $0x2780  }
0x1d: {  	[sflag:s25] =	ssyncset.done $0x0  }
0x1e: {  	[sflag:s25] =	ssyncadd.s32 $0xFFFFD880  }
0x1f: {  	[bflag:$0x0] =	sbarrier.arrive $0xFFFF  }
0x20: {  	s15 =	rddreg [dreg:$0x4]  }
0x21: {  	[tilespmem:s2], [sflag:$0x3] =	stream.linear.gather [hbm4b:s15+s2], $0x1000, $0x38;
	[tilespmem:$0x1FC00] =	vst v63  }
0x22: {  	_ =	swait.ge [sflag:s25], $0x1000  }
0x23: {  	[sflag:s25] =	ssyncset.done $0x0  }
0x24: {  	s22 =	rddreg [dreg:$0x5];
	[sflag:s25] =	ssyncadd.s32 $0xFFFFF000  }
0x25: {  	[tilespmem:s26], [sflag:$0x3] =	stream.linear.gather [hbm4b:s22+s2], $0x1000, $0x38;
	[tilespmem:$0x1FC00] =	vst v63  }
0x26: {  	_ =	swait.ge [sflag:s25], $0x1000  }
0x27: {  	[sflag:s25] =	ssyncset.done $0x0  }
0x28: {  	[sflag:s25] =	ssyncadd.s32 $0xFFFFF000  }
0x29: {  	[tilespmem:s29], [sflag:$0x1] =	stream.indirect.gather [hbm4b:s4+s28], $0x80, s2, s28, $0xb8;
	[tilespmem:$0x1FC00] =	vst v63  }
0x2a: {  	s16 =	simm.s32 $0x10000;
	s17 =	simm.s32 $0x0;
	s15 =	simm.s32 $0x400  }
0x2b: {  	[tilespmem:s31], [sflag:$0x1] =	stream.indirect.gather [hbm4b:s4+s28], $0x80, s30, s28, $0xb8;
	[tilespmem:$0x1FC00] =	vst v63  }
.LBB2_2:
0x2c: {  	s18 =	sand.u32 $0x9F, s17  }
0x2d: {  	p1 =	sne.s32 s18, $0x0  }
0x2e: {  	s18 =	sshrl.u32 @!p1 s17, $0x5  }
0x2f: {  	s18 =	sadd.s32 @!p1 $0x1, s18  }
0x30: {  	s19 =	sshll.u32 @!p1 s18, $0x5  }
0x31: {  	s20 =	sadd.s32 @!p1 s12, s19  }
0x32: {  	s18 =	sshll.u32 @!p1 s18, $0xC;
	s20 =	sshll.u32 @!p1 s20, $0x4  }
0x33: {  	s21 =	simm.s32 @!p1 $0x0;
	s18 =	sand.u32 @!p1 $0x1000, s18;
	s20 =	sadd.s32 @!p1 s5, s20  }
0x34: {  	[tilespmem:s18], [sflag:$0x3] =	stream.linear.gather @!p1 [hbm4b:s20+s21], $0x1000, $0x38;
	[tilespmem:$0x1FC00] =	vst v63  }
0x35: {  	s20 =	simm.s32 @!p1 $0x3  }
0x36: {  	s19 =	sadd.s32 @!p1 s9, s19;
	_ =	swait.ge @!p1 [sflag:s20], $0x1000  }
0x37: {  	s19 =	sshll.u32 @!p1 s19, $0x4;
	[sflag:s20] =	ssyncset.done @!p1 $0x0  }
0x38: {  	s19 =	sadd.s32 @!p1 s6, s19;
	s18 =	sor.u32 @!p1 $0x2000, s18;
	[sflag:s20] =	ssyncadd.s32 @!p1 $0xFFFFF000  }
0x39: {  	[tilespmem:s18], [sflag:$0x3] =	stream.linear.gather @!p1 [hbm4b:s19+s21], $0x1000, $0x38;
	[tilespmem:$0x1FC00] =	vst v63  }
0x3a: {  	_ =	swait.ge @!p1 [sflag:s20], $0x1000  }
0x3b: {  	s22 =	sadd.s32 $0xFFFFFC00, s15;
	[sflag:s20] =	ssyncset.done @!p1 $0x0  }
0x3c: {  	s21 =	sadd.s32 $0xFFFF0000, s16;
	s19 =	sand.u32 $0x7E00, s22;
	[sflag:s20] =	ssyncadd.s32 @!p1 $0xFFFFF000  }
0x3d: {  	s18 =	sand.u32 $0x18000, s21;
	s19 =	sshrl.u32 s19, $0x2;
	_ =	swait.ge [sflag:s0], $0x2000  }
0x3e: {  	s18 =	sshrl.u32 s18, $0x2;
	s19 =	sor.u32 $0x2000, s19;
	[sflag:s0] =	ssyncset.done $0x0  }
0x3f: {  	s18 =	sadd.s32 $0x4000, s18;
	p1 =	slt.u32 s17, $0x2;
	[sflag:s0] =	ssyncadd.s32 $0xFFFFE000  }
0x40: {  	[spmem:s1] =	stream.indirect.scatter.add.f32 [tilespmem:s18], [sflag:$0x2], $0x80, s19, s28, $0xb8;
	[tilespmem:$0x1FC00] =	vst v63  }
0x41: {  	s18 =	simm.s32 @!p1 $0x2  }
0x42: {  	_ =	swait.ge @!p1 [sflag:s18], $0x2000  }
0x43: {  	p2 =	sgt.u32 @!p1 s17, $0x9D;
	s17 =	sadd.s32 $0x1, s17;
	[sflag:s18] =	ssyncset.done @!p1 $0x0  }
0x44: {  	p2 =	por p1, !p2;
	[sflag:s18] =	ssyncadd.s32 @!p1 $0xFFFFE000;
	p1 =	sne.s32 s17, $0xA0  }
.Ltmp0:
0x45: {  	_ = 	snop;
	(pc) =	sbr.rel @p1 .LBB2_2-.Ltmp0, $4  }
0x46: {  	s18 =	sand.u32 @p2 $0x18000, s16  }
0x47: {  	s19 =	sand.u32 @p2 $0x7E00, s15;
	s15 =	sadd.s32 $0x200, s15;
	s18 =	sshrl.u32 @p2 s18, $0x2  }
0x48: {  	s19 =	sshrl.u32 @p2 s19, $0x2;
	s16 =	sadd.s32 $0x8000, s16;
	s18 =	sadd.s32 @p2 $0x4000, s18  }
0x49: {  	[tilespmem:s18], [sflag:$0x1] =	stream.indirect.gather @p2 [hbm4b:s4+s28], $0x80, s19, s28, $0xb8;
	[tilespmem:$0x1FC00] =	vst v63  }
0x4a: {  	_ =	swait.ge [sflag:s3], $0x2000  }
0x4b: {  	[sflag:s3] =	ssyncset.done $0x0  }
0x4c: {  	[sflag:s3] =	ssyncadd.s32 $0xFFFFE000  }
0x4d: {  	_ =	swait.ge [sflag:s3], $0x2000  }
0x4e: {  	[sflag:s3] =	ssyncset.done $0x0  }
0x4f: {  	[sflag:s3] =	ssyncadd.s32 $0xFFFFE000  }
0x50: {  	[bflag:$0x0] =	sbarrier.arrive $0xFFFF  }
0x51: {  	s15 =	rddreg [dreg:$0x8]  }
0x52: {  	s16 =	rddreg [dreg:$0x9];
	s15 =	sshrl.u32 @p0 s15, $0x3  }
0x53: {  	[hbm:s16], [sflag:s13] =	dma.local @p0 [spmem:s15], $0x1900  }
0x54: {  	s16 =	simm.s32 @p0 $0x3  }
0x55: {  	_ =	swait.ge @p0 [sflag:s16], $0x1900  }
0x56: {  	[sflag:s16] =	ssyncset.done @p0 $0x0  }
0x57: {  	[sflag:s16] =	ssyncadd.s32 @p0 $0xFFFFE700;
	s16 =	rddreg [dreg:$0x6]  }
0x58: {  	s17 =	rddreg [dreg:$0x7];
	s16 =	sshrl.u32 @!p0 s16, $0x3  }
0x59: {  	[hbm:s17], [sflag:s13] =	dma.local @!p0 [spmem:s16], $0x2800  }
0x5a: {  	s17 =	simm.s32 @!p0 $0x3  }
0x5b: {  	_ =	swait.ge @!p0 [sflag:s17], $0x2800  }
0x5c: {  	[sflag:s17] =	ssyncset.done @!p0 $0x0  }
0x5d: {  	[sflag:s17] =	ssyncadd.s32 @!p0 $0xFFFFD800  }
0x5e: {  	[bflag:$0x0] =	sbarrier.arrive $0xFFFF  }
0x5f: {  	[spmem:s14], [sflag:s13] =	dma.local [hbm:s11], $0x2780  }
0x60: {  	_ =	swait.ge [sflag:s25], $0x2780  }
0x61: {  	[sflag:s25] =	ssyncset.done $0x0  }
0x62: {  	[sflag:s25] =	ssyncadd.s32 $0xFFFFD880  }
0x63: {  	[bflag:$0x0] =	sbarrier.arrive $0xFFFF  }
0x64: {  	s14 =	simm.s32 $0x0;
	s21 =	rddreg [dreg:$0xa]  }
0x65: {  	[tilespmem:s14], [sflag:$0x3] =	stream.linear.gather [hbm4b:s21+s14], $0x1000, $0x38;
	[tilespmem:$0x1FC00] =	vst v63  }
0x66: {  	_ =	swait.ge [sflag:s25], $0x1000  }
0x67: {  	[sflag:s25] =	ssyncset.done $0x0  }
0x68: {  	s22 =	rddreg [dreg:$0xb];
	[sflag:s25] =	ssyncadd.s32 $0xFFFFF000  }
0x69: {  	[tilespmem:s26], [sflag:$0x3] =	stream.linear.gather [hbm4b:s22+s14], $0x1000, $0x38;
	[tilespmem:$0x1FC00] =	vst v63  }
0x6a: {  	_ =	swait.ge [sflag:s25], $0x1000  }
0x6b: {  	[sflag:s25] =	ssyncset.done $0x0  }
0x6c: {  	[sflag:s25] =	ssyncadd.s32 $0xFFFFF000  }
0x6d: {  	[tilespmem:s29], [sflag:$0x1] =	stream.indirect.gather [hbm4b:s4+s28], $0x80, s14, s28, $0xb8;
	[tilespmem:$0x1FC00] =	vst v63  }
0x6e: {  	s18 =	simm.s32 $0x10000;
	s17 =	simm.s32 $0x400  }
0x6f: {  	[tilespmem:s31], [sflag:$0x1] =	stream.indirect.gather [hbm4b:s4+s28], $0x80, s30, s28, $0xb8;
	[tilespmem:$0x1FC00] =	vst v63  }
.LBB2_4:
0x70: {  	s19 =	sand.u32 $0x9F, s14  }
0x71: {  	p1 =	sne.s32 s19, $0x0  }
0x72: {  	s19 =	sshrl.u32 @!p1 s14, $0x5  }
0x73: {  	s19 =	sadd.s32 @!p1 $0x1, s19  }
0x74: {  	s20 =	sshll.u32 @!p1 s19, $0x5  }
0x75: {  	s21 =	sadd.s32 @!p1 s12, s20  }
0x76: {  	s19 =	sshll.u32 @!p1 s19, $0xC;
	s21 =	sshll.u32 @!p1 s21, $0x4  }
0x77: {  	s22 =	simm.s32 @!p1 $0x0;
	s19 =	sand.u32 @!p1 $0x1000, s19;
	s21 =	sadd.s32 @!p1 s7, s21  }
0x78: {  	[tilespmem:s19], [sflag:$0x3] =	stream.linear.gather @!p1 [hbm4b:s21+s22], $0x1000, $0x38;
	[tilespmem:$0x1FC00] =	vst v63  }
0x79: {  	s21 =	simm.s32 @!p1 $0x3  }
0x7a: {  	s20 =	sadd.s32 @!p1 s9, s20;
	_ =	swait.ge @!p1 [sflag:s21], $0x1000  }
0x7b: {  	s20 =	sshll.u32 @!p1 s20, $0x4;
	[sflag:s21] =	ssyncset.done @!p1 $0x0  }
0x7c: {  	s20 =	sadd.s32 @!p1 s8, s20;
	s19 =	sor.u32 @!p1 $0x2000, s19;
	[sflag:s21] =	ssyncadd.s32 @!p1 $0xFFFFF000  }
0x7d: {  	[tilespmem:s19], [sflag:$0x3] =	stream.linear.gather @!p1 [hbm4b:s20+s22], $0x1000, $0x38;
	[tilespmem:$0x1FC00] =	vst v63  }
0x7e: {  	_ =	swait.ge @!p1 [sflag:s21], $0x1000  }
0x7f: {  	s22 =	sadd.s32 $0xFFFFFC00, s17;
	[sflag:s21] =	ssyncset.done @!p1 $0x0  }
0x80: {  	s20 =	sand.u32 $0x7E00, s22;
	[sflag:s21] =	ssyncadd.s32 @!p1 $0xFFFFF000;
	s21 =	sadd.s32 $0xFFFF0000, s18  }
0x81: {  	s20 =	sshrl.u32 s20, $0x2;
	s19 =	sand.u32 $0x18000, s21;
	_ =	swait.ge [sflag:s0], $0x2000  }
0x82: {  	s20 =	sor.u32 $0x2000, s20;
	s19 =	sshrl.u32 s19, $0x2;
	[sflag:s0] =	ssyncset.done $0x0  }
0x83: {  	p1 =	slt.u32 s14, $0x2;
	s19 =	sadd.s32 $0x4000, s19;
	[sflag:s0] =	ssyncadd.s32 $0xFFFFE000  }
0x84: {  	[spmem:s1] =	stream.indirect.scatter.add.f32 [tilespmem:s19], [sflag:$0x2], $0x80, s20, s28, $0xb8;
	[tilespmem:$0x1FC00] =	vst v63  }
0x85: {  	s19 =	simm.s32 @!p1 $0x2  }
0x86: {  	_ =	swait.ge @!p1 [sflag:s19], $0x2000  }
0x87: {  	p2 =	sgt.u32 @!p1 s14, $0x9D;
	s14 =	sadd.s32 $0x1, s14;
	[sflag:s19] =	ssyncset.done @!p1 $0x0  }
0x88: {  	p2 =	por p1, !p2;
	[sflag:s19] =	ssyncadd.s32 @!p1 $0xFFFFE000;
	p1 =	sne.s32 s14, $0xA0  }
.Ltmp1:
0x89: {  	_ = 	snop;
	(pc) =	sbr.rel @p1 .LBB2_4-.Ltmp1, $4  }
0x8a: {  	s19 =	sand.u32 @p2 $0x18000, s18  }
0x8b: {  	s20 =	sand.u32 @p2 $0x7E00, s17;
	s17 =	sadd.s32 $0x200, s17;
	s19 =	sshrl.u32 @p2 s19, $0x2  }
0x8c: {  	s20 =	sshrl.u32 @p2 s20, $0x2;
	s18 =	sadd.s32 $0x8000, s18;
	s19 =	sadd.s32 @p2 $0x4000, s19  }
0x8d: {  	[tilespmem:s19], [sflag:$0x1] =	stream.indirect.gather @p2 [hbm4b:s4+s28], $0x80, s20, s28, $0xb8;
	[tilespmem:$0x1FC00] =	vst v63  }
0x8e: {  	_ =	swait.ge [sflag:s3], $0x2000  }
0x8f: {  	[sflag:s3] =	ssyncset.done $0x0  }
0x90: {  	[sflag:s3] =	ssyncadd.s32 $0xFFFFE000  }
0x91: {  	_ =	swait.ge [sflag:s3], $0x2000  }
0x92: {  	[sflag:s3] =	ssyncset.done $0x0  }
0x93: {  	[sflag:s3] =	ssyncadd.s32 $0xFFFFE000  }
0x94: {  	s14 =	simm.s32 @p0 $0x3;
	[bflag:$0x0] =	sbarrier.arrive $0xFFFF  }
0x95: {  	[hbm:s23], [sflag:s13] =	dma.local @p0 [spmem:s15], $0x1900  }
0x96: {  	_ =	swait.ge @p0 [sflag:s14], $0x1900  }
0x97: {  	s10 =	sadd.s32 $0x1, s10;
	[sflag:s14] =	ssyncset.done @p0 $0x0  }
0x98: {  	p1 =	sne.s32 s10, s24;
	[sflag:s14] =	ssyncadd.s32 @p0 $0xFFFFE700;
	s14 =	rddreg [dreg:$0xc]  }
0x99: {  	[hbm:s14], [sflag:s13] =	dma.local @!p0 [spmem:s16], $0x2800  }
.Ltmp2:
0x9a: {  	_ = 	snop;
	(pc) =	sbr.rel @p1 .LBB2_1-.Ltmp2, $4  }
0x9b: {  	s14 =	simm.s32 @!p0 $0x3  }
0x9c: {  	_ =	swait.ge @!p0 [sflag:s14], $0x2800  }
0x9d: {  	[sflag:s14] =	ssyncset.done @!p0 $0x0  }
0x9e: {  	[sflag:s14] =	ssyncadd.s32 @!p0 $0xFFFFD800  }
0x9f: {  	_ =	sfence.sel $0x180000  }
0xa0: {  	[bflag:$0x0] =	sbarrier.arrive $0xFFFF  }
0xa1: {  	_ =	strace $0x90000047  }
0xa2: {  	s0 =	stileid.u32;
	[bflag:$0x2] =	sbarrier.arrive $0xFFFF  }
0xa3: {  	p0 =	sne.s32 s0, $0x0;
	s0 =	rddreg [dreg:$0x2]  }
0xa4: {  	s0 =	sadd.s32 @!p0 $0x100000, s0  }
0xa5: {  	[sflag:s0] =	ssyncadd.tile.s32 @!p0 $0x1;
	_ =	shalt  }
.Lfunc_end2:
_tile_overlayer_lowered:
.L_overlay_start_2:
0xa6: {  	(tag) =	ssettag $0x2  }
0xa7: {  	s0 =	rddreg [dreg:$0x0];
	s2 =	stileid.u32  }
0xa8: {  	s1 =	rddreg [dreg:$0x1];
	p0 =	sne.s32 s2, $0x0  }
0xa9: {  	s3 =	rddreg [dreg:$0x2];
	[bflag:$0x3] =	sbarrier.arrive $0xFFFF;
	s2 =	simm.s32 @!p0 $0x1C03  }
0xaa: {  	[timem:s3], [sflag:s2] =	dma.local @!p0 [hbm:s0], s1  }
0xab: {  	s0 =	simm.s32 @!p0 $0x3  }
0xac: {  	_ =	swait.ge @!p0 [sflag:s0], s1  }
0xad: {  	s1 =	ssub.s32 @!p0 $0x0, s1;
	[sflag:s0] =	ssyncset.done @!p0 $0x0  }
0xae: {  	[sflag:s0] =	ssyncadd.s32 @!p0 s1  }
0xaf: {  	[bflag:$0x3] =	sbarrier.arrive $0xFFFF  }
0xb0: {  	_ =	shalt  }

// kernel: kernel.9.cloned.1.call-start
scs
__scs_entry_jumppad:
0x0: {  	(pc) =	sbr.rel $0x88, $3  }
0x1: {  	(tag) =	ssettag $0x0;
	lr =	simm.s32 $0x1  }
0x2: {  	[smem:$0x3F9A] =	sst lr;
	_ =	strace $0xD0000000  }
0x3: {  	_ = 	snop  }
0x4: {  	_ = 	snop  }
0x5: {  	_ = 	snop  }
0x6: {  	_ = 	snop  }
0x7: {  	_ = 	snop  }
__scs_overlays_trampoline_lowered:
0x8: {  	[smem:$0x3FA9] =	sst s0  }
0x9: {  	[smem:$0x3FAA] =	sst s1  }
0xa: {  	[smem:$0x3FAB] =	sst s2  }
0xb: {  	[smem:$0x3FAC] =	sst s3  }
0xc: {  	[smem:$0x3FAD] =	sst s4  }
0xd: {  	[smem:$0x3FAE] =	sst s5  }
0xe: {  	[smem:$0x3FAF] =	sst s6  }
0xf: {  	[smem:$0x3FB0] =	sst s7  }
0x10: {  	[smem:$0x3FB1] =	sst s8  }
0x11: {  	[smem:$0x3FB2] =	sst s9;
	s0 =	simm.s32 @!p0 $0x0  }
0x12: {  	s1 =	sld [smem:$0x3F98];
	s0 =	simm.s32 @p0 $0x1  }
0x13: {  	[smem:$0x3FB3] =	sst s0;
	s0 =	simm.s32 @!p1 $0x0  }
0x14: {  	s2 =	sld [smem:$0x3F97];
	s0 =	simm.s32 @p1 $0x1  }
0x15: {  	[smem:$0x3FB4] =	sst s0;
	s0 =	simm.s32 @!p2 $0x0  }
0x16: {  	s3 =	sld [smem:$0x3FDB];
	s0 =	simm.s32 @p2 $0x1  }
0x17: {  	s4 =	simm.s32 $0x1BF5;
	[smem:$0x3FB6] =	sst s0  }
0x18: {  	s0 =	sld [smem:$0x3F99];
	_ =	swait.ge [sflag:s4], $0x0  }
0x19: {  	s7 =	sld [smem:$0x3F9A]  }
0x1a: {  	s8 =	sadd.s32 $0xFFFFE003, lr  }
0x1b: {  	s9 =	sadd.s32 $0xFFFFFEF7, lr;
	s5 =	simm.s32 $0xFFFFFFFF;
	p2 =	slt.u32 s8, $0xFFFFF086  }
0x1c: {  	p1 =	slt.u32 s9, $0xF7A;
	s5 =	simm.s32 @!p2 $0x0  }
0x1d: {  	s5 =	simm.s32 @p1 $0x1;
	p0 =	seq.s32 s7, s2  }
0x1e: {  	s7 =	smul.u32 @!p0 $0xF7A, s2;
	p2 =	seq.s32 @!p0 s5, $0x0  }
0x1f: {  	s9 =	smul.u32 $0xF7A, s1;
	s8 =	simm.s32 @!p0 $0x1BF5;
	p2 =	por !p2, p0  }
0x20: {  	[sflag:s8] =	ssyncset.s32 @!p0 $0xFFFFF086;
	s6 =	sadd.s32 @!p0 s3, s7;
	s7 =	simm.s32 @!p0 $0x108  }
0x21: {  	s3 =	sadd.s32 s3, s9;
	s6 =	sadd.s32 @!p0 $0x88, s6;
	s7 =	simm.s32 @p2 $0x1082  }
0x22: {  	[simem:s7], [sflag:s8] =	dma.local @!p0 [hbm:s6], $0xF7A  }
0x23: {  	s9 =	sor.u32 $0xD0000000, s2;
	s6 =	simm.s32 $0x108;
	_ =	swait.ge @!p0 [sflag:s8], $0x0  }
0x24: {  	s3 =	sadd.s32 $0x88, s3;
	s6 =	simm.s32 @!p1 $0x1082;
	[sflag:s4] =	ssyncset.s32 $0xFFFFF086  }
0x25: {  	[simem:s6], [sflag:s4] =	dma.local [hbm:s3], $0xF7A  }
0x26: {  	[smem:$0x3F9A] =	sst s1;
	(tag) =	ssettag s2;
	_ =	strace s9  }
0x27: {  	s1 =	sld [smem:$0x3FAA]  }
0x28: {  	s2 =	sld [smem:$0x3FAB]  }
0x29: {  	s4 =	sld [smem:$0x3FAD]  }
0x2a: {  	p0 =	seq.s32 s5, $0x0;
	s5 =	sld [smem:$0x3FAE]  }
0x2b: {  	s6 =	sld [smem:$0x3FAF]  }
0x2c: {  	s7 =	sld [smem:$0x3FB0]  }
0x2d: {  	s3 =	simm.s32 $0x108;
	s8 =	sld [smem:$0x3FB1]  }
0x2e: {  	s3 =	simm.s32 @!p0 $0x1082;
	s9 =	sld [smem:$0x3FB2]  }
0x2f: {  	lr =	sadd.s32 s0, s3;
	s0 =	sld [smem:$0x3FA9]  }
0x30: {  	s3 =	sld [smem:$0x3FAC]  }
0x31: {  	[smem:$0x3FB5] =	sst s10  }
0x32: {  	s10 =	sld [smem:$0x3FB3];
	_ =	sdelay $0x3  }
0x33: {  	p0 =	seq.s32 s10, $0x1;
	s10 =	sld [smem:$0x3FB5];
	_ =	sdelay $0x3  }
0x34: {  	[smem:$0x3FB5] =	sst s10  }
0x35: {  	s10 =	sld [smem:$0x3FB4];
	_ =	sdelay $0x3  }
0x36: {  	p1 =	seq.s32 s10, $0x1;
	s10 =	sld [smem:$0x3FB5];
	_ =	sdelay $0x3  }
0x37: {  	[smem:$0x3FB5] =	sst s10  }
0x38: {  	s10 =	sld [smem:$0x3FB6]  }
0x39: {  	_ = 	snop;
	(pc) =	sbr.ind lr, $3  }
0x3a: {  	_ = 	snop  }
0x3b: {  	_ = 	snop  }
0x3c: {  	p2 =	seq.s32 s10, $0x1;
	s10 =	sld [smem:$0x3FB5]  }
0x3d: {  	_ =	shalt  }
0x3e: {  	_ =	shalt  }
0x3f: {  	_ =	shalt  }
0x40: {  	_ =	shalt  }
0x41: {  	_ =	shalt  }
0x42: {  	_ =	shalt  }
0x43: {  	_ =	shalt  }
0x44: {  	_ =	shalt  }
0x45: {  	_ =	shalt  }
0x46: {  	_ =	shalt  }
0x47: {  	_ =	shalt  }
0x48: {  	_ =	shalt  }
0x49: {  	_ =	shalt  }
0x4a: {  	_ =	shalt  }
0x4b: {  	_ =	shalt  }
0x4c: {  	_ =	shalt  }
0x4d: {  	_ =	shalt  }
0x4e: {  	_ =	shalt  }
0x4f: {  	_ =	shalt  }
0x50: {  	_ =	shalt  }
0x51: {  	_ =	shalt  }
0x52: {  	_ =	shalt  }
0x53: {  	_ =	shalt  }
0x54: {  	_ =	shalt  }
0x55: {  	_ =	shalt  }
0x56: {  	_ =	shalt  }
0x57: {  	_ =	shalt  }
0x58: {  	_ =	shalt  }
0x59: {  	_ =	shalt  }
0x5a: {  	_ =	shalt  }
0x5b: {  	_ =	shalt  }
0x5c: {  	_ =	shalt  }
0x5d: {  	_ =	shalt  }
0x5e: {  	_ =	shalt  }
0x5f: {  	_ =	shalt  }
0x60: {  	_ =	shalt  }
0x61: {  	_ =	shalt  }
0x62: {  	_ =	shalt  }
0x63: {  	_ =	shalt  }
0x64: {  	_ =	shalt  }
0x65: {  	_ =	shalt  }
0x66: {  	_ =	shalt  }
0x67: {  	_ =	shalt  }
0x68: {  	_ =	shalt  }
0x69: {  	_ =	shalt  }
0x6a: {  	_ =	shalt  }
0x6b: {  	_ =	shalt  }
0x6c: {  	_ =	shalt  }
0x6d: {  	_ =	shalt  }
0x6e: {  	_ =	shalt  }
0x6f: {  	_ =	shalt  }
0x70: {  	_ =	shalt  }
0x71: {  	_ =	shalt  }
0x72: {  	_ =	shalt  }
0x73: {  	_ =	shalt  }
0x74: {  	_ =	shalt  }
0x75: {  	_ =	shalt  }
0x76: {  	_ =	shalt  }
0x77: {  	_ =	shalt  }
0x78: {  	_ =	shalt  }
0x79: {  	_ =	shalt  }
0x7a: {  	_ =	shalt  }
0x7b: {  	_ =	shalt  }
0x7c: {  	_ =	shalt  }
0x7d: {  	_ =	shalt  }
0x7e: {  	_ =	shalt  }
0x7f: {  	_ =	shalt  }
0x80: {  	_ =	shalt  }
0x81: {  	_ =	shalt  }
0x82: {  	_ =	shalt  }
0x83: {  	_ =	shalt  }
0x84: {  	_ =	shalt  }
0x85: {  	_ =	shalt  }
0x86: {  	_ =	shalt  }
0x87: {  	_ =	shalt  }
.Lfunc_end0:
.L_simem_size_0:
called_computation.1_lowered:
.L_overlay_start_0:
0x88: {  	s2 =	sld [smem:$0x3FD9]  }
0x89: {  	s3 =	sld [smem:$0x3FFE];
	_ =	sdelay $0x1  }
0x8a: {  	s1 =	srdreg.scid  }
0x8b: {  	s0 =	sand.u32 $0x1, s1  }
0x8c: {  	s16 =	sshll.u32 s0, $0xA;
	s2 =	sadd.s32 s3, s2  }
0x8d: {  	s2 =	sadd.s32 s2, s16  }
0x8e: {  	[smem:$0x3FC1] =	sst s2  }
0x8f: {  	_ = 	snop  }
0x90: {  	(tm) =	ssettm $0x1  }
0x91: {  	s17 =	sld [smem:$0x3FFB];
	_ =	sdelay $0x3  }
0x92: {  	_ =	strace s17  }
0x93: {  	s2 =	sld [smem:$0x3FFC];
	_ =	sdelay $0x3  }
0x94: {  	_ =	strace s2  }
0x95: {  	s2 =	sld [smem:$0x3FFD];
	_ =	sdelay $0x3  }
0x96: {  	_ =	strace s2  }
0x97: {  	_ =	strace $0x8FFFFFFF  }
0x98: {  	s18 =	sld [smem:$0x3FDB];
	_ =	sdelay $0x1  }
0x99: {  	s19 =	simm.s32 $_scs_section_size  }
0x9a: {  	s4 =	simm.s32 $_size__tile_overlayer_lowered;
	s5 =	simm.s32 $_tile_overlayer_lowered  }
0x9b: {  	s22 =	simm.s32 $0x1BFF;
	s21 =	sshll.u32 s5, $0x1;
	s2 =	sadd.s32 s19, s18  }
0x9c: {  	s6 =	simm.s32 $0x0;
	s20 =	sshll.u32 s4, $0x1;
	s4 =	sadd.s32 s21, s2  }
0x9d: {  	[timem:s6], [sflag:s22] =	dma.local [hbm:s4], s20  }
0x9e: {  	_ =	swait.ge [sflag:s22], s20  }
0x9f: {  	s3 =	ssub.s32 $0x0, s20;
	[sflag:s22] =	ssyncset.done $0x0  }
0xa0: {  	[sflag:s22] =	ssyncadd.s32 s3;
	_ =	sdelay $0x1  }
0xa1: {  	s23 =	simm.s32 $0x1B8B  }
0xa2: {  	_ =	swait.ge [sflag:s23], $0x1  }
0xa3: {  	[sflag:s23] =	ssyncset.done $0x0  }
0xa4: {  	s25 =	simm.s32 $0x1B8E;
	s24 =	sld [smem:$0x3FFE];
	[sflag:s23] =	ssyncadd.s32 $0xFFFFFFFF  }
0xa5: {  	s26 =	simm.s32 $execute0_lowered;
	[smem:$0x3FD2] =	sst s25  }
0xa6: {  	s4 =	sshll.u32 s26, $0x1;
	_ =	strace $0x80000049;
	[dreg:$0x1] =	wrdreg $0xFFFFFFFF  }
0xa7: {  	s28 =	simm.s32 $_size_execute0_lowered;
	s2 =	sadd.s32 s2, s4;
	[dreg:$0x0] =	wrdreg $0x0  }
0xa8: {  	s4 =	sshll.u32 s28, $0x1;
	[dreg:$0x2] =	wrdreg s2  }
0xa9: {  	[dreg:$0x3] =	wrdreg s4  }
0xaa: {  	[dreg:$0x4] =	wrdreg $0xC0  }
0xab: {  	_ =	task [dreg:s6], $0x5FFFF  }
0xac: {  	[dreg:$0x1] =	wrdreg $0xFFFFFFFF  }
0xad: {  	[dreg:$0x0] =	wrdreg $0x60  }
0xae: {  	[dreg:$0x2] =	wrdreg s24  }
0xaf: {  	[dreg:$0x3] =	wrdreg $0xC0000  }
0xb0: {  	[dreg:$0x4] =	wrdreg $0x9  }
0xb1: {  	_ =	task.clear_ibuf [dreg:s6], $0x5FFFF;
	_ =	strace $0x90000049  }
0xb2: {  	s29 =	simm.s32 $0x9;
	_ =	strace $0x8000004B  }
0xb3: {  	_ =	swait.ge [sflag:s29], $0x1  }
0xb4: {  	[sflag:s29] =	ssyncadd.s32 $0xFFFFFFFF  }
0xb5: {  	_ =	strace $0x9000004B  }
0xb6: {  	_ =	sfence  }
0xb7: {  	s30 =	sld [smem:$0x0];
	_ =	sdelay $0x2  }
0xb8: {  	s31 =	sshll.u32 s1, $0xD;
	s1 =	sshrl.u32 s1, $0x2  }
0xb9: {  	s3 =	sand.u32 $0x4000, s31;
	s1 =	sadd.s32 s1, s30  }
0xba: {  	s0 =	sor.u32 s3, s0;
	s1 =	sshll.u32 s1, $0x11  }
0xbb: {  	s0 =	sor.u32 s1, s0  }
0xbc: {  	s0 =	sadd.s32 $0x8F2B, s0  }
0xbd: {  	[sflag:s0] =	ssyncadd.remote.s32 $0x1  }
0xbe: {  	_ =	sfence.sel $0xFFFF  }
0xbf: {  	[dreg:$0x0] =	wrdreg $0xFFFFFFFF;
	(pc) =	sbr.abs _section_cstart, $3  }
0xc0: {  	[dreg:$0x1] =	wrdreg $0xFFFFFFFF  }
0xc1: {  	_ =	task.clear_ibuf [dreg:s6], $0x2FFFF;
	_ =	strace $0x9FFFFFFF  }
0xc2: {  	(tm) =	ssettm $0x7FFFFFFF  }
0xc3: {  	_ =	shalt  }
tec
execute0_lowered:
.L_overlay_start_1:
0x0: {  	(tag) =	ssettag $0x1  }
0x1: {  	s0 =	rddreg [dreg:$0x0]  }
0x2: {  	s1 =	rddreg [dreg:$0x1]  }
0x3: {  	s2 =	simm.s32 $0x0;
	s19 =	stileid.u32;
	s10 =	srdreg.scid  }
0x4: {  	s28 =	simm.s32 $0x4000;
	s29 =	simm.s32 $0x80;
	s3 =	smul.u32 $0x2780, s19  }
0x5: {  	s30 =	simm.s32 $0x6000;
	s31 =	simm.s32 $0x1;
	s12 =	smul.u32 $0x4F000, s19  }
0x6: {  	[smem:$0x7FF] =	sst s2;
	s11 =	sand.u32 $0x1, s10;
	s10 =	smul.u32 $0xA0, s19  }
0x7: {  	s4 =	sadd.s32 $0x16200, s0;
	s5 =	sadd.s32 $0xB3C00, s0;
	s17 =	smul.u32 $0xA00, s19  }
0x8: {  	s6 =	sadd.s32 $0x78400, s0;
	s7 =	sadd.s32 $0x2200, s0;
	s22 =	smul.u32 $0x50000, s19  }
0x9: {  	s8 =	sadd.s32 $0x64400, s0;
	s9 =	sadd.s32 $0xC200, s0;
	s18 =	smul.u32 $0x2800, s19  }
0xa: {  	s23 =	sshll.u32 s19, $0x6;
	p0 =	seq.s32 s19, $0xF;
	s14 =	smul.u32 $0xA00, s11  }
0xb: {  	_ =	strace $0x8000004A;
	s13 =	ssub.s32 $0x2, s11;
	s24 =	smul.u32 $0x27100, s11  }
0xc: {  	s11 =	smul.u32 $0x138800, s11;
	s3 =	sadd.s32 s3, s0;
	s0 =	sadd.s32 $0x101E00, s0  }
0xd: {  	s15 =	sshrl.u32 s13, $0x1;
	s12 =	sshrl.u32 s12, $0x2;
	s25 =	sadd.s32 s7, s17  }
0xe: {  	s26 =	sadd.s32 s9, s17;
	s15 =	ssub.s32 s13, s15;
	s21 =	sadd.s32 s12, s1  }
0xf: {  	s3 =	sadd.s32 $0x8C400, s3;
	s12 =	sadd.s32 s10, s14;
	[dreg:$0x5] =	wrdreg s25  }
0x10: {  	s13 =	sor.u32 $0x1C03, s23;
	[dreg:$0x7] =	wrdreg s26;
	s14 =	sadd.s32 s18, s24  }
0x11: {  	s11 =	sshrl.u32 s11, $0x3;
	s23 =	simm.s32 $0x2000;
	s26 =	simm.s32 $0x40  }
0x12: {  	[dreg:$0x3] =	wrdreg s3;
	s16 =	sshll.u32 s12, $0x4;
	s3 =	sshrl.u32 s22, $0x2  }
0x13: {  	s14 =	sadd.s32 s0, s14;
	s0 =	sadd.s32 s0, s11;
	s21 =	sshrl.u32 s21, $0x3  }
0x14: {  	s22 =	simm.s32 $0x3;
	s20 =	sadd.s32 s6, s16;
	[dreg:$0x8] =	wrdreg s14  }
0x15: {  	s16 =	sadd.s32 s8, s16;
	s3 =	sadd.s32 s3, s1;
	[dreg:$0x4] =	wrdreg s20  }
0x16: {  	s14 =	sadd.s32 $0x12C000, s1;
	s0 =	sadd.s32 $0x25800, s0;
	[dreg:$0x6] =	wrdreg s16  }
0x17: {  	[dreg:$0x9] =	wrdreg s0;
	s20 =	smax.u32 s15, $0x1;
	s24 =	sshrl.u32 @p0 s14, $0x3  }
0x18: {  	s25 =	sshrl.u32 @!p0 s3, $0x3;
	s0 =	simm.s32 $0x2;
	s3 =	simm.s32 $0x0  }
.LBB2_1:
0x19: {  	s11 =	rddreg [dreg:$0x3]  }
0x1a: {  	[spmem:s21], [sflag:s13] =	dma.local [hbm:s11], $0x2780  }
0x1b: {  	_ =	swait.ge [sflag:s22], $0x2780  }
0x1c: {  	[sflag:s22] =	ssyncset.done $0x0  }
0x1d: {  	[sflag:s22] =	ssyncadd.s32 $0xFFFFD880  }
0x1e: {  	[bflag:$0x0] =	sbarrier.arrive $0xFFFF  }
0x1f: {  	s18 =	rddreg [dreg:$0x4]  }
0x20: {  	[tilespmem:s2], [sflag:$0x3] =	stream.linear.gather [hbm4b:s18+s2], $0x1000, $0x38;
	[tilespmem:$0x1FC00] =	vst v63  }
0x21: {  	_ =	swait.ge [sflag:s22], $0x1000  }
0x22: {  	[sflag:s22] =	ssyncset.done $0x0  }
0x23: {  	s19 =	rddreg [dreg:$0x5];
	[sflag:s22] =	ssyncadd.s32 $0xFFFFF000  }
0x24: {  	[tilespmem:s23], [sflag:$0x3] =	stream.linear.gather [hbm4b:s19+s2], $0x1000, $0x38;
	[tilespmem:$0x1FC00] =	vst v63  }
0x25: {  	_ =	swait.ge [sflag:s22], $0x1000  }
0x26: {  	[sflag:s22] =	ssyncset.done $0x0  }
0x27: {  	[sflag:s22] =	ssyncadd.s32 $0xFFFFF000  }
0x28: {  	[tilespmem:s28], [sflag:$0x1] =	stream.indirect.gather [hbm4b:s4+s26], $0x80, s2, s26, $0xb8;
	[tilespmem:$0x1FC00] =	vst v63  }
0x29: {  	s14 =	simm.s32 $0x10000;
	s15 =	simm.s32 $0x0;
	s11 =	simm.s32 $0x400  }
0x2a: {  	[tilespmem:s30], [sflag:$0x1] =	stream.indirect.gather [hbm4b:s4+s26], $0x80, s29, s26, $0xb8;
	[tilespmem:$0x1FC00] =	vst v63  }
.LBB2_2:
0x2b: {  	s16 =	sand.u32 $0x9F, s15  }
0x2c: {  	p1 =	sne.s32 s16, $0x0  }
0x2d: {  	s16 =	sshrl.u32 @!p1 s15, $0x5  }
0x2e: {  	s16 =	sadd.s32 @!p1 $0x1, s16  }
0x2f: {  	s17 =	sshll.u32 @!p1 s16, $0x5  }
0x30: {  	s18 =	sadd.s32 @!p1 s12, s17  }
0x31: {  	s16 =	sshll.u32 @!p1 s16, $0xC;
	s18 =	sshll.u32 @!p1 s18, $0x4  }
0x32: {  	s19 =	simm.s32 @!p1 $0x0;
	s16 =	sand.u32 @!p1 $0x1000, s16;
	s18 =	sadd.s32 @!p1 s6, s18  }
0x33: {  	[tilespmem:s16], [sflag:$0x3] =	stream.linear.gather @!p1 [hbm4b:s18+s19], $0x1000, $0x38;
	[tilespmem:$0x1FC00] =	vst v63  }
0x34: {  	s18 =	simm.s32 @!p1 $0x3  }
0x35: {  	s17 =	sadd.s32 @!p1 s10, s17;
	_ =	swait.ge @!p1 [sflag:s18], $0x1000  }
0x36: {  	s17 =	sshll.u32 @!p1 s17, $0x4;
	[sflag:s18] =	ssyncset.done @!p1 $0x0  }
0x37: {  	s17 =	sadd.s32 @!p1 s7, s17;
	s16 =	sor.u32 @!p1 $0x2000, s16;
	[sflag:s18] =	ssyncadd.s32 @!p1 $0xFFFFF000  }
0x38: {  	[tilespmem:s16], [sflag:$0x3] =	stream.linear.gather @!p1 [hbm4b:s17+s19], $0x1000, $0x38;
	[tilespmem:$0x1FC00] =	vst v63  }
0x39: {  	_ =	swait.ge @!p1 [sflag:s18], $0x1000  }
0x3a: {  	s19 =	sadd.s32 $0xFFFFFC00, s11;
	[sflag:s18] =	ssyncset.done @!p1 $0x0  }
0x3b: {  	s17 =	sand.u32 $0x7E00, s19;
	[sflag:s18] =	ssyncadd.s32 @!p1 $0xFFFFF000;
	s18 =	sadd.s32 $0xFFFF0000, s14  }
0x3c: {  	s17 =	sshrl.u32 s17, $0x2;
	s16 =	sand.u32 $0x18000, s18;
	_ =	swait.ge [sflag:s31], $0x2000  }
0x3d: {  	s17 =	sor.u32 $0x2000, s17;
	s16 =	sshrl.u32 s16, $0x2;
	[sflag:s31] =	ssyncset.done $0x0  }
0x3e: {  	p1 =	slt.u32 s15, $0x2;
	s16 =	sadd.s32 $0x4000, s16;
	[sflag:s31] =	ssyncadd.s32 $0xFFFFE000  }
0x3f: {  	[spmem:s1] =	stream.indirect.scatter.add.f32 [tilespmem:s16], [sflag:$0x2], $0x80, s17, s26, $0xb8;
	[tilespmem:$0x1FC00] =	vst v63  }
0x40: {  	s16 =	simm.s32 @!p1 $0x2  }
0x41: {  	_ =	swait.ge @!p1 [sflag:s16], $0x2000  }
0x42: {  	p2 =	sgt.u32 @!p1 s15, $0x9D;
	s15 =	sadd.s32 $0x1, s15;
	[sflag:s16] =	ssyncset.done @!p1 $0x0  }
0x43: {  	p2 =	por p1, !p2;
	[sflag:s16] =	ssyncadd.s32 @!p1 $0xFFFFE000;
	p1 =	sne.s32 s15, $0xA0  }
.Ltmp0:
0x44: {  	_ = 	snop;
	(pc) =	sbr.rel @p1 .LBB2_2-.Ltmp0, $4  }
0x45: {  	s16 =	sand.u32 @p2 $0x18000, s14  }
0x46: {  	s17 =	sand.u32 @p2 $0x7E00, s11;
	s11 =	sadd.s32 $0x200, s11;
	s16 =	sshrl.u32 @p2 s16, $0x2  }
0x47: {  	s17 =	sshrl.u32 @p2 s17, $0x2;
	s14 =	sadd.s32 $0x8000, s14;
	s16 =	sadd.s32 @p2 $0x4000, s16  }
0x48: {  	[tilespmem:s16], [sflag:$0x1] =	stream.indirect.gather @p2 [hbm4b:s4+s26], $0x80, s17, s26, $0xb8;
	[tilespmem:$0x1FC00] =	vst v63  }
0x49: {  	_ =	swait.ge [sflag:s0], $0x2000  }
0x4a: {  	[sflag:s0] =	ssyncset.done $0x0  }
0x4b: {  	[sflag:s0] =	ssyncadd.s32 $0xFFFFE000  }
0x4c: {  	_ =	swait.ge [sflag:s0], $0x2000  }
0x4d: {  	[sflag:s0] =	ssyncset.done $0x0  }
0x4e: {  	s11 =	simm.s32 $0x0;
	s14 =	rddreg [dreg:$0x6];
	[sflag:s0] =	ssyncadd.s32 $0xFFFFE000  }
0x4f: {  	[tilespmem:s11], [sflag:$0x3] =	stream.linear.gather [hbm4b:s14+s11], $0x1000, $0x38;
	[tilespmem:$0x1FC00] =	vst v63  }
0x50: {  	_ =	swait.ge [sflag:s22], $0x1000  }
0x51: {  	[sflag:s22] =	ssyncset.done $0x0  }
0x52: {  	s19 =	rddreg [dreg:$0x7];
	[sflag:s22] =	ssyncadd.s32 $0xFFFFF000  }
0x53: {  	[tilespmem:s23], [sflag:$0x3] =	stream.linear.gather [hbm4b:s19+s11], $0x1000, $0x38;
	[tilespmem:$0x1FC00] =	vst v63  }
0x54: {  	_ =	swait.ge [sflag:s22], $0x1000  }
0x55: {  	[sflag:s22] =	ssyncset.done $0x0  }
0x56: {  	[sflag:s22] =	ssyncadd.s32 $0xFFFFF000  }
0x57: {  	[tilespmem:s28], [sflag:$0x1] =	stream.indirect.gather [hbm4b:s5+s26], $0x80, s11, s26, $0xb8;
	[tilespmem:$0x1FC00] =	vst v63  }
0x58: {  	s15 =	simm.s32 $0x10000;
	s14 =	simm.s32 $0x400  }
0x59: {  	[tilespmem:s30], [sflag:$0x1] =	stream.indirect.gather [hbm4b:s5+s26], $0x80, s29, s26, $0xb8;
	[tilespmem:$0x1FC00] =	vst v63  }
.LBB2_4:
0x5a: {  	s16 =	sand.u32 $0x9F, s11  }
0x5b: {  	p1 =	sne.s32 s16, $0x0  }
0x5c: {  	s16 =	sshrl.u32 @!p1 s11, $0x5  }
0x5d: {  	s16 =	sadd.s32 @!p1 $0x1, s16  }
0x5e: {  	s17 =	sshll.u32 @!p1 s16, $0x5  }
0x5f: {  	s18 =	sadd.s32 @!p1 s12, s17  }
0x60: {  	s16 =	sshll.u32 @!p1 s16, $0xC;
	s18 =	sshll.u32 @!p1 s18, $0x4  }
0x61: {  	s19 =	simm.s32 @!p1 $0x0;
	s16 =	sand.u32 @!p1 $0x1000, s16;
	s18 =	sadd.s32 @!p1 s8, s18  }
0x62: {  	[tilespmem:s16], [sflag:$0x3] =	stream.linear.gather @!p1 [hbm4b:s18+s19], $0x1000, $0x38;
	[tilespmem:$0x1FC00] =	vst v63  }
0x63: {  	s18 =	simm.s32 @!p1 $0x3  }
0x64: {  	s17 =	sadd.s32 @!p1 s10, s17;
	_ =	swait.ge @!p1 [sflag:s18], $0x1000  }
0x65: {  	s17 =	sshll.u32 @!p1 s17, $0x4;
	[sflag:s18] =	ssyncset.done @!p1 $0x0  }
0x66: {  	s17 =	sadd.s32 @!p1 s9, s17;
	s16 =	sor.u32 @!p1 $0x2000, s16;
	[sflag:s18] =	ssyncadd.s32 @!p1 $0xFFFFF000  }
0x67: {  	[tilespmem:s16], [sflag:$0x3] =	stream.linear.gather @!p1 [hbm4b:s17+s19], $0x1000, $0x38;
	[tilespmem:$0x1FC00] =	vst v63  }
0x68: {  	_ =	swait.ge @!p1 [sflag:s18], $0x1000  }
0x69: {  	s19 =	sadd.s32 $0xFFFFFC00, s14;
	[sflag:s18] =	ssyncset.done @!p1 $0x0  }
0x6a: {  	s17 =	sand.u32 $0x7E00, s19;
	[sflag:s18] =	ssyncadd.s32 @!p1 $0xFFFFF000;
	s18 =	sadd.s32 $0xFFFF0000, s15  }
0x6b: {  	s17 =	sshrl.u32 s17, $0x2;
	s16 =	sand.u32 $0x18000, s18;
	_ =	swait.ge [sflag:s31], $0x2000  }
0x6c: {  	s17 =	sor.u32 $0x2000, s17;
	s16 =	sshrl.u32 s16, $0x2;
	[sflag:s31] =	ssyncset.done $0x0  }
0x6d: {  	p1 =	slt.u32 s11, $0x2;
	s16 =	sadd.s32 $0x4000, s16;
	[sflag:s31] =	ssyncadd.s32 $0xFFFFE000  }
0x6e: {  	[spmem:s1] =	stream.indirect.scatter.add.f32 [tilespmem:s16], [sflag:$0x2], $0x80, s17, s26, $0xb8;
	[tilespmem:$0x1FC00] =	vst v63  }
0x6f: {  	s16 =	simm.s32 @!p1 $0x2  }
0x70: {  	_ =	swait.ge @!p1 [sflag:s16], $0x2000  }
0x71: {  	p2 =	sgt.u32 @!p1 s11, $0x9D;
	s11 =	sadd.s32 $0x1, s11;
	[sflag:s16] =	ssyncset.done @!p1 $0x0  }
0x72: {  	p2 =	por p1, !p2;
	[sflag:s16] =	ssyncadd.s32 @!p1 $0xFFFFE000;
	p1 =	sne.s32 s11, $0xA0  }
.Ltmp1:
0x73: {  	_ = 	snop;
	(pc) =	sbr.rel @p1 .LBB2_4-.Ltmp1, $4  }
0x74: {  	s16 =	sand.u32 @p2 $0x18000, s15  }
0x75: {  	s17 =	sand.u32 @p2 $0x7E00, s14;
	s14 =	sadd.s32 $0x200, s14;
	s16 =	sshrl.u32 @p2 s16, $0x2  }
0x76: {  	s17 =	sshrl.u32 @p2 s17, $0x2;
	s15 =	sadd.s32 $0x8000, s15;
	s16 =	sadd.s32 @p2 $0x4000, s16  }
0x77: {  	[tilespmem:s16], [sflag:$0x1] =	stream.indirect.gather @p2 [hbm4b:s5+s26], $0x80, s17, s26, $0xb8;
	[tilespmem:$0x1FC00] =	vst v63  }
0x78: {  	_ =	swait.ge [sflag:s0], $0x2000  }
0x79: {  	[sflag:s0] =	ssyncset.done $0x0  }
0x7a: {  	[sflag:s0] =	ssyncadd.s32 $0xFFFFE000  }
0x7b: {  	_ =	swait.ge [sflag:s0], $0x2000  }
0x7c: {  	[sflag:s0] =	ssyncset.done $0x0  }
0x7d: {  	[sflag:s0] =	ssyncadd.s32 $0xFFFFE000  }
0x7e: {  	[bflag:$0x0] =	sbarrier.arrive $0xFFFF  }
0x7f: {  	s11 =	rddreg [dreg:$0x9]  }
0x80: {  	[hbm:s11], [sflag:s13] =	dma.local @p0 [spmem:s24], $0x1900  }
0x81: {  	s11 =	simm.s32 @p0 $0x3  }
0x82: {  	_ =	swait.ge @p0 [sflag:s11], $0x1900  }
0x83: {  	s3 =	sadd.s32 $0x1, s3;
	[sflag:s11] =	ssyncset.done @p0 $0x0  }
0x84: {  	p1 =	sne.s32 s3, s20;
	[sflag:s11] =	ssyncadd.s32 @p0 $0xFFFFE700;
	s11 =	rddreg [dreg:$0x8]  }
0x85: {  	[hbm:s11], [sflag:s13] =	dma.local @!p0 [spmem:s25], $0x2800  }
.Ltmp2:
0x86: {  	_ = 	snop;
	(pc) =	sbr.rel @p1 .LBB2_1-.Ltmp2, $4  }
0x87: {  	s11 =	simm.s32 @!p0 $0x3  }
0x88: {  	_ =	swait.ge @!p0 [sflag:s11], $0x2800  }
0x89: {  	[sflag:s11] =	ssyncset.done @!p0 $0x0  }
0x8a: {  	[sflag:s11] =	ssyncadd.s32 @!p0 $0xFFFFD800  }
0x8b: {  	_ =	sfence.sel $0x180000  }
0x8c: {  	[bflag:$0x0] =	sbarrier.arrive $0xFFFF  }
0x8d: {  	_ =	strace $0x9000004A  }
0x8e: {  	s0 =	stileid.u32;
	[bflag:$0x2] =	sbarrier.arrive $0xFFFF  }
0x8f: {  	p0 =	sne.s32 s0, $0x0;
	s0 =	rddreg [dreg:$0x2]  }
0x90: {  	s0 =	sadd.s32 @!p0 $0x100000, s0  }
0x91: {  	[sflag:s0] =	ssyncadd.tile.s32 @!p0 $0x1;
	_ =	shalt  }
.Lfunc_end2:
_tile_overlayer_lowered:
.L_overlay_start_2:
0x92: {  	(tag) =	ssettag $0x2  }
0x93: {  	s0 =	rddreg [dreg:$0x0];
	s2 =	stileid.u32  }
0x94: {  	s1 =	rddreg [dreg:$0x1];
	p0 =	sne.s32 s2, $0x0  }
0x95: {  	s3 =	rddreg [dreg:$0x2];
	[bflag:$0x3] =	sbarrier.arrive $0xFFFF;
	s2 =	simm.s32 @!p0 $0x1C03  }
0x96: {  	[timem:s3], [sflag:s2] =	dma.local @!p0 [hbm:s0], s1  }
0x97: {  	s0 =	simm.s32 @!p0 $0x3  }
0x98: {  	_ =	swait.ge @!p0 [sflag:s0], s1  }
0x99: {  	s1 =	ssub.s32 @!p0 $0x0, s1;
	[sflag:s0] =	ssyncset.done @!p0 $0x0  }
0x9a: {  	[sflag:s0] =	ssyncadd.s32 @!p0 s1  }
0x9b: {  	[bflag:$0x3] =	sbarrier.arrive $0xFFFF  }
0x9c: {  	_ =	shalt  }

</sc_bundles>
